<compile_context>
chip_gen: v7x
topology: tpu7x:2x2x1
jax: 0.10.2.dev20260603
libtpu: 0.0.44.dev20260713+nightly
codegen_flags: <defaults>
</compile_context>

<pallas_src>
import functools

import jax
import jax.numpy as jnp
from jax import lax
from jax.experimental import pallas as pl
from jax.experimental.pallas import tpu as pltpu
from jax.experimental.pallas import tpu_sc as plsc

NC = 2
NS = 16
CHUNK = 112
NCH0 = 159
NCH1 = 21


def _make_mesh():
    return plsc.VectorSubcoreMesh(core_axis_name="c", subcore_axis_name="s")


def _make_deg_kernel(span, n_pad):
    @functools.partial(
        pl.kernel,
        out_type=jax.ShapeDtypeStruct((NC, NS, span), jnp.float32),
        mesh=_make_mesh(),
        scratch_types=[
            pltpu.VMEM((NCH0, CHUNK), jnp.int32),
            pltpu.VMEM((CHUNK,), jnp.float32),
            pltpu.VMEM((span,), jnp.float32),
            pltpu.VMEM_SHARED((n_pad,), jnp.float32),
            pltpu.SemaphoreType.DMA,
        ],
    )
    def deg_kernel(row_hbm, deg_hbm, idx_v, ones_v, zero_v, deg_sh, sem0):
        cid = lax.axis_index("c")
        sid = lax.axis_index("s")
        nch_my = jnp.where(cid == 0, NCH0, NCH1)
        pltpu.sync_copy(row_hbm.at[cid, sid], idx_v)

        def fill_ones(j, carry):
            ones_v[pl.ds(j * 16, 16)] = jnp.full((16,), 1.0, jnp.float32)
            return carry

        lax.fori_loop(0, CHUNK // 16, fill_ones, 0)

        def fill_zero(j, carry):
            zero_v[pl.ds(j * 16, 16)] = jnp.zeros((16,), jnp.float32)
            return carry

        lax.fori_loop(0, span // 16, fill_zero, 0)
        pltpu.sync_copy(zero_v, deg_sh.at[pl.ds(sid * span, span)])
        plsc.subcore_barrier()

        window = 64

        def body(j, carry):
            pltpu.async_copy(ones_v, deg_sh.at[idx_v.at[j]], sem0, add=True)

            @pl.when(j >= window)
            def _():
                pltpu.make_async_copy(
                    ones_v, deg_sh.at[idx_v.at[j - window]], sem0).wait()

            return carry

        lax.fori_loop(0, nch_my, body, 0)

        def drain(j, carry):
            pltpu.make_async_copy(ones_v, deg_sh.at[idx_v.at[j]], sem0).wait()
            return carry

        lax.fori_loop(jnp.maximum(nch_my - window, 0), nch_my, drain, 0)
        plsc.subcore_barrier()
        pltpu.sync_copy(deg_sh.at[pl.ds(sid * span, span)], deg_hbm.at[cid, sid])

    return deg_kernel


def _make_edge_kernel(span, n_pad, f):
    @functools.partial(
        pl.kernel,
        out_type=jax.ShapeDtypeStruct((NC, NS, span, f), jnp.float32),
        mesh=_make_mesh(),
        scratch_types=[
            pltpu.VMEM((3, CHUNK), jnp.int32),
            pltpu.VMEM((3, CHUNK), jnp.int32),
            pltpu.VMEM((3, CHUNK, f), jnp.float32),
            pltpu.VMEM_SHARED((n_pad, f), jnp.float32),
            pltpu.SemaphoreType.DMA,
            pltpu.SemaphoreType.DMA,
            pltpu.SemaphoreType.DMA,
            pltpu.SemaphoreType.DMA,
            pltpu.SemaphoreType.DMA,
            pltpu.SemaphoreType.DMA,
            pltpu.SemaphoreType.DMA,
            pltpu.SemaphoreType.DMA,
            pltpu.SemaphoreType.DMA,
        ],
    )
    def edge_kernel(y_hbm, col_hbm, row_hbm, out_hbm,
                    cring, rring, buf, tmp_sh,
                    semg0, semg1, semg2, semc0, semc1, semc2,
                    semr0, semr1, semr2):
        cid = lax.axis_index("c")
        sid = lax.axis_index("s")
        nch_my = jnp.where(cid == 0, NCH0, NCH1)

        def fill_zero(t, carry):
            buf[0, t // (f // 16), pl.ds((t % (f // 16)) * 16, 16)] = (
                jnp.zeros((16,), jnp.float32))
            return carry

        lax.fori_loop(0, CHUNK * (f // 16), fill_zero, 0)
        for k in range(span // CHUNK):
            pltpu.sync_copy(
                buf.at[0], tmp_sh.at[pl.ds(sid * span + k * CHUNK, CHUNK)])
        rem = span % CHUNK
        if rem:
            pltpu.sync_copy(
                buf.at[0, pl.ds(0, rem)],
                tmp_sh.at[pl.ds(sid * span + (span // CHUNK) * CHUNK, rem)])
        plsc.subcore_barrier()

        semc = (semc0, semc1, semc2)
        semr = (semr0, semr1, semr2)
        semg = (semg0, semg1, semg2)
        for s in range(3):
            pltpu.async_copy(col_hbm.at[cid, sid, s], cring.at[s], semc[s])
            pltpu.async_copy(row_hbm.at[cid, sid, s], rring.at[s], semr[s])
        for s in range(2):
            pltpu.make_async_copy(
                col_hbm.at[cid, sid, s], cring.at[s], semc[s]).wait()
            pltpu.async_copy(y_hbm.at[cring.at[s]], buf.at[s], semg[s])

        def chunk_step(j, slot):
            nxt = (slot + 2) % 3
            @pl.when(j + 2 < nch_my)
            def _():
                pltpu.make_async_copy(
                    col_hbm.at[cid, sid, j + 2], cring.at[nxt], semc[nxt]).wait()
                pltpu.async_copy(y_hbm.at[cring.at[nxt]], buf.at[nxt], semg[nxt])

            pltpu.make_async_copy(
                y_hbm.at[cring.at[slot]], buf.at[slot], semg[slot]).wait()

            @pl.when(j + 3 < nch_my)
            def _():
                pltpu.async_copy(
                    col_hbm.at[cid, sid, j + 3], cring.at[slot], semc[slot])

            pltpu.make_async_copy(
                row_hbm.at[cid, sid, j], rring.at[slot], semr[slot]).wait()
            pltpu.sync_copy(buf.at[slot], tmp_sh.at[rring.at[slot]], add=True)

            @pl.when(j + 3 < nch_my)
            def _():
                pltpu.async_copy(
                    row_hbm.at[cid, sid, j + 3], rring.at[slot], semr[slot])

        def body(g, carry):
            base = g * 3
            chunk_step(base, 0)
            chunk_step(base + 1, 1)
            chunk_step(base + 2, 2)
            return carry

        lax.fori_loop(0, nch_my // 3, body, 0)
        plsc.subcore_barrier()
        pltpu.sync_copy(tmp_sh.at[pl.ds(sid * span, span)], out_hbm.at[cid, sid])

    return edge_kernel


def _dense_body(x_ref, w_ref, v_ref, dp_ref, y_ref, skip_ref):
    d = dp_ref[0] + dp_ref[1]
    dinv = jnp.where(d > 0, lax.rsqrt(d), 0.0)
    xw = jnp.dot(x_ref[...], w_ref[...], preferred_element_type=jnp.float32)
    y_ref[...] = xw * dinv
    skip_ref[...] = jnp.dot(x_ref[...], v_ref[...], preferred_element_type=jnp.float32)


def _final_body(t_ref, dp_ref, skip_ref, b_ref, o_ref):
    d = dp_ref[0] + dp_ref[1]
    dinv = jnp.where(d > 0, lax.rsqrt(d), 0.0)
    agg = -(t_ref[0] + t_ref[1]) * dinv
    o_ref[...] = jnp.maximum(agg + skip_ref[...] + b_ref[...], 0.0)


def kernel(x, edge_index, W, V, B):
    n, f = x.shape
    e = edge_index.shape[1]

    e0 = NS * NCH0 * CHUNK
    e_pad = e0 + NS * NCH1 * CHUNK
    span = -(-(n + 1) // NS)
    span += (-span) % 8
    n_pad = NS * span
    span_d = span + (-span) % 16
    n_pad_d = NS * span_d

    row = edge_index[0]
    col = edge_index[1]
    pad_rows = n + jnp.arange(e_pad - e, dtype=jnp.int32) % (n_pad - n)
    row_p = jnp.concatenate([row, pad_rows])
    col_p = jnp.concatenate([col, jnp.zeros((e_pad - e,), dtype=jnp.int32)])

    def to_tiles(a, dummy):
        c0 = a[:e0].reshape(NS, NCH0, CHUNK)
        c1 = a[e0:].reshape(NS, NCH1, CHUNK)
        c1 = jnp.concatenate(
            [c1, jnp.broadcast_to(dummy, (NS, NCH0 - NCH1, CHUNK))], axis=1)
        return jnp.stack([c0, c1])

    row_t = to_tiles(row_p, jnp.int32(n))
    col_t = to_tiles(col_p, jnp.int32(0))

    deg_p = _make_deg_kernel(span_d, n_pad_d)(row_t)
    deg_p3 = deg_p.reshape(NC, n_pad_d, 1)

    bn = 2000
    grid = (n // bn,)
    y, skip = pl.pallas_call(
        _dense_body,
        grid=grid,
        in_specs=[
            pl.BlockSpec((bn, f), lambda i: (i, 0)),
            pl.BlockSpec((f, f), lambda i: (0, 0)),
            pl.BlockSpec((f, f), lambda i: (0, 0)),
            pl.BlockSpec((NC, bn, 1), lambda i: (0, i, 0)),
        ],
        out_specs=[pl.BlockSpec((bn, f), lambda i: (i, 0))] * 2,
        out_shape=[jax.ShapeDtypeStruct((n, f), jnp.float32)] * 2,
    )(x, W[0], V[0], deg_p3)

    tmp = _make_edge_kernel(span, n_pad, f)(y, col_t, row_t)
    tmp = tmp.reshape(NC, n_pad, f)

    out = pl.pallas_call(
        _final_body,
        grid=grid,
        in_specs=[
            pl.BlockSpec((NC, bn, f), lambda i: (0, i, 0)),
            pl.BlockSpec((NC, bn, 1), lambda i: (0, i, 0)),
            pl.BlockSpec((bn, f), lambda i: (i, 0)),
            pl.BlockSpec((1, f), lambda i: (0, 0)),
        ],
        out_specs=pl.BlockSpec((bn, f), lambda i: (i, 0)),
        out_shape=jax.ShapeDtypeStruct((n, f), jnp.float32),
    )(tmp, deg_p3, skip, B[0])
    return out

# --- scband reference (transcript-rebuilt; emitter-appended) ---
"""Pipeline reference for scband-armaconv-17789754540044 (READ-ONLY COPY).

The authoritative reference and input builder live on the scoring server;
editing this copy changes nothing except your own understanding.
"""

import jax, jax.numpy as jnp
import numpy as np

N = 10000
E = 320000
F_IN = 128
F_OUT = 128
K = 1


def setup_inputs(seed: int = 0) -> dict:
    key = jax.random.key(seed)
    k1, k2, k3, k4 = jax.random.split(key, 4)
    x = jax.random.normal(k1, (N, F_IN), dtype=jnp.float32)
    edge_index = jax.random.randint(k2, (2, E), 0, N, dtype=jnp.int32)
    glorot = (6.0 / (F_IN + F_OUT)) ** 0.5
    W = jax.random.uniform(k3, (K, F_IN, F_OUT), minval=-glorot, maxval=glorot, dtype=jnp.float32)
    V = jax.random.uniform(k4, (K, F_IN, F_OUT), minval=-glorot, maxval=glorot, dtype=jnp.float32)
    B = jnp.zeros((K, 1, F_OUT), dtype=jnp.float32)
    return {"x": x, "edge_index": edge_index, "W": W, "V": V, "B": B}


def reference(x, edge_index, W, V, B):
    # ARMAConv with num_stacks=K=1, num_layers=T=1, shared_weights=False, dropout=0 (eval mode)
    row = edge_index[0]
    col = edge_index[1]
    n = x.shape[0]
    edge_weight = jnp.ones((edge_index.shape[1],), dtype=x.dtype)
    deg = jax.ops.segment_sum(edge_weight, row, num_segments=n)
    deg_inv = jnp.where(deg > 0, deg ** -0.5, 0.0)
    lap = -deg_inv[row] * edge_weight * deg_inv[col]  # [E]
    x0 = x[None]                                      # [1, N, F_in]
    # t = 0 (single layer)
    out = jnp.matmul(x0, W)                           # [K, N, F_out]
    gathered = out[:, col, :] * lap[None, :, None]    # [K, E, F_out]
    agg = jax.vmap(lambda o: jax.ops.segment_sum(o, row, num_segments=n))(gathered)  # [K, N, F_out]
    skip = jnp.matmul(x0, V)                          # [K, N, F_out]
    out = agg + skip + B
    out = jax.nn.relu(out)
    return out.mean(axis=0)                           # [N, F_out]

if __name__ == "__main__":
    import jax
    _d = setup_inputs()
    print(jax.jit(kernel)(*tuple(_d.values())))

</pallas_src>

<mosaic_0001>
#map = affine_map<(d0, d1) -> (0, 0, 0, 0)>
#map1 = affine_map<(d0, d1) -> (0, 0, 0)>
module attributes {stable_mosaic.version = 14 : i64} {
  func.func @deg_kernel(%arg0: i32, %arg1: i32, %arg2: memref<2x16x159x112xi32, #tpu.memory_space<hbm>>, %arg3: memref<2x16x640xf32, #tpu.memory_space<hbm>>, %arg4: memref<159x112xi32, #tpu.memory_space<vmem>>, %arg5: memref<112xf32, #tpu.memory_space<vmem>>, %arg6: memref<640xf32, #tpu.memory_space<vmem>>, %arg7: memref<10240xf32, #tpu.memory_space<vmem_shared>>, %arg8: memref<!tpu.dma_semaphore, #tpu.memory_space<semaphore_mem>>) attributes {dimension_semantics = [#tpu.dimension_semantics<core_parallel>, #tpu.dimension_semantics<subcore_parallel>], iteration_bounds = array<i64: 2, 16>, scalar_prefetch = 0 : i64, scratch_operands = 5 : i64, tpu.core_type = #tpu.core_type<sc_vector_subcore>, window_params = [{transform_indices = #map}, {transform_indices = #map1}]} {
    %eq3A = arith.constant 0 : i32
    %eq3A_0 = arith.cmpi eq, %arg0, %eq3A : i32
    %jit3A = arith.constant 159 : i32
    %jit3A_1 = arith.constant 21 : i32
    %select_n3A = arith.select %eq3A_0, %jit3A, %jit3A_1 : i32
    "tpu.region"() ({
      %run_scoped3A = tpu.sem_alloc : memref<!tpu.dma_semaphore, #tpu.memory_space<semaphore_mem>>
      %dma_start3A = arith.constant 0 : i32
      %dma_start3A_37 = arith.constant 0 : i32
      %dma_start3A_38 = tpu.memref_slice %arg2[%arg0, %arg1, %dma_start3A, %dma_start3A_37] : memref<2x16x159x112xi32, #tpu.memory_space<hbm>> -> memref<1x1x159x112xi32, #tpu.memory_space<hbm>>
      %dma_start3A_39 = tpu.memref_squeeze %dma_start3A_38 : memref<1x1x159x112xi32, #tpu.memory_space<hbm>> -> memref<159x112xi32, #tpu.memory_space<hbm>>
      %dma_start3A_40 = arith.constant 0 : i32
      %dma_start3A_41 = arith.constant 0 : i32
      %dma_start3A_42 = tpu.memref_slice %arg2[%arg0, %arg1, %dma_start3A_40, %dma_start3A_41] : memref<2x16x159x112xi32, #tpu.memory_space<hbm>> -> memref<1x1x159x112xi32, #tpu.memory_space<hbm>>
      %dma_start3A_43 = tpu.memref_squeeze %dma_start3A_42 : memref<1x1x159x112xi32, #tpu.memory_space<hbm>> -> memref<159x112xi32, #tpu.memory_space<hbm>>
      tpu.enqueue_dma source(%dma_start3A_43 : memref<159x112xi32, #tpu.memory_space<hbm>>) target(%arg4 : memref<159x112xi32, #tpu.memory_space<vmem>>) target_semaphore(%run_scoped3A : memref<!tpu.dma_semaphore, #tpu.memory_space<semaphore_mem>>)
      %dma_wait3A = arith.constant 0 : i32
      %dma_wait3A_44 = arith.constant 0 : i32
      %dma_wait3A_45 = tpu.memref_slice %arg2[%arg0, %arg1, %dma_wait3A, %dma_wait3A_44] : memref<2x16x159x112xi32, #tpu.memory_space<hbm>> -> memref<1x1x159x112xi32, #tpu.memory_space<hbm>>
      %dma_wait3A_46 = tpu.memref_squeeze %dma_wait3A_45 : memref<1x1x159x112xi32, #tpu.memory_space<hbm>> -> memref<159x112xi32, #tpu.memory_space<hbm>>
      %dma_wait3A_47 = arith.constant 0 : i32
      %dma_wait3A_48 = arith.constant 0 : i32
      %dma_wait3A_49 = tpu.memref_slice %arg2[%arg0, %arg1, %dma_wait3A_47, %dma_wait3A_48] : memref<2x16x159x112xi32, #tpu.memory_space<hbm>> -> memref<1x1x159x112xi32, #tpu.memory_space<hbm>>
      %dma_wait3A_50 = tpu.memref_squeeze %dma_wait3A_49 : memref<1x1x159x112xi32, #tpu.memory_space<hbm>> -> memref<159x112xi32, #tpu.memory_space<hbm>>
      tpu.wait_dma2 semaphore(%run_scoped3A : memref<!tpu.dma_semaphore, #tpu.memory_space<semaphore_mem>>) src(%dma_wait3A_50 : memref<159x112xi32, #tpu.memory_space<hbm>>) dst(%arg4 : memref<159x112xi32, #tpu.memory_space<vmem>>)
      tpu.yield
    }) : () -> ()
    %scan3A = arith.constant 0 : i32
    %scan3A_2 = arith.constant 0 : i32
    %scan3A_3 = arith.constant 7 : i32
    %scan3A_4 = arith.addi %scan3A_2, %scan3A_3 : i32
    %scan3A_5 = arith.constant 1 : i32
    scf.for %scan3A_37 = %scan3A_2 to %scan3A_4 step %scan3A_5  : i32 {
      %broadcast_in_dim3A = arith.constant 1.000000e+00 : f32
      %broadcast_in_dim3A_38 = vector.broadcast %broadcast_in_dim3A : f32 to vector<16xf32>
      %mul3A_39 = arith.constant 16 : i32
      %mul3A_40 = arith.muli %scan3A_37, %mul3A_39 : i32
      %swap3A = arith.index_cast %mul3A_40 : i32 to index
      %swap3A_41 = tpu.vector_load %arg5[%swap3A] {strides = array<i32>} : memref<112xf32, #tpu.memory_space<vmem>>, vector<16xf32>,
      %swap3A_42 = vector.shape_cast %swap3A_41 : vector<16xf32> to vector<16xf32>
      %swap3A_43 = vector.shape_cast %broadcast_in_dim3A_38 : vector<16xf32> to vector<16xf32>
      tpu.vector_store %arg5[%swap3A], %swap3A_43 {strides = array<i32>} : memref<112xf32, #tpu.memory_space<vmem>>, vector<16xf32>,
    }
    %scan3A_6 = arith.constant 7 : i32
    %scan3A_7 = arith.constant 0 : i32
    %scan3A_8 = arith.constant 0 : i32
    %scan3A_9 = arith.constant 40 : i32
    %scan3A_10 = arith.addi %scan3A_8, %scan3A_9 : i32
    %scan3A_11 = arith.constant 1 : i32
    scf.for %scan3A_37 = %scan3A_8 to %scan3A_10 step %scan3A_11  : i32 {
      %broadcast_in_dim3A = arith.constant 0.000000e+00 : f32
      %broadcast_in_dim3A_38 = vector.broadcast %broadcast_in_dim3A : f32 to vector<16xf32>
      %mul3A_39 = arith.constant 16 : i32
      %mul3A_40 = arith.muli %scan3A_37, %mul3A_39 : i32
      %swap3A = arith.index_cast %mul3A_40 : i32 to index
      %swap3A_41 = tpu.vector_load %arg6[%swap3A] {strides = array<i32>} : memref<640xf32, #tpu.memory_space<vmem>>, vector<16xf32>,
      %swap3A_42 = vector.shape_cast %swap3A_41 : vector<16xf32> to vector<16xf32>
      %swap3A_43 = vector.shape_cast %broadcast_in_dim3A_38 : vector<16xf32> to vector<16xf32>
      tpu.vector_store %arg6[%swap3A], %swap3A_43 {strides = array<i32>} : memref<640xf32, #tpu.memory_space<vmem>>, vector<16xf32>,
    }
    %scan3A_12 = arith.constant 40 : i32
    %mul3A = arith.constant 640 : i32
    %mul3A_13 = arith.muli %arg1, %mul3A : i32
    "tpu.region"() ({
      %run_scoped3A = tpu.sem_alloc : memref<!tpu.dma_semaphore, #tpu.memory_space<semaphore_mem>>
      %dma_start3A = tpu.memref_slice %arg7[%mul3A_13] : memref<10240xf32, #tpu.memory_space<vmem_shared>> -> memref<640xf32, #tpu.memory_space<vmem_shared>>
      %dma_start3A_37 = tpu.memref_slice %arg7[%mul3A_13] : memref<10240xf32, #tpu.memory_space<vmem_shared>> -> memref<640xf32, #tpu.memory_space<vmem_shared>>
      tpu.enqueue_dma source(%arg6 : memref<640xf32, #tpu.memory_space<vmem>>) target(%dma_start3A_37 : memref<640xf32, #tpu.memory_space<vmem_shared>>) target_semaphore(%run_scoped3A : memref<!tpu.dma_semaphore, #tpu.memory_space<semaphore_mem>>)
      %dma_wait3A = tpu.memref_slice %arg7[%mul3A_13] : memref<10240xf32, #tpu.memory_space<vmem_shared>> -> memref<640xf32, #tpu.memory_space<vmem_shared>>
      %dma_wait3A_38 = tpu.memref_slice %arg7[%mul3A_13] : memref<10240xf32, #tpu.memory_space<vmem_shared>> -> memref<640xf32, #tpu.memory_space<vmem_shared>>
      tpu.wait_dma2 semaphore(%run_scoped3A : memref<!tpu.dma_semaphore, #tpu.memory_space<semaphore_mem>>) src(%arg6 : memref<640xf32, #tpu.memory_space<vmem>>) dst(%dma_wait3A_38 : memref<640xf32, #tpu.memory_space<vmem_shared>>)
      tpu.yield
    }) : () -> ()
    %barrier3A = arith.constant 0 : index
    tpu.barrier barrier_id(%barrier3A)
    %while3A = arith.constant 0 : i32
    %while3A_14 = arith.constant 0 : i32
    %while3A_15 = arith.subi %select_n3A, %while3A_14 : i32
    %while3A_16 = arith.addi %while3A_14, %while3A_15 : i32
    %while3A_17 = arith.constant 1 : i32
    %while3A_18 = arith.divsi %while3A_15, %while3A_17 : i32
    %while3A_19 = arith.muli %while3A_18, %while3A_17 : i32
    %while3A_20 = arith.addi %while3A_14, %while3A_19 : i32
    %while3A_21 = arith.constant 1 : i32
    scf.for %while3A_37 = %while3A_14 to %while3A_20 step %while3A_21  : i32 {
      %dma_start3A = arith.constant 0 : i32
      %dma_start3A_38 = tpu.memref_slice %arg4[%while3A_37, %dma_start3A] : memref<159x112xi32, #tpu.memory_space<vmem>> -> memref<1x112xi32, #tpu.memory_space<vmem>>
      %dma_start3A_39 = tpu.memref_squeeze %dma_start3A_38 : memref<1x112xi32, #tpu.memory_space<vmem>> -> memref<112xi32, #tpu.memory_space<vmem>>
      %dma_start3A_40 = arith.constant 0 : i32
      %dma_start3A_41 = tpu.memref_slice %arg7[%dma_start3A_40] : memref<10240xf32, #tpu.memory_space<vmem_shared>> -> memref<10240xf32, #tpu.memory_space<vmem_shared>>
      tpu.enqueue_indirect_dma source(%arg5 : memref<112xf32, #tpu.memory_space<vmem>>) target(%dma_start3A_41 : memref<10240xf32, #tpu.memory_space<vmem_shared>>) offsets(%dma_start3A_39 : memref<112xi32, #tpu.memory_space<vmem>>) semaphore(%arg8 : memref<!tpu.dma_semaphore, #tpu.memory_space<semaphore_mem>>) {add = true}
      %ge3A = arith.constant 64 : i32
      %ge3A_42 = arith.cmpi sge, %while3A_37, %ge3A : i32
      %convert_element_type3A = arith.extui %ge3A_42 : i1 to i32
      %cond3A = arith.constant 0 : i32
      %cond3A_43 = arith.cmpi ne, %convert_element_type3A, %cond3A : i32
      scf.if %cond3A_43 {
        %sub3A_44 = arith.constant 64 : i32
        %sub3A_45 = arith.subi %while3A_37, %sub3A_44 : i32
        %dma_wait3A = arith.constant 0 : i32
        %dma_wait3A_46 = tpu.memref_slice %arg4[%sub3A_45, %dma_wait3A] : memref<159x112xi32, #tpu.memory_space<vmem>> -> memref<1x112xi32, #tpu.memory_space<vmem>>
        %dma_wait3A_47 = tpu.memref_squeeze %dma_wait3A_46 : memref<1x112xi32, #tpu.memory_space<vmem>> -> memref<112xi32, #tpu.memory_space<vmem>>
        %dma_wait3A_48 = arith.constant 0 : i32
        %dma_wait3A_49 = tpu.memref_slice %arg7[%dma_wait3A_48] : memref<10240xf32, #tpu.memory_space<vmem_shared>> -> memref<10240xf32, #tpu.memory_space<vmem_shared>>
        tpu.wait_indirect_dma semaphore(%arg8 : memref<!tpu.dma_semaphore, #tpu.memory_space<semaphore_mem>>) src(%arg5 : memref<112xf32, #tpu.memory_space<vmem>>) dst(%dma_wait3A_49 : memref<10240xf32, #tpu.memory_space<vmem_shared>>)
      } else {
      }
    }
    %while3A_22 = arith.constant 1 : i32
    scf.for %while3A_37 = %while3A_20 to %while3A_16 step %while3A_22  : i32 {
      %dma_start3A = arith.constant 0 : i32
      %dma_start3A_38 = tpu.memref_slice %arg4[%while3A_37, %dma_start3A] : memref<159x112xi32, #tpu.memory_space<vmem>> -> memref<1x112xi32, #tpu.memory_space<vmem>>
      %dma_start3A_39 = tpu.memref_squeeze %dma_start3A_38 : memref<1x112xi32, #tpu.memory_space<vmem>> -> memref<112xi32, #tpu.memory_space<vmem>>
      %dma_start3A_40 = arith.constant 0 : i32
      %dma_start3A_41 = tpu.memref_slice %arg7[%dma_start3A_40] : memref<10240xf32, #tpu.memory_space<vmem_shared>> -> memref<10240xf32, #tpu.memory_space<vmem_shared>>
      tpu.enqueue_indirect_dma source(%arg5 : memref<112xf32, #tpu.memory_space<vmem>>) target(%dma_start3A_41 : memref<10240xf32, #tpu.memory_space<vmem_shared>>) offsets(%dma_start3A_39 : memref<112xi32, #tpu.memory_space<vmem>>) semaphore(%arg8 : memref<!tpu.dma_semaphore, #tpu.memory_space<semaphore_mem>>) {add = true}
      %ge3A = arith.constant 64 : i32
      %ge3A_42 = arith.cmpi sge, %while3A_37, %ge3A : i32
      %convert_element_type3A = arith.extui %ge3A_42 : i1 to i32
      %cond3A = arith.constant 0 : i32
      %cond3A_43 = arith.cmpi ne, %convert_element_type3A, %cond3A : i32
      scf.if %cond3A_43 {
        %sub3A_44 = arith.constant 64 : i32
        %sub3A_45 = arith.subi %while3A_37, %sub3A_44 : i32
        %dma_wait3A = arith.constant 0 : i32
        %dma_wait3A_46 = tpu.memref_slice %arg4[%sub3A_45, %dma_wait3A] : memref<159x112xi32, #tpu.memory_space<vmem>> -> memref<1x112xi32, #tpu.memory_space<vmem>>
        %dma_wait3A_47 = tpu.memref_squeeze %dma_wait3A_46 : memref<1x112xi32, #tpu.memory_space<vmem>> -> memref<112xi32, #tpu.memory_space<vmem>>
        %dma_wait3A_48 = arith.constant 0 : i32
        %dma_wait3A_49 = tpu.memref_slice %arg7[%dma_wait3A_48] : memref<10240xf32, #tpu.memory_space<vmem_shared>> -> memref<10240xf32, #tpu.memory_space<vmem_shared>>
        tpu.wait_indirect_dma semaphore(%arg8 : memref<!tpu.dma_semaphore, #tpu.memory_space<semaphore_mem>>) src(%arg5 : memref<112xf32, #tpu.memory_space<vmem>>) dst(%dma_wait3A_49 : memref<10240xf32, #tpu.memory_space<vmem_shared>>)
      } else {
      }
    }
    %sub3A = arith.constant 64 : i32
    %sub3A_23 = arith.subi %select_n3A, %sub3A : i32
    %max3A = arith.constant 0 : i32
    %max3A_24 = arith.maxsi %sub3A_23, %max3A : i32
    %while3A_25 = arith.constant 0 : i32
    %while3A_26 = arith.subi %select_n3A, %max3A_24 : i32
    %while3A_27 = arith.addi %max3A_24, %while3A_26 : i32
    %while3A_28 = arith.constant 1 : i32
    %while3A_29 = arith.divsi %while3A_26, %while3A_28 : i32
    %while3A_30 = arith.muli %while3A_29, %while3A_28 : i32
    %while3A_31 = arith.addi %max3A_24, %while3A_30 : i32
    %while3A_32 = arith.constant 1 : i32
    scf.for %while3A_37 = %max3A_24 to %while3A_31 step %while3A_32  : i32 {
      %dma_wait3A = arith.constant 0 : i32
      %dma_wait3A_38 = tpu.memref_slice %arg4[%while3A_37, %dma_wait3A] : memref<159x112xi32, #tpu.memory_space<vmem>> -> memref<1x112xi32, #tpu.memory_space<vmem>>
      %dma_wait3A_39 = tpu.memref_squeeze %dma_wait3A_38 : memref<1x112xi32, #tpu.memory_space<vmem>> -> memref<112xi32, #tpu.memory_space<vmem>>
      %dma_wait3A_40 = arith.constant 0 : i32
      %dma_wait3A_41 = tpu.memref_slice %arg7[%dma_wait3A_40] : memref<10240xf32, #tpu.memory_space<vmem_shared>> -> memref<10240xf32, #tpu.memory_space<vmem_shared>>
      tpu.wait_indirect_dma semaphore(%arg8 : memref<!tpu.dma_semaphore, #tpu.memory_space<semaphore_mem>>) src(%arg5 : memref<112xf32, #tpu.memory_space<vmem>>) dst(%dma_wait3A_41 : memref<10240xf32, #tpu.memory_space<vmem_shared>>)
    }
    %while3A_33 = arith.constant 1 : i32
    scf.for %while3A_37 = %while3A_31 to %while3A_27 step %while3A_33  : i32 {
      %dma_wait3A = arith.constant 0 : i32
      %dma_wait3A_38 = tpu.memref_slice %arg4[%while3A_37, %dma_wait3A] : memref<159x112xi32, #tpu.memory_space<vmem>> -> memref<1x112xi32, #tpu.memory_space<vmem>>
      %dma_wait3A_39 = tpu.memref_squeeze %dma_wait3A_38 : memref<1x112xi32, #tpu.memory_space<vmem>> -> memref<112xi32, #tpu.memory_space<vmem>>
      %dma_wait3A_40 = arith.constant 0 : i32
      %dma_wait3A_41 = tpu.memref_slice %arg7[%dma_wait3A_40] : memref<10240xf32, #tpu.memory_space<vmem_shared>> -> memref<10240xf32, #tpu.memory_space<vmem_shared>>
      tpu.wait_indirect_dma semaphore(%arg8 : memref<!tpu.dma_semaphore, #tpu.memory_space<semaphore_mem>>) src(%arg5 : memref<112xf32, #tpu.memory_space<vmem>>) dst(%dma_wait3A_41 : memref<10240xf32, #tpu.memory_space<vmem_shared>>)
    }
    %barrier3A_34 = arith.constant 0 : index
    tpu.barrier barrier_id(%barrier3A_34)
    %mul3A_35 = arith.constant 640 : i32
    %mul3A_36 = arith.muli %arg1, %mul3A_35 : i32
    "tpu.region"() ({
      %run_scoped3A = tpu.sem_alloc : memref<!tpu.dma_semaphore, #tpu.memory_space<semaphore_mem>>
      %dma_start3A = arith.constant 0 : i32
      %dma_start3A_37 = tpu.memref_slice %arg3[%arg0, %arg1, %dma_start3A] : memref<2x16x640xf32, #tpu.memory_space<hbm>> -> memref<1x1x640xf32, #tpu.memory_space<hbm>>
      %dma_start3A_38 = tpu.memref_squeeze %dma_start3A_37 : memref<1x1x640xf32, #tpu.memory_space<hbm>> -> memref<640xf32, #tpu.memory_space<hbm>>
      %dma_start3A_39 = tpu.memref_slice %arg7[%mul3A_36] : memref<10240xf32, #tpu.memory_space<vmem_shared>> -> memref<640xf32, #tpu.memory_space<vmem_shared>>
      tpu.enqueue_dma source(%dma_start3A_39 : memref<640xf32, #tpu.memory_space<vmem_shared>>) target(%dma_start3A_38 : memref<640xf32, #tpu.memory_space<hbm>>) target_semaphore(%run_scoped3A : memref<!tpu.dma_semaphore, #tpu.memory_space<semaphore_mem>>)
      %dma_wait3A = arith.constant 0 : i32
      %dma_wait3A_40 = tpu.memref_slice %arg3[%arg0, %arg1, %dma_wait3A] : memref<2x16x640xf32, #tpu.memory_space<hbm>> -> memref<1x1x640xf32, #tpu.memory_space<hbm>>
      %dma_wait3A_41 = tpu.memref_squeeze %dma_wait3A_40 : memref<1x1x640xf32, #tpu.memory_space<hbm>> -> memref<640xf32, #tpu.memory_space<hbm>>
      %dma_wait3A_42 = tpu.memref_slice %arg7[%mul3A_36] : memref<10240xf32, #tpu.memory_space<vmem_shared>> -> memref<640xf32, #tpu.memory_space<vmem_shared>>
      tpu.wait_dma2 semaphore(%run_scoped3A : memref<!tpu.dma_semaphore, #tpu.memory_space<semaphore_mem>>) src(%dma_wait3A_42 : memref<640xf32, #tpu.memory_space<vmem_shared>>) dst(%dma_wait3A_41 : memref<640xf32, #tpu.memory_space<hbm>>)
      tpu.yield
    }) : () -> ()
    return
  }
}

#map = affine_map<(d0, d1) -> (0, 0)>
#map1 = affine_map<(d0, d1) -> (0, 0, 0, 0)>
module attributes {stable_mosaic.version = 14 : i64} {
  func.func @edge_kernel(%arg0: i32, %arg1: i32, %arg2: memref<10000x128xf32, #tpu.memory_space<hbm>>, %arg3: memref<2x16x159x112xi32, #tpu.memory_space<hbm>>, %arg4: memref<2x16x159x112xi32, #tpu.memory_space<hbm>>, %arg5: memref<2x16x632x128xf32, #tpu.memory_space<hbm>>, %arg6: memref<3x112xi32, #tpu.memory_space<vmem>>, %arg7: memref<3x112xi32, #tpu.memory_space<vmem>>, %arg8: memref<3x112x128xf32, #tpu.memory_space<vmem>>, %arg9: memref<10112x128xf32, #tpu.memory_space<vmem_shared>>, %arg10: memref<!tpu.dma_semaphore, #tpu.memory_space<semaphore_mem>>, %arg11: memref<!tpu.dma_semaphore, #tpu.memory_space<semaphore_mem>>, %arg12: memref<!tpu.dma_semaphore, #tpu.memory_space<semaphore_mem>>, %arg13: memref<!tpu.dma_semaphore, #tpu.memory_space<semaphore_mem>>, %arg14: memref<!tpu.dma_semaphore, #tpu.memory_space<semaphore_mem>>, %arg15: memref<!tpu.dma_semaphore, #tpu.memory_space<semaphore_mem>>, %arg16: memref<!tpu.dma_semaphore, #tpu.memory_space<semaphore_mem>>, %arg17: memref<!tpu.dma_semaphore, #tpu.memory_space<semaphore_mem>>, %arg18: memref<!tpu.dma_semaphore, #tpu.memory_space<semaphore_mem>>) attributes {dimension_semantics = [#tpu.dimension_semantics<core_parallel>, #tpu.dimension_semantics<subcore_parallel>], iteration_bounds = array<i64: 2, 16>, scalar_prefetch = 0 : i64, scratch_operands = 13 : i64, tpu.core_type = #tpu.core_type<sc_vector_subcore>, window_params = [{transform_indices = #map}, {transform_indices = #map1}, {transform_indices = #map1}, {transform_indices = #map1}]} {
    %eq3A = arith.constant 0 : i32
    %eq3A_0 = arith.cmpi eq, %arg0, %eq3A : i32
    %jit3A = arith.constant 159 : i32
    %jit3A_1 = arith.constant 21 : i32
    %select_n3A = arith.select %eq3A_0, %jit3A, %jit3A_1 : i32
    %scan3A = arith.constant 0 : i32
    %scan3A_2 = arith.constant 0 : i32
    %scan3A_3 = arith.constant 896 : i32
    %scan3A_4 = arith.addi %scan3A_2, %scan3A_3 : i32
    %scan3A_5 = arith.constant 1 : i32
    scf.for %scan3A_198 = %scan3A_2 to %scan3A_4 step %scan3A_5  : i32 {
      %broadcast_in_dim3A = arith.constant 0.000000e+00 : f32
      %broadcast_in_dim3A_199 = vector.broadcast %broadcast_in_dim3A : f32 to vector<16xf32>
      %jit3A_200 = arith.constant 8 : i32
      %div3A_201 = arith.divsi %scan3A_198, %jit3A_200 : i32
      %sign3A_202 = arith.constant 0 : i32
      %sign3A_203 = arith.cmpi sgt, %scan3A_198, %sign3A_202 : i32
      %sign3A_204 = arith.extui %sign3A_203 : i1 to i32
      %sign3A_205 = arith.constant 0 : i32
      %sign3A_206 = arith.cmpi slt, %scan3A_198, %sign3A_205 : i32
      %sign3A_207 = arith.extui %sign3A_206 : i1 to i32
      %sign3A_208 = arith.subi %sign3A_204, %sign3A_207 : i32
      %sign3A_209 = arith.constant 0 : i32
      %sign3A_210 = arith.cmpi sgt, %jit3A_200, %sign3A_209 : i32
      %sign3A_211 = arith.extui %sign3A_210 : i1 to i32
      %sign3A_212 = arith.constant 0 : i32
      %sign3A_213 = arith.cmpi slt, %jit3A_200, %sign3A_212 : i32
      %sign3A_214 = arith.extui %sign3A_213 : i1 to i32
      %sign3A_215 = arith.subi %sign3A_211, %sign3A_214 : i32
      %ne3A_216 = arith.cmpi ne, %sign3A_208, %sign3A_215 : i32
      %rem3A_217 = arith.remsi %scan3A_198, %jit3A_200 : i32
      %ne3A_218 = arith.constant 0 : i32
      %ne3A_219 = arith.cmpi ne, %rem3A_217, %ne3A_218 : i32
      %and3A_220 = arith.andi %ne3A_216, %ne3A_219 : i1
      %sub3A_221 = arith.constant 1 : i32
      %sub3A_222 = arith.subi %div3A_201, %sub3A_221 : i32
      %select_n3A_223 = arith.select %and3A_220, %sub3A_222, %div3A_201 : i32
      %jit3A_224 = arith.constant 8 : i32
      %eq3A_225 = arith.constant 0 : i32
      %eq3A_226 = arith.cmpi eq, %jit3A_224, %eq3A_225 : i32
      %jit3A_227 = arith.constant 1 : i32
      %select_n3A_228 = arith.select %eq3A_226, %jit3A_227, %jit3A_224 : i32
      %rem3A_229 = arith.remsi %scan3A_198, %select_n3A_228 : i32
      %ne3A_230 = arith.constant 0 : i32
      %ne3A_231 = arith.cmpi ne, %rem3A_229, %ne3A_230 : i32
      %lt3A = arith.constant 0 : i32
      %lt3A_232 = arith.cmpi slt, %rem3A_229, %lt3A : i32
      %lt3A_233 = arith.constant 0 : i32
      %lt3A_234 = arith.cmpi slt, %select_n3A_228, %lt3A_233 : i32
      %ne3A_235 = arith.xori %lt3A_232, %lt3A_234 : i1
      %and3A_236 = arith.andi %ne3A_235, %ne3A_231 : i1
      %add3A_237 = arith.addi %rem3A_229, %select_n3A_228 : i32
      %select_n3A_238 = arith.select %and3A_236, %add3A_237, %rem3A_229 : i32
      %mul3A_239 = arith.constant 16 : i32
      %mul3A_240 = arith.muli %select_n3A_238, %mul3A_239 : i32
      %swap3A = arith.constant 0 : i32
      %swap3A_241 = arith.index_cast %swap3A : i32 to index
      %swap3A_242 = arith.index_cast %select_n3A_223 : i32 to index
      %swap3A_243 = arith.index_cast %mul3A_240 : i32 to index
      %swap3A_244 = tpu.vector_load %arg8[%swap3A_241, %swap3A_242, %swap3A_243] {strides = array<i32>} : memref<3x112x128xf32, #tpu.memory_space<vmem>>, vector<1x1x16xf32>,
      %swap3A_245 = vector.shape_cast %swap3A_244 : vector<1x1x16xf32> to vector<16xf32>
      %swap3A_246 = vector.shape_cast %broadcast_in_dim3A_199 : vector<16xf32> to vector<1x1x16xf32>
      tpu.vector_store %arg8[%swap3A_241, %swap3A_242, %swap3A_243], %swap3A_246 {strides = array<i32>} : memref<3x112x128xf32, #tpu.memory_space<vmem>>, vector<1x1x16xf32>,
    }
    %scan3A_6 = arith.constant 896 : i32
    %mul3A = arith.constant 632 : i32
    %mul3A_7 = arith.muli %arg1, %mul3A : i32
    %add3A = arith.constant 0 : i32
    %add3A_8 = arith.addi %mul3A_7, %add3A : i32
    %run_scoped3A = arith.constant 0 : i32
    "tpu.region"() ({
      %run_scoped3A_198 = tpu.sem_alloc : memref<!tpu.dma_semaphore, #tpu.memory_space<semaphore_mem>>
      %dma_start3A_199 = arith.constant 0 : i32
      %dma_start3A_200 = arith.constant 0 : i32
      %dma_start3A_201 = tpu.memref_slice %arg8[%run_scoped3A, %dma_start3A_199, %dma_start3A_200] : memref<3x112x128xf32, #tpu.memory_space<vmem>> -> memref<1x112x128xf32, #tpu.memory_space<vmem>>
      %dma_start3A_202 = tpu.memref_squeeze %dma_start3A_201 : memref<1x112x128xf32, #tpu.memory_space<vmem>> -> memref<112x128xf32, #tpu.memory_space<vmem>>
      %dma_start3A_203 = arith.constant 0 : i32
      %dma_start3A_204 = tpu.memref_slice %arg9[%add3A_8, %dma_start3A_203] : memref<10112x128xf32, #tpu.memory_space<vmem_shared>> -> memref<112x128xf32, #tpu.memory_space<vmem_shared>>
      %dma_start3A_205 = arith.constant 0 : i32
      %dma_start3A_206 = tpu.memref_slice %arg9[%add3A_8, %dma_start3A_205] : memref<10112x128xf32, #tpu.memory_space<vmem_shared>> -> memref<112x128xf32, #tpu.memory_space<vmem_shared>>
      %dma_start3A_207 = arith.constant 0 : i32
      %dma_start3A_208 = arith.constant 0 : i32
      %dma_start3A_209 = tpu.memref_slice %arg8[%run_scoped3A, %dma_start3A_207, %dma_start3A_208] : memref<3x112x128xf32, #tpu.memory_space<vmem>> -> memref<1x112x128xf32, #tpu.memory_space<vmem>>
      %dma_start3A_210 = tpu.memref_squeeze %dma_start3A_209 : memref<1x112x128xf32, #tpu.memory_space<vmem>> -> memref<112x128xf32, #tpu.memory_space<vmem>>
      tpu.enqueue_dma source(%dma_start3A_210 : memref<112x128xf32, #tpu.memory_space<vmem>>) target(%dma_start3A_206 : memref<112x128xf32, #tpu.memory_space<vmem_shared>>) target_semaphore(%run_scoped3A_198 : memref<!tpu.dma_semaphore, #tpu.memory_space<semaphore_mem>>)
      %dma_wait3A_211 = arith.constant 0 : i32
      %dma_wait3A_212 = arith.constant 0 : i32
      %dma_wait3A_213 = tpu.memref_slice %arg8[%run_scoped3A, %dma_wait3A_211, %dma_wait3A_212] : memref<3x112x128xf32, #tpu.memory_space<vmem>> -> memref<1x112x128xf32, #tpu.memory_space<vmem>>
      %dma_wait3A_214 = tpu.memref_squeeze %dma_wait3A_213 : memref<1x112x128xf32, #tpu.memory_space<vmem>> -> memref<112x128xf32, #tpu.memory_space<vmem>>
      %dma_wait3A_215 = arith.constant 0 : i32
      %dma_wait3A_216 = tpu.memref_slice %arg9[%add3A_8, %dma_wait3A_215] : memref<10112x128xf32, #tpu.memory_space<vmem_shared>> -> memref<112x128xf32, #tpu.memory_space<vmem_shared>>
      %dma_wait3A_217 = arith.constant 0 : i32
      %dma_wait3A_218 = tpu.memref_slice %arg9[%add3A_8, %dma_wait3A_217] : memref<10112x128xf32, #tpu.memory_space<vmem_shared>> -> memref<112x128xf32, #tpu.memory_space<vmem_shared>>
      %dma_wait3A_219 = arith.constant 0 : i32
      %dma_wait3A_220 = arith.constant 0 : i32
      %dma_wait3A_221 = tpu.memref_slice %arg8[%run_scoped3A, %dma_wait3A_219, %dma_wait3A_220] : memref<3x112x128xf32, #tpu.memory_space<vmem>> -> memref<1x112x128xf32, #tpu.memory_space<vmem>>
      %dma_wait3A_222 = tpu.memref_squeeze %dma_wait3A_221 : memref<1x112x128xf32, #tpu.memory_space<vmem>> -> memref<112x128xf32, #tpu.memory_space<vmem>>
      tpu.wait_dma2 semaphore(%run_scoped3A_198 : memref<!tpu.dma_semaphore, #tpu.memory_space<semaphore_mem>>) src(%dma_wait3A_222 : memref<112x128xf32, #tpu.memory_space<vmem>>) dst(%dma_wait3A_218 : memref<112x128xf32, #tpu.memory_space<vmem_shared>>)
      tpu.yield
    }) : () -> ()
    %mul3A_9 = arith.constant 632 : i32
    %mul3A_10 = arith.muli %arg1, %mul3A_9 : i32
    %add3A_11 = arith.constant 112 : i32
    %add3A_12 = arith.addi %mul3A_10, %add3A_11 : i32
    %run_scoped3A_13 = arith.constant 0 : i32
    "tpu.region"() ({
      %run_scoped3A_198 = tpu.sem_alloc : memref<!tpu.dma_semaphore, #tpu.memory_space<semaphore_mem>>
      %dma_start3A_199 = arith.constant 0 : i32
      %dma_start3A_200 = arith.constant 0 : i32
      %dma_start3A_201 = tpu.memref_slice %arg8[%run_scoped3A_13, %dma_start3A_199, %dma_start3A_200] : memref<3x112x128xf32, #tpu.memory_space<vmem>> -> memref<1x112x128xf32, #tpu.memory_space<vmem>>
      %dma_start3A_202 = tpu.memref_squeeze %dma_start3A_201 : memref<1x112x128xf32, #tpu.memory_space<vmem>> -> memref<112x128xf32, #tpu.memory_space<vmem>>
      %dma_start3A_203 = arith.constant 0 : i32
      %dma_start3A_204 = tpu.memref_slice %arg9[%add3A_12, %dma_start3A_203] : memref<10112x128xf32, #tpu.memory_space<vmem_shared>> -> memref<112x128xf32, #tpu.memory_space<vmem_shared>>
      %dma_start3A_205 = arith.constant 0 : i32
      %dma_start3A_206 = tpu.memref_slice %arg9[%add3A_12, %dma_start3A_205] : memref<10112x128xf32, #tpu.memory_space<vmem_shared>> -> memref<112x128xf32, #tpu.memory_space<vmem_shared>>
      %dma_start3A_207 = arith.constant 0 : i32
      %dma_start3A_208 = arith.constant 0 : i32
      %dma_start3A_209 = tpu.memref_slice %arg8[%run_scoped3A_13, %dma_start3A_207, %dma_start3A_208] : memref<3x112x128xf32, #tpu.memory_space<vmem>> -> memref<1x112x128xf32, #tpu.memory_space<vmem>>
      %dma_start3A_210 = tpu.memref_squeeze %dma_start3A_209 : memref<1x112x128xf32, #tpu.memory_space<vmem>> -> memref<112x128xf32, #tpu.memory_space<vmem>>
      tpu.enqueue_dma source(%dma_start3A_210 : memref<112x128xf32, #tpu.memory_space<vmem>>) target(%dma_start3A_206 : memref<112x128xf32, #tpu.memory_space<vmem_shared>>) target_semaphore(%run_scoped3A_198 : memref<!tpu.dma_semaphore, #tpu.memory_space<semaphore_mem>>)
      %dma_wait3A_211 = arith.constant 0 : i32
      %dma_wait3A_212 = arith.constant 0 : i32
      %dma_wait3A_213 = tpu.memref_slice %arg8[%run_scoped3A_13, %dma_wait3A_211, %dma_wait3A_212] : memref<3x112x128xf32, #tpu.memory_space<vmem>> -> memref<1x112x128xf32, #tpu.memory_space<vmem>>
      %dma_wait3A_214 = tpu.memref_squeeze %dma_wait3A_213 : memref<1x112x128xf32, #tpu.memory_space<vmem>> -> memref<112x128xf32, #tpu.memory_space<vmem>>
      %dma_wait3A_215 = arith.constant 0 : i32
      %dma_wait3A_216 = tpu.memref_slice %arg9[%add3A_12, %dma_wait3A_215] : memref<10112x128xf32, #tpu.memory_space<vmem_shared>> -> memref<112x128xf32, #tpu.memory_space<vmem_shared>>
      %dma_wait3A_217 = arith.constant 0 : i32
      %dma_wait3A_218 = tpu.memref_slice %arg9[%add3A_12, %dma_wait3A_217] : memref<10112x128xf32, #tpu.memory_space<vmem_shared>> -> memref<112x128xf32, #tpu.memory_space<vmem_shared>>
      %dma_wait3A_219 = arith.constant 0 : i32
      %dma_wait3A_220 = arith.constant 0 : i32
      %dma_wait3A_221 = tpu.memref_slice %arg8[%run_scoped3A_13, %dma_wait3A_219, %dma_wait3A_220] : memref<3x112x128xf32, #tpu.memory_space<vmem>> -> memref<1x112x128xf32, #tpu.memory_space<vmem>>
      %dma_wait3A_222 = tpu.memref_squeeze %dma_wait3A_221 : memref<1x112x128xf32, #tpu.memory_space<vmem>> -> memref<112x128xf32, #tpu.memory_space<vmem>>
      tpu.wait_dma2 semaphore(%run_scoped3A_198 : memref<!tpu.dma_semaphore, #tpu.memory_space<semaphore_mem>>) src(%dma_wait3A_222 : memref<112x128xf32, #tpu.memory_space<vmem>>) dst(%dma_wait3A_218 : memref<112x128xf32, #tpu.memory_space<vmem_shared>>)
      tpu.yield
    }) : () -> ()
    %mul3A_14 = arith.constant 632 : i32
    %mul3A_15 = arith.muli %arg1, %mul3A_14 : i32
    %add3A_16 = arith.constant 224 : i32
    %add3A_17 = arith.addi %mul3A_15, %add3A_16 : i32
    %run_scoped3A_18 = arith.constant 0 : i32
    "tpu.region"() ({
      %run_scoped3A_198 = tpu.sem_alloc : memref<!tpu.dma_semaphore, #tpu.memory_space<semaphore_mem>>
      %dma_start3A_199 = arith.constant 0 : i32
      %dma_start3A_200 = arith.constant 0 : i32
      %dma_start3A_201 = tpu.memref_slice %arg8[%run_scoped3A_18, %dma_start3A_199, %dma_start3A_200] : memref<3x112x128xf32, #tpu.memory_space<vmem>> -> memref<1x112x128xf32, #tpu.memory_space<vmem>>
      %dma_start3A_202 = tpu.memref_squeeze %dma_start3A_201 : memref<1x112x128xf32, #tpu.memory_space<vmem>> -> memref<112x128xf32, #tpu.memory_space<vmem>>
      %dma_start3A_203 = arith.constant 0 : i32
      %dma_start3A_204 = tpu.memref_slice %arg9[%add3A_17, %dma_start3A_203] : memref<10112x128xf32, #tpu.memory_space<vmem_shared>> -> memref<112x128xf32, #tpu.memory_space<vmem_shared>>
      %dma_start3A_205 = arith.constant 0 : i32
      %dma_start3A_206 = tpu.memref_slice %arg9[%add3A_17, %dma_start3A_205] : memref<10112x128xf32, #tpu.memory_space<vmem_shared>> -> memref<112x128xf32, #tpu.memory_space<vmem_shared>>
      %dma_start3A_207 = arith.constant 0 : i32
      %dma_start3A_208 = arith.constant 0 : i32
      %dma_start3A_209 = tpu.memref_slice %arg8[%run_scoped3A_18, %dma_start3A_207, %dma_start3A_208] : memref<3x112x128xf32, #tpu.memory_space<vmem>> -> memref<1x112x128xf32, #tpu.memory_space<vmem>>
      %dma_start3A_210 = tpu.memref_squeeze %dma_start3A_209 : memref<1x112x128xf32, #tpu.memory_space<vmem>> -> memref<112x128xf32, #tpu.memory_space<vmem>>
      tpu.enqueue_dma source(%dma_start3A_210 : memref<112x128xf32, #tpu.memory_space<vmem>>) target(%dma_start3A_206 : memref<112x128xf32, #tpu.memory_space<vmem_shared>>) target_semaphore(%run_scoped3A_198 : memref<!tpu.dma_semaphore, #tpu.memory_space<semaphore_mem>>)
      %dma_wait3A_211 = arith.constant 0 : i32
      %dma_wait3A_212 = arith.constant 0 : i32
      %dma_wait3A_213 = tpu.memref_slice %arg8[%run_scoped3A_18, %dma_wait3A_211, %dma_wait3A_212] : memref<3x112x128xf32, #tpu.memory_space<vmem>> -> memref<1x112x128xf32, #tpu.memory_space<vmem>>
      %dma_wait3A_214 = tpu.memref_squeeze %dma_wait3A_213 : memref<1x112x128xf32, #tpu.memory_space<vmem>> -> memref<112x128xf32, #tpu.memory_space<vmem>>
      %dma_wait3A_215 = arith.constant 0 : i32
      %dma_wait3A_216 = tpu.memref_slice %arg9[%add3A_17, %dma_wait3A_215] : memref<10112x128xf32, #tpu.memory_space<vmem_shared>> -> memref<112x128xf32, #tpu.memory_space<vmem_shared>>
      %dma_wait3A_217 = arith.constant 0 : i32
      %dma_wait3A_218 = tpu.memref_slice %arg9[%add3A_17, %dma_wait3A_217] : memref<10112x128xf32, #tpu.memory_space<vmem_shared>> -> memref<112x128xf32, #tpu.memory_space<vmem_shared>>
      %dma_wait3A_219 = arith.constant 0 : i32
      %dma_wait3A_220 = arith.constant 0 : i32
      %dma_wait3A_221 = tpu.memref_slice %arg8[%run_scoped3A_18, %dma_wait3A_219, %dma_wait3A_220] : memref<3x112x128xf32, #tpu.memory_space<vmem>> -> memref<1x112x128xf32, #tpu.memory_space<vmem>>
      %dma_wait3A_222 = tpu.memref_squeeze %dma_wait3A_221 : memref<1x112x128xf32, #tpu.memory_space<vmem>> -> memref<112x128xf32, #tpu.memory_space<vmem>>
      tpu.wait_dma2 semaphore(%run_scoped3A_198 : memref<!tpu.dma_semaphore, #tpu.memory_space<semaphore_mem>>) src(%dma_wait3A_222 : memref<112x128xf32, #tpu.memory_space<vmem>>) dst(%dma_wait3A_218 : memref<112x128xf32, #tpu.memory_space<vmem_shared>>)
      tpu.yield
    }) : () -> ()
    %mul3A_19 = arith.constant 632 : i32
    %mul3A_20 = arith.muli %arg1, %mul3A_19 : i32
    %add3A_21 = arith.constant 336 : i32
    %add3A_22 = arith.addi %mul3A_20, %add3A_21 : i32
    %run_scoped3A_23 = arith.constant 0 : i32
    "tpu.region"() ({
      %run_scoped3A_198 = tpu.sem_alloc : memref<!tpu.dma_semaphore, #tpu.memory_space<semaphore_mem>>
      %dma_start3A_199 = arith.constant 0 : i32
      %dma_start3A_200 = arith.constant 0 : i32
      %dma_start3A_201 = tpu.memref_slice %arg8[%run_scoped3A_23, %dma_start3A_199, %dma_start3A_200] : memref<3x112x128xf32, #tpu.memory_space<vmem>> -> memref<1x112x128xf32, #tpu.memory_space<vmem>>
      %dma_start3A_202 = tpu.memref_squeeze %dma_start3A_201 : memref<1x112x128xf32, #tpu.memory_space<vmem>> -> memref<112x128xf32, #tpu.memory_space<vmem>>
      %dma_start3A_203 = arith.constant 0 : i32
      %dma_start3A_204 = tpu.memref_slice %arg9[%add3A_22, %dma_start3A_203] : memref<10112x128xf32, #tpu.memory_space<vmem_shared>> -> memref<112x128xf32, #tpu.memory_space<vmem_shared>>
      %dma_start3A_205 = arith.constant 0 : i32
      %dma_start3A_206 = tpu.memref_slice %arg9[%add3A_22, %dma_start3A_205] : memref<10112x128xf32, #tpu.memory_space<vmem_shared>> -> memref<112x128xf32, #tpu.memory_space<vmem_shared>>
      %dma_start3A_207 = arith.constant 0 : i32
      %dma_start3A_208 = arith.constant 0 : i32
      %dma_start3A_209 = tpu.memref_slice %arg8[%run_scoped3A_23, %dma_start3A_207, %dma_start3A_208] : memref<3x112x128xf32, #tpu.memory_space<vmem>> -> memref<1x112x128xf32, #tpu.memory_space<vmem>>
      %dma_start3A_210 = tpu.memref_squeeze %dma_start3A_209 : memref<1x112x128xf32, #tpu.memory_space<vmem>> -> memref<112x128xf32, #tpu.memory_space<vmem>>
      tpu.enqueue_dma source(%dma_start3A_210 : memref<112x128xf32, #tpu.memory_space<vmem>>) target(%dma_start3A_206 : memref<112x128xf32, #tpu.memory_space<vmem_shared>>) target_semaphore(%run_scoped3A_198 : memref<!tpu.dma_semaphore, #tpu.memory_space<semaphore_mem>>)
      %dma_wait3A_211 = arith.constant 0 : i32
      %dma_wait3A_212 = arith.constant 0 : i32
      %dma_wait3A_213 = tpu.memref_slice %arg8[%run_scoped3A_23, %dma_wait3A_211, %dma_wait3A_212] : memref<3x112x128xf32, #tpu.memory_space<vmem>> -> memref<1x112x128xf32, #tpu.memory_space<vmem>>
      %dma_wait3A_214 = tpu.memref_squeeze %dma_wait3A_213 : memref<1x112x128xf32, #tpu.memory_space<vmem>> -> memref<112x128xf32, #tpu.memory_space<vmem>>
      %dma_wait3A_215 = arith.constant 0 : i32
      %dma_wait3A_216 = tpu.memref_slice %arg9[%add3A_22, %dma_wait3A_215] : memref<10112x128xf32, #tpu.memory_space<vmem_shared>> -> memref<112x128xf32, #tpu.memory_space<vmem_shared>>
      %dma_wait3A_217 = arith.constant 0 : i32
      %dma_wait3A_218 = tpu.memref_slice %arg9[%add3A_22, %dma_wait3A_217] : memref<10112x128xf32, #tpu.memory_space<vmem_shared>> -> memref<112x128xf32, #tpu.memory_space<vmem_shared>>
      %dma_wait3A_219 = arith.constant 0 : i32
      %dma_wait3A_220 = arith.constant 0 : i32
      %dma_wait3A_221 = tpu.memref_slice %arg8[%run_scoped3A_23, %dma_wait3A_219, %dma_wait3A_220] : memref<3x112x128xf32, #tpu.memory_space<vmem>> -> memref<1x112x128xf32, #tpu.memory_space<vmem>>
      %dma_wait3A_222 = tpu.memref_squeeze %dma_wait3A_221 : memref<1x112x128xf32, #tpu.memory_space<vmem>> -> memref<112x128xf32, #tpu.memory_space<vmem>>
      tpu.wait_dma2 semaphore(%run_scoped3A_198 : memref<!tpu.dma_semaphore, #tpu.memory_space<semaphore_mem>>) src(%dma_wait3A_222 : memref<112x128xf32, #tpu.memory_space<vmem>>) dst(%dma_wait3A_218 : memref<112x128xf32, #tpu.memory_space<vmem_shared>>)
      tpu.yield
    }) : () -> ()
    %mul3A_24 = arith.constant 632 : i32
    %mul3A_25 = arith.muli %arg1, %mul3A_24 : i32
    %add3A_26 = arith.constant 448 : i32
    %add3A_27 = arith.addi %mul3A_25, %add3A_26 : i32
    %run_scoped3A_28 = arith.constant 0 : i32
    "tpu.region"() ({
      %run_scoped3A_198 = tpu.sem_alloc : memref<!tpu.dma_semaphore, #tpu.memory_space<semaphore_mem>>
      %dma_start3A_199 = arith.constant 0 : i32
      %dma_start3A_200 = arith.constant 0 : i32
      %dma_start3A_201 = tpu.memref_slice %arg8[%run_scoped3A_28, %dma_start3A_199, %dma_start3A_200] : memref<3x112x128xf32, #tpu.memory_space<vmem>> -> memref<1x112x128xf32, #tpu.memory_space<vmem>>
      %dma_start3A_202 = tpu.memref_squeeze %dma_start3A_201 : memref<1x112x128xf32, #tpu.memory_space<vmem>> -> memref<112x128xf32, #tpu.memory_space<vmem>>
      %dma_start3A_203 = arith.constant 0 : i32
      %dma_start3A_204 = tpu.memref_slice %arg9[%add3A_27, %dma_start3A_203] : memref<10112x128xf32, #tpu.memory_space<vmem_shared>> -> memref<112x128xf32, #tpu.memory_space<vmem_shared>>
      %dma_start3A_205 = arith.constant 0 : i32
      %dma_start3A_206 = tpu.memref_slice %arg9[%add3A_27, %dma_start3A_205] : memref<10112x128xf32, #tpu.memory_space<vmem_shared>> -> memref<112x128xf32, #tpu.memory_space<vmem_shared>>
      %dma_start3A_207 = arith.constant 0 : i32
      %dma_start3A_208 = arith.constant 0 : i32
      %dma_start3A_209 = tpu.memref_slice %arg8[%run_scoped3A_28, %dma_start3A_207, %dma_start3A_208] : memref<3x112x128xf32, #tpu.memory_space<vmem>> -> memref<1x112x128xf32, #tpu.memory_space<vmem>>
      %dma_start3A_210 = tpu.memref_squeeze %dma_start3A_209 : memref<1x112x128xf32, #tpu.memory_space<vmem>> -> memref<112x128xf32, #tpu.memory_space<vmem>>
      tpu.enqueue_dma source(%dma_start3A_210 : memref<112x128xf32, #tpu.memory_space<vmem>>) target(%dma_start3A_206 : memref<112x128xf32, #tpu.memory_space<vmem_shared>>) target_semaphore(%run_scoped3A_198 : memref<!tpu.dma_semaphore, #tpu.memory_space<semaphore_mem>>)
      %dma_wait3A_211 = arith.constant 0 : i32
      %dma_wait3A_212 = arith.constant 0 : i32
      %dma_wait3A_213 = tpu.memref_slice %arg8[%run_scoped3A_28, %dma_wait3A_211, %dma_wait3A_212] : memref<3x112x128xf32, #tpu.memory_space<vmem>> -> memref<1x112x128xf32, #tpu.memory_space<vmem>>
      %dma_wait3A_214 = tpu.memref_squeeze %dma_wait3A_213 : memref<1x112x128xf32, #tpu.memory_space<vmem>> -> memref<112x128xf32, #tpu.memory_space<vmem>>
      %dma_wait3A_215 = arith.constant 0 : i32
      %dma_wait3A_216 = tpu.memref_slice %arg9[%add3A_27, %dma_wait3A_215] : memref<10112x128xf32, #tpu.memory_space<vmem_shared>> -> memref<112x128xf32, #tpu.memory_space<vmem_shared>>
      %dma_wait3A_217 = arith.constant 0 : i32
      %dma_wait3A_218 = tpu.memref_slice %arg9[%add3A_27, %dma_wait3A_217] : memref<10112x128xf32, #tpu.memory_space<vmem_shared>> -> memref<112x128xf32, #tpu.memory_space<vmem_shared>>
      %dma_wait3A_219 = arith.constant 0 : i32
      %dma_wait3A_220 = arith.constant 0 : i32
      %dma_wait3A_221 = tpu.memref_slice %arg8[%run_scoped3A_28, %dma_wait3A_219, %dma_wait3A_220] : memref<3x112x128xf32, #tpu.memory_space<vmem>> -> memref<1x112x128xf32, #tpu.memory_space<vmem>>
      %dma_wait3A_222 = tpu.memref_squeeze %dma_wait3A_221 : memref<1x112x128xf32, #tpu.memory_space<vmem>> -> memref<112x128xf32, #tpu.memory_space<vmem>>
      tpu.wait_dma2 semaphore(%run_scoped3A_198 : memref<!tpu.dma_semaphore, #tpu.memory_space<semaphore_mem>>) src(%dma_wait3A_222 : memref<112x128xf32, #tpu.memory_space<vmem>>) dst(%dma_wait3A_218 : memref<112x128xf32, #tpu.memory_space<vmem_shared>>)
      tpu.yield
    }) : () -> ()
    %mul3A_29 = arith.constant 632 : i32
    %mul3A_30 = arith.muli %arg1, %mul3A_29 : i32
    %add3A_31 = arith.constant 560 : i32
    %add3A_32 = arith.addi %mul3A_30, %add3A_31 : i32
    %run_scoped3A_33 = arith.constant 0 : i32
    "tpu.region"() ({
      %run_scoped3A_198 = tpu.sem_alloc : memref<!tpu.dma_semaphore, #tpu.memory_space<semaphore_mem>>
      %dma_start3A_199 = arith.constant 0 : i32
      %dma_start3A_200 = arith.constant 0 : i32
      %dma_start3A_201 = tpu.memref_slice %arg8[%run_scoped3A_33, %dma_start3A_199, %dma_start3A_200] : memref<3x112x128xf32, #tpu.memory_space<vmem>> -> memref<1x72x128xf32, #tpu.memory_space<vmem>>
      %dma_start3A_202 = tpu.memref_squeeze %dma_start3A_201 : memref<1x72x128xf32, #tpu.memory_space<vmem>> -> memref<72x128xf32, #tpu.memory_space<vmem>>
      %dma_start3A_203 = arith.constant 0 : i32
      %dma_start3A_204 = tpu.memref_slice %arg9[%add3A_32, %dma_start3A_203] : memref<10112x128xf32, #tpu.memory_space<vmem_shared>> -> memref<72x128xf32, #tpu.memory_space<vmem_shared>>
      %dma_start3A_205 = arith.constant 0 : i32
      %dma_start3A_206 = tpu.memref_slice %arg9[%add3A_32, %dma_start3A_205] : memref<10112x128xf32, #tpu.memory_space<vmem_shared>> -> memref<72x128xf32, #tpu.memory_space<vmem_shared>>
      %dma_start3A_207 = arith.constant 0 : i32
      %dma_start3A_208 = arith.constant 0 : i32
      %dma_start3A_209 = tpu.memref_slice %arg8[%run_scoped3A_33, %dma_start3A_207, %dma_start3A_208] : memref<3x112x128xf32, #tpu.memory_space<vmem>> -> memref<1x72x128xf32, #tpu.memory_space<vmem>>
      %dma_start3A_210 = tpu.memref_squeeze %dma_start3A_209 : memref<1x72x128xf32, #tpu.memory_space<vmem>> -> memref<72x128xf32, #tpu.memory_space<vmem>>
      tpu.enqueue_dma source(%dma_start3A_210 : memref<72x128xf32, #tpu.memory_space<vmem>>) target(%dma_start3A_206 : memref<72x128xf32, #tpu.memory_space<vmem_shared>>) target_semaphore(%run_scoped3A_198 : memref<!tpu.dma_semaphore, #tpu.memory_space<semaphore_mem>>)
      %dma_wait3A_211 = arith.constant 0 : i32
      %dma_wait3A_212 = arith.constant 0 : i32
      %dma_wait3A_213 = tpu.memref_slice %arg8[%run_scoped3A_33, %dma_wait3A_211, %dma_wait3A_212] : memref<3x112x128xf32, #tpu.memory_space<vmem>> -> memref<1x72x128xf32, #tpu.memory_space<vmem>>
      %dma_wait3A_214 = tpu.memref_squeeze %dma_wait3A_213 : memref<1x72x128xf32, #tpu.memory_space<vmem>> -> memref<72x128xf32, #tpu.memory_space<vmem>>
      %dma_wait3A_215 = arith.constant 0 : i32
      %dma_wait3A_216 = tpu.memref_slice %arg9[%add3A_32, %dma_wait3A_215] : memref<10112x128xf32, #tpu.memory_space<vmem_shared>> -> memref<72x128xf32, #tpu.memory_space<vmem_shared>>
      %dma_wait3A_217 = arith.constant 0 : i32
      %dma_wait3A_218 = tpu.memref_slice %arg9[%add3A_32, %dma_wait3A_217] : memref<10112x128xf32, #tpu.memory_space<vmem_shared>> -> memref<72x128xf32, #tpu.memory_space<vmem_shared>>
      %dma_wait3A_219 = arith.constant 0 : i32
      %dma_wait3A_220 = arith.constant 0 : i32
      %dma_wait3A_221 = tpu.memref_slice %arg8[%run_scoped3A_33, %dma_wait3A_219, %dma_wait3A_220] : memref<3x112x128xf32, #tpu.memory_space<vmem>> -> memref<1x72x128xf32, #tpu.memory_space<vmem>>
      %dma_wait3A_222 = tpu.memref_squeeze %dma_wait3A_221 : memref<1x72x128xf32, #tpu.memory_space<vmem>> -> memref<72x128xf32, #tpu.memory_space<vmem>>
      tpu.wait_dma2 semaphore(%run_scoped3A_198 : memref<!tpu.dma_semaphore, #tpu.memory_space<semaphore_mem>>) src(%dma_wait3A_222 : memref<72x128xf32, #tpu.memory_space<vmem>>) dst(%dma_wait3A_218 : memref<72x128xf32, #tpu.memory_space<vmem_shared>>)
      tpu.yield
    }) : () -> ()
    %barrier3A = arith.constant 0 : index
    tpu.barrier barrier_id(%barrier3A)
    %dma_start3A = arith.constant 0 : i32
    %dma_start3A_34 = arith.constant 0 : i32
    %dma_start3A_35 = arith.constant 0 : i32
    %dma_start3A_36 = tpu.memref_slice %arg6[%dma_start3A_34, %dma_start3A_35] : memref<3x112xi32, #tpu.memory_space<vmem>> -> memref<1x112xi32, #tpu.memory_space<vmem>>
    %dma_start3A_37 = tpu.memref_squeeze %dma_start3A_36 : memref<1x112xi32, #tpu.memory_space<vmem>> -> memref<112xi32, #tpu.memory_space<vmem>>
    %dma_start3A_38 = arith.constant 0 : i32
    %dma_start3A_39 = tpu.memref_slice %arg3[%arg0, %arg1, %dma_start3A, %dma_start3A_38] : memref<2x16x159x112xi32, #tpu.memory_space<hbm>> -> memref<1x1x1x112xi32, #tpu.memory_space<hbm>>
    %dma_start3A_40 = tpu.memref_squeeze %dma_start3A_39 : memref<1x1x1x112xi32, #tpu.memory_space<hbm>> -> memref<112xi32, #tpu.memory_space<hbm>>
    %dma_start3A_41 = arith.constant 0 : i32
    %dma_start3A_42 = tpu.memref_slice %arg6[%dma_start3A_34, %dma_start3A_41] : memref<3x112xi32, #tpu.memory_space<vmem>> -> memref<1x112xi32, #tpu.memory_space<vmem>>
    %dma_start3A_43 = tpu.memref_squeeze %dma_start3A_42 : memref<1x112xi32, #tpu.memory_space<vmem>> -> memref<112xi32, #tpu.memory_space<vmem>>
    %dma_start3A_44 = arith.constant 0 : i32
    %dma_start3A_45 = tpu.memref_slice %arg3[%arg0, %arg1, %dma_start3A, %dma_start3A_44] : memref<2x16x159x112xi32, #tpu.memory_space<hbm>> -> memref<1x1x1x112xi32, #tpu.memory_space<hbm>>
    %dma_start3A_46 = tpu.memref_squeeze %dma_start3A_45 : memref<1x1x1x112xi32, #tpu.memory_space<hbm>> -> memref<112xi32, #tpu.memory_space<hbm>>
    tpu.enqueue_dma source(%dma_start3A_46 : memref<112xi32, #tpu.memory_space<hbm>>) target(%dma_start3A_43 : memref<112xi32, #tpu.memory_space<vmem>>) target_semaphore(%arg13 : memref<!tpu.dma_semaphore, #tpu.memory_space<semaphore_mem>>)
    %dma_start3A_47 = arith.constant 0 : i32
    %dma_start3A_48 = arith.constant 0 : i32
    %dma_start3A_49 = arith.constant 0 : i32
    %dma_start3A_50 = tpu.memref_slice %arg7[%dma_start3A_48, %dma_start3A_49] : memref<3x112xi32, #tpu.memory_space<vmem>> -> memref<1x112xi32, #tpu.memory_space<vmem>>
    %dma_start3A_51 = tpu.memref_squeeze %dma_start3A_50 : memref<1x112xi32, #tpu.memory_space<vmem>> -> memref<112xi32, #tpu.memory_space<vmem>>
    %dma_start3A_52 = arith.constant 0 : i32
    %dma_start3A_53 = tpu.memref_slice %arg4[%arg0, %arg1, %dma_start3A_47, %dma_start3A_52] : memref<2x16x159x112xi32, #tpu.memory_space<hbm>> -> memref<1x1x1x112xi32, #tpu.memory_space<hbm>>
    %dma_start3A_54 = tpu.memref_squeeze %dma_start3A_53 : memref<1x1x1x112xi32, #tpu.memory_space<hbm>> -> memref<112xi32, #tpu.memory_space<hbm>>
    %dma_start3A_55 = arith.constant 0 : i32
    %dma_start3A_56 = tpu.memref_slice %arg7[%dma_start3A_48, %dma_start3A_55] : memref<3x112xi32, #tpu.memory_space<vmem>> -> memref<1x112xi32, #tpu.memory_space<vmem>>
    %dma_start3A_57 = tpu.memref_squeeze %dma_start3A_56 : memref<1x112xi32, #tpu.memory_space<vmem>> -> memref<112xi32, #tpu.memory_space<vmem>>
    %dma_start3A_58 = arith.constant 0 : i32
    %dma_start3A_59 = tpu.memref_slice %arg4[%arg0, %arg1, %dma_start3A_47, %dma_start3A_58] : memref<2x16x159x112xi32, #tpu.memory_space<hbm>> -> memref<1x1x1x112xi32, #tpu.memory_space<hbm>>
    %dma_start3A_60 = tpu.memref_squeeze %dma_start3A_59 : memref<1x1x1x112xi32, #tpu.memory_space<hbm>> -> memref<112xi32, #tpu.memory_space<hbm>>
    tpu.enqueue_dma source(%dma_start3A_60 : memref<112xi32, #tpu.memory_space<hbm>>) target(%dma_start3A_57 : memref<112xi32, #tpu.memory_space<vmem>>) target_semaphore(%arg16 : memref<!tpu.dma_semaphore, #tpu.memory_space<semaphore_mem>>)
    %dma_start3A_61 = arith.constant 1 : i32
    %dma_start3A_62 = arith.constant 1 : i32
    %dma_start3A_63 = arith.constant 0 : i32
    %dma_start3A_64 = tpu.memref_slice %arg6[%dma_start3A_62, %dma_start3A_63] : memref<3x112xi32, #tpu.memory_space<vmem>> -> memref<1x112xi32, #tpu.memory_space<vmem>>
    %dma_start3A_65 = tpu.memref_squeeze %dma_start3A_64 : memref<1x112xi32, #tpu.memory_space<vmem>> -> memref<112xi32, #tpu.memory_space<vmem>>
    %dma_start3A_66 = arith.constant 0 : i32
    %dma_start3A_67 = tpu.memref_slice %arg3[%arg0, %arg1, %dma_start3A_61, %dma_start3A_66] : memref<2x16x159x112xi32, #tpu.memory_space<hbm>> -> memref<1x1x1x112xi32, #tpu.memory_space<hbm>>
    %dma_start3A_68 = tpu.memref_squeeze %dma_start3A_67 : memref<1x1x1x112xi32, #tpu.memory_space<hbm>> -> memref<112xi32, #tpu.memory_space<hbm>>
    %dma_start3A_69 = arith.constant 0 : i32
    %dma_start3A_70 = tpu.memref_slice %arg6[%dma_start3A_62, %dma_start3A_69] : memref<3x112xi32, #tpu.memory_space<vmem>> -> memref<1x112xi32, #tpu.memory_space<vmem>>
    %dma_start3A_71 = tpu.memref_squeeze %dma_start3A_70 : memref<1x112xi32, #tpu.memory_space<vmem>> -> memref<112xi32, #tpu.memory_space<vmem>>
    %dma_start3A_72 = arith.constant 0 : i32
    %dma_start3A_73 = tpu.memref_slice %arg3[%arg0, %arg1, %dma_start3A_61, %dma_start3A_72] : memref<2x16x159x112xi32, #tpu.memory_space<hbm>> -> memref<1x1x1x112xi32, #tpu.memory_space<hbm>>
    %dma_start3A_74 = tpu.memref_squeeze %dma_start3A_73 : memref<1x1x1x112xi32, #tpu.memory_space<hbm>> -> memref<112xi32, #tpu.memory_space<hbm>>
    tpu.enqueue_dma source(%dma_start3A_74 : memref<112xi32, #tpu.memory_space<hbm>>) target(%dma_start3A_71 : memref<112xi32, #tpu.memory_space<vmem>>) target_semaphore(%arg14 : memref<!tpu.dma_semaphore, #tpu.memory_space<semaphore_mem>>)
    %dma_start3A_75 = arith.constant 1 : i32
    %dma_start3A_76 = arith.constant 1 : i32
    %dma_start3A_77 = arith.constant 0 : i32
    %dma_start3A_78 = tpu.memref_slice %arg7[%dma_start3A_76, %dma_start3A_77] : memref<3x112xi32, #tpu.memory_space<vmem>> -> memref<1x112xi32, #tpu.memory_space<vmem>>
    %dma_start3A_79 = tpu.memref_squeeze %dma_start3A_78 : memref<1x112xi32, #tpu.memory_space<vmem>> -> memref<112xi32, #tpu.memory_space<vmem>>
    %dma_start3A_80 = arith.constant 0 : i32
    %dma_start3A_81 = tpu.memref_slice %arg4[%arg0, %arg1, %dma_start3A_75, %dma_start3A_80] : memref<2x16x159x112xi32, #tpu.memory_space<hbm>> -> memref<1x1x1x112xi32, #tpu.memory_space<hbm>>
    %dma_start3A_82 = tpu.memref_squeeze %dma_start3A_81 : memref<1x1x1x112xi32, #tpu.memory_space<hbm>> -> memref<112xi32, #tpu.memory_space<hbm>>
    %dma_start3A_83 = arith.constant 0 : i32
    %dma_start3A_84 = tpu.memref_slice %arg7[%dma_start3A_76, %dma_start3A_83] : memref<3x112xi32, #tpu.memory_space<vmem>> -> memref<1x112xi32, #tpu.memory_space<vmem>>
    %dma_start3A_85 = tpu.memref_squeeze %dma_start3A_84 : memref<1x112xi32, #tpu.memory_space<vmem>> -> memref<112xi32, #tpu.memory_space<vmem>>
    %dma_start3A_86 = arith.constant 0 : i32
    %dma_start3A_87 = tpu.memref_slice %arg4[%arg0, %arg1, %dma_start3A_75, %dma_start3A_86] : memref<2x16x159x112xi32, #tpu.memory_space<hbm>> -> memref<1x1x1x112xi32, #tpu.memory_space<hbm>>
    %dma_start3A_88 = tpu.memref_squeeze %dma_start3A_87 : memref<1x1x1x112xi32, #tpu.memory_space<hbm>> -> memref<112xi32, #tpu.memory_space<hbm>>
    tpu.enqueue_dma source(%dma_start3A_88 : memref<112xi32, #tpu.memory_space<hbm>>) target(%dma_start3A_85 : memref<112xi32, #tpu.memory_space<vmem>>) target_semaphore(%arg17 : memref<!tpu.dma_semaphore, #tpu.memory_space<semaphore_mem>>)
    %dma_start3A_89 = arith.constant 2 : i32
    %dma_start3A_90 = arith.constant 2 : i32
    %dma_start3A_91 = arith.constant 0 : i32
    %dma_start3A_92 = tpu.memref_slice %arg6[%dma_start3A_90, %dma_start3A_91] : memref<3x112xi32, #tpu.memory_space<vmem>> -> memref<1x112xi32, #tpu.memory_space<vmem>>
    %dma_start3A_93 = tpu.memref_squeeze %dma_start3A_92 : memref<1x112xi32, #tpu.memory_space<vmem>> -> memref<112xi32, #tpu.memory_space<vmem>>
    %dma_start3A_94 = arith.constant 0 : i32
    %dma_start3A_95 = tpu.memref_slice %arg3[%arg0, %arg1, %dma_start3A_89, %dma_start3A_94] : memref<2x16x159x112xi32, #tpu.memory_space<hbm>> -> memref<1x1x1x112xi32, #tpu.memory_space<hbm>>
    %dma_start3A_96 = tpu.memref_squeeze %dma_start3A_95 : memref<1x1x1x112xi32, #tpu.memory_space<hbm>> -> memref<112xi32, #tpu.memory_space<hbm>>
    %dma_start3A_97 = arith.constant 0 : i32
    %dma_start3A_98 = tpu.memref_slice %arg6[%dma_start3A_90, %dma_start3A_97] : memref<3x112xi32, #tpu.memory_space<vmem>> -> memref<1x112xi32, #tpu.memory_space<vmem>>
    %dma_start3A_99 = tpu.memref_squeeze %dma_start3A_98 : memref<1x112xi32, #tpu.memory_space<vmem>> -> memref<112xi32, #tpu.memory_space<vmem>>
    %dma_start3A_100 = arith.constant 0 : i32
    %dma_start3A_101 = tpu.memref_slice %arg3[%arg0, %arg1, %dma_start3A_89, %dma_start3A_100] : memref<2x16x159x112xi32, #tpu.memory_space<hbm>> -> memref<1x1x1x112xi32, #tpu.memory_space<hbm>>
    %dma_start3A_102 = tpu.memref_squeeze %dma_start3A_101 : memref<1x1x1x112xi32, #tpu.memory_space<hbm>> -> memref<112xi32, #tpu.memory_space<hbm>>
    tpu.enqueue_dma source(%dma_start3A_102 : memref<112xi32, #tpu.memory_space<hbm>>) target(%dma_start3A_99 : memref<112xi32, #tpu.memory_space<vmem>>) target_semaphore(%arg15 : memref<!tpu.dma_semaphore, #tpu.memory_space<semaphore_mem>>)
    %dma_start3A_103 = arith.constant 2 : i32
    %dma_start3A_104 = arith.constant 2 : i32
    %dma_start3A_105 = arith.constant 0 : i32
    %dma_start3A_106 = tpu.memref_slice %arg7[%dma_start3A_104, %dma_start3A_105] : memref<3x112xi32, #tpu.memory_space<vmem>> -> memref<1x112xi32, #tpu.memory_space<vmem>>
    %dma_start3A_107 = tpu.memref_squeeze %dma_start3A_106 : memref<1x112xi32, #tpu.memory_space<vmem>> -> memref<112xi32, #tpu.memory_space<vmem>>
    %dma_start3A_108 = arith.constant 0 : i32
    %dma_start3A_109 = tpu.memref_slice %arg4[%arg0, %arg1, %dma_start3A_103, %dma_start3A_108] : memref<2x16x159x112xi32, #tpu.memory_space<hbm>> -> memref<1x1x1x112xi32, #tpu.memory_space<hbm>>
    %dma_start3A_110 = tpu.memref_squeeze %dma_start3A_109 : memref<1x1x1x112xi32, #tpu.memory_space<hbm>> -> memref<112xi32, #tpu.memory_space<hbm>>
    %dma_start3A_111 = arith.constant 0 : i32
    %dma_start3A_112 = tpu.memref_slice %arg7[%dma_start3A_104, %dma_start3A_111] : memref<3x112xi32, #tpu.memory_space<vmem>> -> memref<1x112xi32, #tpu.memory_space<vmem>>
    %dma_start3A_113 = tpu.memref_squeeze %dma_start3A_112 : memref<1x112xi32, #tpu.memory_space<vmem>> -> memref<112xi32, #tpu.memory_space<vmem>>
    %dma_start3A_114 = arith.constant 0 : i32
    %dma_start3A_115 = tpu.memref_slice %arg4[%arg0, %arg1, %dma_start3A_103, %dma_start3A_114] : memref<2x16x159x112xi32, #tpu.memory_space<hbm>> -> memref<1x1x1x112xi32, #tpu.memory_space<hbm>>
    %dma_start3A_116 = tpu.memref_squeeze %dma_start3A_115 : memref<1x1x1x112xi32, #tpu.memory_space<hbm>> -> memref<112xi32, #tpu.memory_space<hbm>>
    tpu.enqueue_dma source(%dma_start3A_116 : memref<112xi32, #tpu.memory_space<hbm>>) target(%dma_start3A_113 : memref<112xi32, #tpu.memory_space<vmem>>) target_semaphore(%arg18 : memref<!tpu.dma_semaphore, #tpu.memory_space<semaphore_mem>>)
    %dma_wait3A = arith.constant 0 : i32
    %dma_wait3A_117 = arith.constant 0 : i32
    %dma_wait3A_118 = arith.constant 0 : i32
    %dma_wait3A_119 = tpu.memref_slice %arg6[%dma_wait3A_117, %dma_wait3A_118] : memref<3x112xi32, #tpu.memory_space<vmem>> -> memref<1x112xi32, #tpu.memory_space<vmem>>
    %dma_wait3A_120 = tpu.memref_squeeze %dma_wait3A_119 : memref<1x112xi32, #tpu.memory_space<vmem>> -> memref<112xi32, #tpu.memory_space<vmem>>
    %dma_wait3A_121 = arith.constant 0 : i32
    %dma_wait3A_122 = tpu.memref_slice %arg3[%arg0, %arg1, %dma_wait3A, %dma_wait3A_121] : memref<2x16x159x112xi32, #tpu.memory_space<hbm>> -> memref<1x1x1x112xi32, #tpu.memory_space<hbm>>
    %dma_wait3A_123 = tpu.memref_squeeze %dma_wait3A_122 : memref<1x1x1x112xi32, #tpu.memory_space<hbm>> -> memref<112xi32, #tpu.memory_space<hbm>>
    %dma_wait3A_124 = arith.constant 0 : i32
    %dma_wait3A_125 = tpu.memref_slice %arg6[%dma_wait3A_117, %dma_wait3A_124] : memref<3x112xi32, #tpu.memory_space<vmem>> -> memref<1x112xi32, #tpu.memory_space<vmem>>
    %dma_wait3A_126 = tpu.memref_squeeze %dma_wait3A_125 : memref<1x112xi32, #tpu.memory_space<vmem>> -> memref<112xi32, #tpu.memory_space<vmem>>
    %dma_wait3A_127 = arith.constant 0 : i32
    %dma_wait3A_128 = tpu.memref_slice %arg3[%arg0, %arg1, %dma_wait3A, %dma_wait3A_127] : memref<2x16x159x112xi32, #tpu.memory_space<hbm>> -> memref<1x1x1x112xi32, #tpu.memory_space<hbm>>
    %dma_wait3A_129 = tpu.memref_squeeze %dma_wait3A_128 : memref<1x1x1x112xi32, #tpu.memory_space<hbm>> -> memref<112xi32, #tpu.memory_space<hbm>>
    tpu.wait_dma2 semaphore(%arg13 : memref<!tpu.dma_semaphore, #tpu.memory_space<semaphore_mem>>) src(%dma_wait3A_129 : memref<112xi32, #tpu.memory_space<hbm>>) dst(%dma_wait3A_126 : memref<112xi32, #tpu.memory_space<vmem>>)
    %dma_start3A_130 = arith.constant 0 : i32
    %dma_start3A_131 = arith.constant 0 : i32
    %dma_start3A_132 = arith.constant 0 : i32
    %dma_start3A_133 = arith.constant 0 : i32
    %dma_start3A_134 = tpu.memref_slice %arg8[%dma_start3A_131, %dma_start3A_132, %dma_start3A_133] : memref<3x112x128xf32, #tpu.memory_space<vmem>> -> memref<1x112x128xf32, #tpu.memory_space<vmem>>
    %dma_start3A_135 = tpu.memref_squeeze %dma_start3A_134 : memref<1x112x128xf32, #tpu.memory_space<vmem>> -> memref<112x128xf32, #tpu.memory_space<vmem>>
    %dma_start3A_136 = arith.constant 0 : i32
    %dma_start3A_137 = tpu.memref_slice %arg6[%dma_start3A_130, %dma_start3A_136] : memref<3x112xi32, #tpu.memory_space<vmem>> -> memref<1x112xi32, #tpu.memory_space<vmem>>
    %dma_start3A_138 = tpu.memref_squeeze %dma_start3A_137 : memref<1x112xi32, #tpu.memory_space<vmem>> -> memref<112xi32, #tpu.memory_space<vmem>>
    %dma_start3A_139 = arith.constant 0 : i32
    %dma_start3A_140 = arith.constant 0 : i32
    %dma_start3A_141 = tpu.memref_slice %arg2[%dma_start3A_139, %dma_start3A_140] : memref<10000x128xf32, #tpu.memory_space<hbm>> -> memref<10000x128xf32, #tpu.memory_space<hbm>>
    tpu.enqueue_indirect_dma source(%dma_start3A_141 : memref<10000x128xf32, #tpu.memory_space<hbm>>) target(%dma_start3A_135 : memref<112x128xf32, #tpu.memory_space<vmem>>) offsets(%dma_start3A_138 : memref<112xi32, #tpu.memory_space<vmem>>) semaphore(%arg10 : memref<!tpu.dma_semaphore, #tpu.memory_space<semaphore_mem>>)
    %dma_wait3A_142 = arith.constant 1 : i32
    %dma_wait3A_143 = arith.constant 1 : i32
    %dma_wait3A_144 = arith.constant 0 : i32
    %dma_wait3A_145 = tpu.memref_slice %arg6[%dma_wait3A_143, %dma_wait3A_144] : memref<3x112xi32, #tpu.memory_space<vmem>> -> memref<1x112xi32, #tpu.memory_space<vmem>>
    %dma_wait3A_146 = tpu.memref_squeeze %dma_wait3A_145 : memref<1x112xi32, #tpu.memory_space<vmem>> -> memref<112xi32, #tpu.memory_space<vmem>>
    %dma_wait3A_147 = arith.constant 0 : i32
    %dma_wait3A_148 = tpu.memref_slice %arg3[%arg0, %arg1, %dma_wait3A_142, %dma_wait3A_147] : memref<2x16x159x112xi32, #tpu.memory_space<hbm>> -> memref<1x1x1x112xi32, #tpu.memory_space<hbm>>
    %dma_wait3A_149 = tpu.memref_squeeze %dma_wait3A_148 : memref<1x1x1x112xi32, #tpu.memory_space<hbm>> -> memref<112xi32, #tpu.memory_space<hbm>>
    %dma_wait3A_150 = arith.constant 0 : i32
    %dma_wait3A_151 = tpu.memref_slice %arg6[%dma_wait3A_143, %dma_wait3A_150] : memref<3x112xi32, #tpu.memory_space<vmem>> -> memref<1x112xi32, #tpu.memory_space<vmem>>
    %dma_wait3A_152 = tpu.memref_squeeze %dma_wait3A_151 : memref<1x112xi32, #tpu.memory_space<vmem>> -> memref<112xi32, #tpu.memory_space<vmem>>
    %dma_wait3A_153 = arith.constant 0 : i32
    %dma_wait3A_154 = tpu.memref_slice %arg3[%arg0, %arg1, %dma_wait3A_142, %dma_wait3A_153] : memref<2x16x159x112xi32, #tpu.memory_space<hbm>> -> memref<1x1x1x112xi32, #tpu.memory_space<hbm>>
    %dma_wait3A_155 = tpu.memref_squeeze %dma_wait3A_154 : memref<1x1x1x112xi32, #tpu.memory_space<hbm>> -> memref<112xi32, #tpu.memory_space<hbm>>
    tpu.wait_dma2 semaphore(%arg14 : memref<!tpu.dma_semaphore, #tpu.memory_space<semaphore_mem>>) src(%dma_wait3A_155 : memref<112xi32, #tpu.memory_space<hbm>>) dst(%dma_wait3A_152 : memref<112xi32, #tpu.memory_space<vmem>>)
    %dma_start3A_156 = arith.constant 1 : i32
    %dma_start3A_157 = arith.constant 1 : i32
    %dma_start3A_158 = arith.constant 0 : i32
    %dma_start3A_159 = arith.constant 0 : i32
    %dma_start3A_160 = tpu.memref_slice %arg8[%dma_start3A_157, %dma_start3A_158, %dma_start3A_159] : memref<3x112x128xf32, #tpu.memory_space<vmem>> -> memref<1x112x128xf32, #tpu.memory_space<vmem>>
    %dma_start3A_161 = tpu.memref_squeeze %dma_start3A_160 : memref<1x112x128xf32, #tpu.memory_space<vmem>> -> memref<112x128xf32, #tpu.memory_space<vmem>>
    %dma_start3A_162 = arith.constant 0 : i32
    %dma_start3A_163 = tpu.memref_slice %arg6[%dma_start3A_156, %dma_start3A_162] : memref<3x112xi32, #tpu.memory_space<vmem>> -> memref<1x112xi32, #tpu.memory_space<vmem>>
    %dma_start3A_164 = tpu.memref_squeeze %dma_start3A_163 : memref<1x112xi32, #tpu.memory_space<vmem>> -> memref<112xi32, #tpu.memory_space<vmem>>
    %dma_start3A_165 = arith.constant 0 : i32
    %dma_start3A_166 = arith.constant 0 : i32
    %dma_start3A_167 = tpu.memref_slice %arg2[%dma_start3A_165, %dma_start3A_166] : memref<10000x128xf32, #tpu.memory_space<hbm>> -> memref<10000x128xf32, #tpu.memory_space<hbm>>
    tpu.enqueue_indirect_dma source(%dma_start3A_167 : memref<10000x128xf32, #tpu.memory_space<hbm>>) target(%dma_start3A_161 : memref<112x128xf32, #tpu.memory_space<vmem>>) offsets(%dma_start3A_164 : memref<112xi32, #tpu.memory_space<vmem>>) semaphore(%arg11 : memref<!tpu.dma_semaphore, #tpu.memory_space<semaphore_mem>>)
    %jit3A_168 = arith.constant 3 : i32
    %div3A = arith.divsi %select_n3A, %jit3A_168 : i32
    %sign3A = arith.constant 0 : i32
    %sign3A_169 = arith.cmpi sgt, %select_n3A, %sign3A : i32
    %sign3A_170 = arith.extui %sign3A_169 : i1 to i32
    %sign3A_171 = arith.constant 0 : i32
    %sign3A_172 = arith.cmpi slt, %select_n3A, %sign3A_171 : i32
    %sign3A_173 = arith.extui %sign3A_172 : i1 to i32
    %sign3A_174 = arith.subi %sign3A_170, %sign3A_173 : i32
    %sign3A_175 = arith.constant 0 : i32
    %sign3A_176 = arith.cmpi sgt, %jit3A_168, %sign3A_175 : i32
    %sign3A_177 = arith.extui %sign3A_176 : i1 to i32
    %sign3A_178 = arith.constant 0 : i32
    %sign3A_179 = arith.cmpi slt, %jit3A_168, %sign3A_178 : i32
    %sign3A_180 = arith.extui %sign3A_179 : i1 to i32
    %sign3A_181 = arith.subi %sign3A_177, %sign3A_180 : i32
    %ne3A = arith.cmpi ne, %sign3A_174, %sign3A_181 : i32
    %rem3A = arith.remsi %select_n3A, %jit3A_168 : i32
    %ne3A_182 = arith.constant 0 : i32
    %ne3A_183 = arith.cmpi ne, %rem3A, %ne3A_182 : i32
    %and3A = arith.andi %ne3A, %ne3A_183 : i1
    %sub3A = arith.constant 1 : i32
    %sub3A_184 = arith.subi %div3A, %sub3A : i32
    %select_n3A_185 = arith.select %and3A, %sub3A_184, %div3A : i32
    %while3A = arith.constant 0 : i32
    %while3A_186 = arith.constant 0 : i32
    %while3A_187 = arith.subi %select_n3A_185, %while3A_186 : i32
    %while3A_188 = arith.addi %while3A_186, %while3A_187 : i32
    %while3A_189 = arith.constant 1 : i32
    %while3A_190 = arith.divsi %while3A_187, %while3A_189 : i32
    %while3A_191 = arith.muli %while3A_190, %while3A_189 : i32
    %while3A_192 = arith.addi %while3A_186, %while3A_191 : i32
    %while3A_193 = arith.constant 1 : i32
    scf.for %while3A_198 = %while3A_186 to %while3A_192 step %while3A_193  : i32 {
      %mul3A_199 = arith.constant 3 : i32
      %mul3A_200 = arith.muli %while3A_198, %mul3A_199 : i32
      %add3A_201 = arith.constant 2 : i32
      %add3A_202 = arith.addi %mul3A_200, %add3A_201 : i32
      %lt3A = arith.cmpi slt, %add3A_202, %select_n3A : i32
      %convert_element_type3A = arith.extui %lt3A : i1 to i32
      %cond3A = arith.constant 0 : i32
      %cond3A_203 = arith.cmpi ne, %convert_element_type3A, %cond3A : i32
      scf.if %cond3A_203 {
        %add3A_337 = arith.constant 2 : i32
        %add3A_338 = arith.addi %mul3A_200, %add3A_337 : i32
        %dma_wait3A_339 = arith.constant 2 : i32
        %dma_wait3A_340 = arith.constant 0 : i32
        %dma_wait3A_341 = tpu.memref_slice %arg6[%dma_wait3A_339, %dma_wait3A_340] : memref<3x112xi32, #tpu.memory_space<vmem>> -> memref<1x112xi32, #tpu.memory_space<vmem>>
        %dma_wait3A_342 = tpu.memref_squeeze %dma_wait3A_341 : memref<1x112xi32, #tpu.memory_space<vmem>> -> memref<112xi32, #tpu.memory_space<vmem>>
        %dma_wait3A_343 = arith.constant 0 : i32
        %dma_wait3A_344 = tpu.memref_slice %arg3[%arg0, %arg1, %add3A_338, %dma_wait3A_343] : memref<2x16x159x112xi32, #tpu.memory_space<hbm>> -> memref<1x1x1x112xi32, #tpu.memory_space<hbm>>
        %dma_wait3A_345 = tpu.memref_squeeze %dma_wait3A_344 : memref<1x1x1x112xi32, #tpu.memory_space<hbm>> -> memref<112xi32, #tpu.memory_space<hbm>>
        %dma_wait3A_346 = arith.constant 0 : i32
        %dma_wait3A_347 = tpu.memref_slice %arg6[%dma_wait3A_339, %dma_wait3A_346] : memref<3x112xi32, #tpu.memory_space<vmem>> -> memref<1x112xi32, #tpu.memory_space<vmem>>
        %dma_wait3A_348 = tpu.memref_squeeze %dma_wait3A_347 : memref<1x112xi32, #tpu.memory_space<vmem>> -> memref<112xi32, #tpu.memory_space<vmem>>
        %dma_wait3A_349 = arith.constant 0 : i32
        %dma_wait3A_350 = tpu.memref_slice %arg3[%arg0, %arg1, %add3A_338, %dma_wait3A_349] : memref<2x16x159x112xi32, #tpu.memory_space<hbm>> -> memref<1x1x1x112xi32, #tpu.memory_space<hbm>>
        %dma_wait3A_351 = tpu.memref_squeeze %dma_wait3A_350 : memref<1x1x1x112xi32, #tpu.memory_space<hbm>> -> memref<112xi32, #tpu.memory_space<hbm>>
        tpu.wait_dma2 semaphore(%arg15 : memref<!tpu.dma_semaphore, #tpu.memory_space<semaphore_mem>>) src(%dma_wait3A_351 : memref<112xi32, #tpu.memory_space<hbm>>) dst(%dma_wait3A_348 : memref<112xi32, #tpu.memory_space<vmem>>)
        %dma_start3A_352 = arith.constant 2 : i32
        %dma_start3A_353 = arith.constant 2 : i32
        %dma_start3A_354 = arith.constant 0 : i32
        %dma_start3A_355 = arith.constant 0 : i32
        %dma_start3A_356 = tpu.memref_slice %arg8[%dma_start3A_353, %dma_start3A_354, %dma_start3A_355] : memref<3x112x128xf32, #tpu.memory_space<vmem>> -> memref<1x112x128xf32, #tpu.memory_space<vmem>>
        %dma_start3A_357 = tpu.memref_squeeze %dma_start3A_356 : memref<1x112x128xf32, #tpu.memory_space<vmem>> -> memref<112x128xf32, #tpu.memory_space<vmem>>
        %dma_start3A_358 = arith.constant 0 : i32
        %dma_start3A_359 = tpu.memref_slice %arg6[%dma_start3A_352, %dma_start3A_358] : memref<3x112xi32, #tpu.memory_space<vmem>> -> memref<1x112xi32, #tpu.memory_space<vmem>>
        %dma_start3A_360 = tpu.memref_squeeze %dma_start3A_359 : memref<1x112xi32, #tpu.memory_space<vmem>> -> memref<112xi32, #tpu.memory_space<vmem>>
        %dma_start3A_361 = arith.constant 0 : i32
        %dma_start3A_362 = arith.constant 0 : i32
        %dma_start3A_363 = tpu.memref_slice %arg2[%dma_start3A_361, %dma_start3A_362] : memref<10000x128xf32, #tpu.memory_space<hbm>> -> memref<10000x128xf32, #tpu.memory_space<hbm>>
        tpu.enqueue_indirect_dma source(%dma_start3A_363 : memref<10000x128xf32, #tpu.memory_space<hbm>>) target(%dma_start3A_357 : memref<112x128xf32, #tpu.memory_space<vmem>>) offsets(%dma_start3A_360 : memref<112xi32, #tpu.memory_space<vmem>>) semaphore(%arg12 : memref<!tpu.dma_semaphore, #tpu.memory_space<semaphore_mem>>)
      } else {
      }
      %dma_wait3A_204 = arith.constant 0 : i32
      %dma_wait3A_205 = arith.constant 0 : i32
      %dma_wait3A_206 = arith.constant 0 : i32
      %dma_wait3A_207 = arith.constant 0 : i32
      %dma_wait3A_208 = tpu.memref_slice %arg8[%dma_wait3A_205, %dma_wait3A_206, %dma_wait3A_207] : memref<3x112x128xf32, #tpu.memory_space<vmem>> -> memref<1x112x128xf32, #tpu.memory_space<vmem>>
      %dma_wait3A_209 = tpu.memref_squeeze %dma_wait3A_208 : memref<1x112x128xf32, #tpu.memory_space<vmem>> -> memref<112x128xf32, #tpu.memory_space<vmem>>
      %dma_wait3A_210 = arith.constant 0 : i32
      %dma_wait3A_211 = tpu.memref_slice %arg6[%dma_wait3A_204, %dma_wait3A_210] : memref<3x112xi32, #tpu.memory_space<vmem>> -> memref<1x112xi32, #tpu.memory_space<vmem>>
      %dma_wait3A_212 = tpu.memref_squeeze %dma_wait3A_211 : memref<1x112xi32, #tpu.memory_space<vmem>> -> memref<112xi32, #tpu.memory_space<vmem>>
      %dma_wait3A_213 = arith.constant 0 : i32
      %dma_wait3A_214 = arith.constant 0 : i32
      %dma_wait3A_215 = tpu.memref_slice %arg2[%dma_wait3A_213, %dma_wait3A_214] : memref<10000x128xf32, #tpu.memory_space<hbm>> -> memref<10000x128xf32, #tpu.memory_space<hbm>>
      tpu.wait_indirect_dma semaphore(%arg10 : memref<!tpu.dma_semaphore, #tpu.memory_space<semaphore_mem>>) src(%dma_wait3A_215 : memref<10000x128xf32, #tpu.memory_space<hbm>>) dst(%dma_wait3A_209 : memref<112x128xf32, #tpu.memory_space<vmem>>)
      %add3A_216 = arith.constant 3 : i32
      %add3A_217 = arith.addi %mul3A_200, %add3A_216 : i32
      %lt3A_218 = arith.cmpi slt, %add3A_217, %select_n3A : i32
      %convert_element_type3A_219 = arith.extui %lt3A_218 : i1 to i32
      %cond3A_220 = arith.constant 0 : i32
      %cond3A_221 = arith.cmpi ne, %convert_element_type3A_219, %cond3A_220 : i32
      scf.if %cond3A_221 {
        %add3A_337 = arith.constant 3 : i32
        %add3A_338 = arith.addi %mul3A_200, %add3A_337 : i32
        %dma_start3A_339 = arith.constant 0 : i32
        %dma_start3A_340 = arith.constant 0 : i32
        %dma_start3A_341 = tpu.memref_slice %arg6[%dma_start3A_339, %dma_start3A_340] : memref<3x112xi32, #tpu.memory_space<vmem>> -> memref<1x112xi32, #tpu.memory_space<vmem>>
        %dma_start3A_342 = tpu.memref_squeeze %dma_start3A_341 : memref<1x112xi32, #tpu.memory_space<vmem>> -> memref<112xi32, #tpu.memory_space<vmem>>
        %dma_start3A_343 = arith.constant 0 : i32
        %dma_start3A_344 = tpu.memref_slice %arg3[%arg0, %arg1, %add3A_338, %dma_start3A_343] : memref<2x16x159x112xi32, #tpu.memory_space<hbm>> -> memref<1x1x1x112xi32, #tpu.memory_space<hbm>>
        %dma_start3A_345 = tpu.memref_squeeze %dma_start3A_344 : memref<1x1x1x112xi32, #tpu.memory_space<hbm>> -> memref<112xi32, #tpu.memory_space<hbm>>
        %dma_start3A_346 = arith.constant 0 : i32
        %dma_start3A_347 = tpu.memref_slice %arg6[%dma_start3A_339, %dma_start3A_346] : memref<3x112xi32, #tpu.memory_space<vmem>> -> memref<1x112xi32, #tpu.memory_space<vmem>>
        %dma_start3A_348 = tpu.memref_squeeze %dma_start3A_347 : memref<1x112xi32, #tpu.memory_space<vmem>> -> memref<112xi32, #tpu.memory_space<vmem>>
        %dma_start3A_349 = arith.constant 0 : i32
        %dma_start3A_350 = tpu.memref_slice %arg3[%arg0, %arg1, %add3A_338, %dma_start3A_349] : memref<2x16x159x112xi32, #tpu.memory_space<hbm>> -> memref<1x1x1x112xi32, #tpu.memory_space<hbm>>
        %dma_start3A_351 = tpu.memref_squeeze %dma_start3A_350 : memref<1x1x1x112xi32, #tpu.memory_space<hbm>> -> memref<112xi32, #tpu.memory_space<hbm>>
        tpu.enqueue_dma source(%dma_start3A_351 : memref<112xi32, #tpu.memory_space<hbm>>) target(%dma_start3A_348 : memref<112xi32, #tpu.memory_space<vmem>>) target_semaphore(%arg13 : memref<!tpu.dma_semaphore, #tpu.memory_space<semaphore_mem>>)
      } else {
      }
      %dma_wait3A_222 = arith.constant 0 : i32
      %dma_wait3A_223 = arith.constant 0 : i32
      %dma_wait3A_224 = tpu.memref_slice %arg7[%dma_wait3A_222, %dma_wait3A_223] : memref<3x112xi32, #tpu.memory_space<vmem>> -> memref<1x112xi32, #tpu.memory_space<vmem>>
      %dma_wait3A_225 = tpu.memref_squeeze %dma_wait3A_224 : memref<1x112xi32, #tpu.memory_space<vmem>> -> memref<112xi32, #tpu.memory_space<vmem>>
      %dma_wait3A_226 = arith.constant 0 : i32
      %dma_wait3A_227 = tpu.memref_slice %arg4[%arg0, %arg1, %mul3A_200, %dma_wait3A_226] : memref<2x16x159x112xi32, #tpu.memory_space<hbm>> -> memref<1x1x1x112xi32, #tpu.memory_space<hbm>>
      %dma_wait3A_228 = tpu.memref_squeeze %dma_wait3A_227 : memref<1x1x1x112xi32, #tpu.memory_space<hbm>> -> memref<112xi32, #tpu.memory_space<hbm>>
      %dma_wait3A_229 = arith.constant 0 : i32
      %dma_wait3A_230 = tpu.memref_slice %arg7[%dma_wait3A_222, %dma_wait3A_229] : memref<3x112xi32, #tpu.memory_space<vmem>> -> memref<1x112xi32, #tpu.memory_space<vmem>>
      %dma_wait3A_231 = tpu.memref_squeeze %dma_wait3A_230 : memref<1x112xi32, #tpu.memory_space<vmem>> -> memref<112xi32, #tpu.memory_space<vmem>>
      %dma_wait3A_232 = arith.constant 0 : i32
      %dma_wait3A_233 = tpu.memref_slice %arg4[%arg0, %arg1, %mul3A_200, %dma_wait3A_232] : memref<2x16x159x112xi32, #tpu.memory_space<hbm>> -> memref<1x1x1x112xi32, #tpu.memory_space<hbm>>
      %dma_wait3A_234 = tpu.memref_squeeze %dma_wait3A_233 : memref<1x1x1x112xi32, #tpu.memory_space<hbm>> -> memref<112xi32, #tpu.memory_space<hbm>>
      tpu.wait_dma2 semaphore(%arg16 : memref<!tpu.dma_semaphore, #tpu.memory_space<semaphore_mem>>) src(%dma_wait3A_234 : memref<112xi32, #tpu.memory_space<hbm>>) dst(%dma_wait3A_231 : memref<112xi32, #tpu.memory_space<vmem>>)
      %run_scoped3A_235 = arith.constant 0 : i32
      %run_scoped3A_236 = arith.constant 0 : i32
      "tpu.region"() ({
        %run_scoped3A_337 = tpu.sem_alloc : memref<!tpu.dma_semaphore, #tpu.memory_space<semaphore_mem>>
        %dma_start3A_338 = arith.constant 0 : i32
        %dma_start3A_339 = arith.constant 0 : i32
        %dma_start3A_340 = tpu.memref_slice %arg8[%run_scoped3A_235, %dma_start3A_338, %dma_start3A_339] : memref<3x112x128xf32, #tpu.memory_space<vmem>> -> memref<1x112x128xf32, #tpu.memory_space<vmem>>
        %dma_start3A_341 = tpu.memref_squeeze %dma_start3A_340 : memref<1x112x128xf32, #tpu.memory_space<vmem>> -> memref<112x128xf32, #tpu.memory_space<vmem>>
        %dma_start3A_342 = arith.constant 0 : i32
        %dma_start3A_343 = tpu.memref_slice %arg7[%run_scoped3A_236, %dma_start3A_342] : memref<3x112xi32, #tpu.memory_space<vmem>> -> memref<1x112xi32, #tpu.memory_space<vmem>>
        %dma_start3A_344 = tpu.memref_squeeze %dma_start3A_343 : memref<1x112xi32, #tpu.memory_space<vmem>> -> memref<112xi32, #tpu.memory_space<vmem>>
        %dma_start3A_345 = arith.constant 0 : i32
        %dma_start3A_346 = arith.constant 0 : i32
        %dma_start3A_347 = tpu.memref_slice %arg9[%dma_start3A_345, %dma_start3A_346] : memref<10112x128xf32, #tpu.memory_space<vmem_shared>> -> memref<10112x128xf32, #tpu.memory_space<vmem_shared>>
        tpu.enqueue_indirect_dma source(%dma_start3A_341 : memref<112x128xf32, #tpu.memory_space<vmem>>) target(%dma_start3A_347 : memref<10112x128xf32, #tpu.memory_space<vmem_shared>>) offsets(%dma_start3A_344 : memref<112xi32, #tpu.memory_space<vmem>>) semaphore(%run_scoped3A_337 : memref<!tpu.dma_semaphore, #tpu.memory_space<semaphore_mem>>) {add = true}
        %dma_wait3A_348 = arith.constant 0 : i32
        %dma_wait3A_349 = arith.constant 0 : i32
        %dma_wait3A_350 = tpu.memref_slice %arg8[%run_scoped3A_235, %dma_wait3A_348, %dma_wait3A_349] : memref<3x112x128xf32, #tpu.memory_space<vmem>> -> memref<1x112x128xf32, #tpu.memory_space<vmem>>
        %dma_wait3A_351 = tpu.memref_squeeze %dma_wait3A_350 : memref<1x112x128xf32, #tpu.memory_space<vmem>> -> memref<112x128xf32, #tpu.memory_space<vmem>>
        %dma_wait3A_352 = arith.constant 0 : i32
        %dma_wait3A_353 = tpu.memref_slice %arg7[%run_scoped3A_236, %dma_wait3A_352] : memref<3x112xi32, #tpu.memory_space<vmem>> -> memref<1x112xi32, #tpu.memory_space<vmem>>
        %dma_wait3A_354 = tpu.memref_squeeze %dma_wait3A_353 : memref<1x112xi32, #tpu.memory_space<vmem>> -> memref<112xi32, #tpu.memory_space<vmem>>
        %dma_wait3A_355 = arith.constant 0 : i32
        %dma_wait3A_356 = arith.constant 0 : i32
        %dma_wait3A_357 = tpu.memref_slice %arg9[%dma_wait3A_355, %dma_wait3A_356] : memref<10112x128xf32, #tpu.memory_space<vmem_shared>> -> memref<10112x128xf32, #tpu.memory_space<vmem_shared>>
        tpu.wait_indirect_dma semaphore(%run_scoped3A_337 : memref<!tpu.dma_semaphore, #tpu.memory_space<semaphore_mem>>) src(%dma_wait3A_351 : memref<112x128xf32, #tpu.memory_space<vmem>>) dst(%dma_wait3A_357 : memref<10112x128xf32, #tpu.memory_space<vmem_shared>>)
        tpu.yield
      }) : () -> ()
      %add3A_237 = arith.constant 3 : i32
      %add3A_238 = arith.addi %mul3A_200, %add3A_237 : i32
      %lt3A_239 = arith.cmpi slt, %add3A_238, %select_n3A : i32
      %convert_element_type3A_240 = arith.extui %lt3A_239 : i1 to i32
      %cond3A_241 = arith.constant 0 : i32
      %cond3A_242 = arith.cmpi ne, %convert_element_type3A_240, %cond3A_241 : i32
      scf.if %cond3A_242 {
        %add3A_337 = arith.constant 3 : i32
        %add3A_338 = arith.addi %mul3A_200, %add3A_337 : i32
        %dma_start3A_339 = arith.constant 0 : i32
        %dma_start3A_340 = arith.constant 0 : i32
        %dma_start3A_341 = tpu.memref_slice %arg7[%dma_start3A_339, %dma_start3A_340] : memref<3x112xi32, #tpu.memory_space<vmem>> -> memref<1x112xi32, #tpu.memory_space<vmem>>
        %dma_start3A_342 = tpu.memref_squeeze %dma_start3A_341 : memref<1x112xi32, #tpu.memory_space<vmem>> -> memref<112xi32, #tpu.memory_space<vmem>>
        %dma_start3A_343 = arith.constant 0 : i32
        %dma_start3A_344 = tpu.memref_slice %arg4[%arg0, %arg1, %add3A_338, %dma_start3A_343] : memref<2x16x159x112xi32, #tpu.memory_space<hbm>> -> memref<1x1x1x112xi32, #tpu.memory_space<hbm>>
        %dma_start3A_345 = tpu.memref_squeeze %dma_start3A_344 : memref<1x1x1x112xi32, #tpu.memory_space<hbm>> -> memref<112xi32, #tpu.memory_space<hbm>>
        %dma_start3A_346 = arith.constant 0 : i32
        %dma_start3A_347 = tpu.memref_slice %arg7[%dma_start3A_339, %dma_start3A_346] : memref<3x112xi32, #tpu.memory_space<vmem>> -> memref<1x112xi32, #tpu.memory_space<vmem>>
        %dma_start3A_348 = tpu.memref_squeeze %dma_start3A_347 : memref<1x112xi32, #tpu.memory_space<vmem>> -> memref<112xi32, #tpu.memory_space<vmem>>
        %dma_start3A_349 = arith.constant 0 : i32
        %dma_start3A_350 = tpu.memref_slice %arg4[%arg0, %arg1, %add3A_338, %dma_start3A_349] : memref<2x16x159x112xi32, #tpu.memory_space<hbm>> -> memref<1x1x1x112xi32, #tpu.memory_space<hbm>>
        %dma_start3A_351 = tpu.memref_squeeze %dma_start3A_350 : memref<1x1x1x112xi32, #tpu.memory_space<hbm>> -> memref<112xi32, #tpu.memory_space<hbm>>
        tpu.enqueue_dma source(%dma_start3A_351 : memref<112xi32, #tpu.memory_space<hbm>>) target(%dma_start3A_348 : memref<112xi32, #tpu.memory_space<vmem>>) target_semaphore(%arg16 : memref<!tpu.dma_semaphore, #tpu.memory_space<semaphore_mem>>)
      } else {
      }
      %add3A_243 = arith.constant 1 : i32
      %add3A_244 = arith.addi %mul3A_200, %add3A_243 : i32
      %add3A_245 = arith.constant 2 : i32
      %add3A_246 = arith.addi %add3A_244, %add3A_245 : i32
      %lt3A_247 = arith.cmpi slt, %add3A_246, %select_n3A : i32
      %convert_element_type3A_248 = arith.extui %lt3A_247 : i1 to i32
      %cond3A_249 = arith.constant 0 : i32
      %cond3A_250 = arith.cmpi ne, %convert_element_type3A_248, %cond3A_249 : i32
      scf.if %cond3A_250 {
        %add3A_337 = arith.constant 2 : i32
        %add3A_338 = arith.addi %add3A_244, %add3A_337 : i32
        %dma_wait3A_339 = arith.constant 0 : i32
        %dma_wait3A_340 = arith.constant 0 : i32
        %dma_wait3A_341 = tpu.memref_slice %arg6[%dma_wait3A_339, %dma_wait3A_340] : memref<3x112xi32, #tpu.memory_space<vmem>> -> memref<1x112xi32, #tpu.memory_space<vmem>>
        %dma_wait3A_342 = tpu.memref_squeeze %dma_wait3A_341 : memref<1x112xi32, #tpu.memory_space<vmem>> -> memref<112xi32, #tpu.memory_space<vmem>>
        %dma_wait3A_343 = arith.constant 0 : i32
        %dma_wait3A_344 = tpu.memref_slice %arg3[%arg0, %arg1, %add3A_338, %dma_wait3A_343] : memref<2x16x159x112xi32, #tpu.memory_space<hbm>> -> memref<1x1x1x112xi32, #tpu.memory_space<hbm>>
        %dma_wait3A_345 = tpu.memref_squeeze %dma_wait3A_344 : memref<1x1x1x112xi32, #tpu.memory_space<hbm>> -> memref<112xi32, #tpu.memory_space<hbm>>
        %dma_wait3A_346 = arith.constant 0 : i32
        %dma_wait3A_347 = tpu.memref_slice %arg6[%dma_wait3A_339, %dma_wait3A_346] : memref<3x112xi32, #tpu.memory_space<vmem>> -> memref<1x112xi32, #tpu.memory_space<vmem>>
        %dma_wait3A_348 = tpu.memref_squeeze %dma_wait3A_347 : memref<1x112xi32, #tpu.memory_space<vmem>> -> memref<112xi32, #tpu.memory_space<vmem>>
        %dma_wait3A_349 = arith.constant 0 : i32
        %dma_wait3A_350 = tpu.memref_slice %arg3[%arg0, %arg1, %add3A_338, %dma_wait3A_349] : memref<2x16x159x112xi32, #tpu.memory_space<hbm>> -> memref<1x1x1x112xi32, #tpu.memory_space<hbm>>
        %dma_wait3A_351 = tpu.memref_squeeze %dma_wait3A_350 : memref<1x1x1x112xi32, #tpu.memory_space<hbm>> -> memref<112xi32, #tpu.memory_space<hbm>>
        tpu.wait_dma2 semaphore(%arg13 : memref<!tpu.dma_semaphore, #tpu.memory_space<semaphore_mem>>) src(%dma_wait3A_351 : memref<112xi32, #tpu.memory_space<hbm>>) dst(%dma_wait3A_348 : memref<112xi32, #tpu.memory_space<vmem>>)
        %dma_start3A_352 = arith.constant 0 : i32
        %dma_start3A_353 = arith.constant 0 : i32
        %dma_start3A_354 = arith.constant 0 : i32
        %dma_start3A_355 = arith.constant 0 : i32
        %dma_start3A_356 = tpu.memref_slice %arg8[%dma_start3A_353, %dma_start3A_354, %dma_start3A_355] : memref<3x112x128xf32, #tpu.memory_space<vmem>> -> memref<1x112x128xf32, #tpu.memory_space<vmem>>
        %dma_start3A_357 = tpu.memref_squeeze %dma_start3A_356 : memref<1x112x128xf32, #tpu.memory_space<vmem>> -> memref<112x128xf32, #tpu.memory_space<vmem>>
        %dma_start3A_358 = arith.constant 0 : i32
        %dma_start3A_359 = tpu.memref_slice %arg6[%dma_start3A_352, %dma_start3A_358] : memref<3x112xi32, #tpu.memory_space<vmem>> -> memref<1x112xi32, #tpu.memory_space<vmem>>
        %dma_start3A_360 = tpu.memref_squeeze %dma_start3A_359 : memref<1x112xi32, #tpu.memory_space<vmem>> -> memref<112xi32, #tpu.memory_space<vmem>>
        %dma_start3A_361 = arith.constant 0 : i32
        %dma_start3A_362 = arith.constant 0 : i32
        %dma_start3A_363 = tpu.memref_slice %arg2[%dma_start3A_361, %dma_start3A_362] : memref<10000x128xf32, #tpu.memory_space<hbm>> -> memref<10000x128xf32, #tpu.memory_space<hbm>>
        tpu.enqueue_indirect_dma source(%dma_start3A_363 : memref<10000x128xf32, #tpu.memory_space<hbm>>) target(%dma_start3A_357 : memref<112x128xf32, #tpu.memory_space<vmem>>) offsets(%dma_start3A_360 : memref<112xi32, #tpu.memory_space<vmem>>) semaphore(%arg10 : memref<!tpu.dma_semaphore, #tpu.memory_space<semaphore_mem>>)
      } else {
      }
      %dma_wait3A_251 = arith.constant 1 : i32
      %dma_wait3A_252 = arith.constant 1 : i32
      %dma_wait3A_253 = arith.constant 0 : i32
      %dma_wait3A_254 = arith.constant 0 : i32
      %dma_wait3A_255 = tpu.memref_slice %arg8[%dma_wait3A_252, %dma_wait3A_253, %dma_wait3A_254] : memref<3x112x128xf32, #tpu.memory_space<vmem>> -> memref<1x112x128xf32, #tpu.memory_space<vmem>>
      %dma_wait3A_256 = tpu.memref_squeeze %dma_wait3A_255 : memref<1x112x128xf32, #tpu.memory_space<vmem>> -> memref<112x128xf32, #tpu.memory_space<vmem>>
      %dma_wait3A_257 = arith.constant 0 : i32
      %dma_wait3A_258 = tpu.memref_slice %arg6[%dma_wait3A_251, %dma_wait3A_257] : memref<3x112xi32, #tpu.memory_space<vmem>> -> memref<1x112xi32, #tpu.memory_space<vmem>>
      %dma_wait3A_259 = tpu.memref_squeeze %dma_wait3A_258 : memref<1x112xi32, #tpu.memory_space<vmem>> -> memref<112xi32, #tpu.memory_space<vmem>>
      %dma_wait3A_260 = arith.constant 0 : i32
      %dma_wait3A_261 = arith.constant 0 : i32
      %dma_wait3A_262 = tpu.memref_slice %arg2[%dma_wait3A_260, %dma_wait3A_261] : memref<10000x128xf32, #tpu.memory_space<hbm>> -> memref<10000x128xf32, #tpu.memory_space<hbm>>
      tpu.wait_indirect_dma semaphore(%arg11 : memref<!tpu.dma_semaphore, #tpu.memory_space<semaphore_mem>>) src(%dma_wait3A_262 : memref<10000x128xf32, #tpu.memory_space<hbm>>) dst(%dma_wait3A_256 : memref<112x128xf32, #tpu.memory_space<vmem>>)
      %add3A_263 = arith.constant 3 : i32
      %add3A_264 = arith.addi %add3A_244, %add3A_263 : i32
      %lt3A_265 = arith.cmpi slt, %add3A_264, %select_n3A : i32
      %convert_element_type3A_266 = arith.extui %lt3A_265 : i1 to i32
      %cond3A_267 = arith.constant 0 : i32
      %cond3A_268 = arith.cmpi ne, %convert_element_type3A_266, %cond3A_267 : i32
      scf.if %cond3A_268 {
        %add3A_337 = arith.constant 3 : i32
        %add3A_338 = arith.addi %add3A_244, %add3A_337 : i32
        %dma_start3A_339 = arith.constant 1 : i32
        %dma_start3A_340 = arith.constant 0 : i32
        %dma_start3A_341 = tpu.memref_slice %arg6[%dma_start3A_339, %dma_start3A_340] : memref<3x112xi32, #tpu.memory_space<vmem>> -> memref<1x112xi32, #tpu.memory_space<vmem>>
        %dma_start3A_342 = tpu.memref_squeeze %dma_start3A_341 : memref<1x112xi32, #tpu.memory_space<vmem>> -> memref<112xi32, #tpu.memory_space<vmem>>
        %dma_start3A_343 = arith.constant 0 : i32
        %dma_start3A_344 = tpu.memref_slice %arg3[%arg0, %arg1, %add3A_338, %dma_start3A_343] : memref<2x16x159x112xi32, #tpu.memory_space<hbm>> -> memref<1x1x1x112xi32, #tpu.memory_space<hbm>>
        %dma_start3A_345 = tpu.memref_squeeze %dma_start3A_344 : memref<1x1x1x112xi32, #tpu.memory_space<hbm>> -> memref<112xi32, #tpu.memory_space<hbm>>
        %dma_start3A_346 = arith.constant 0 : i32
        %dma_start3A_347 = tpu.memref_slice %arg6[%dma_start3A_339, %dma_start3A_346] : memref<3x112xi32, #tpu.memory_space<vmem>> -> memref<1x112xi32, #tpu.memory_space<vmem>>
        %dma_start3A_348 = tpu.memref_squeeze %dma_start3A_347 : memref<1x112xi32, #tpu.memory_space<vmem>> -> memref<112xi32, #tpu.memory_space<vmem>>
        %dma_start3A_349 = arith.constant 0 : i32
        %dma_start3A_350 = tpu.memref_slice %arg3[%arg0, %arg1, %add3A_338, %dma_start3A_349] : memref<2x16x159x112xi32, #tpu.memory_space<hbm>> -> memref<1x1x1x112xi32, #tpu.memory_space<hbm>>
        %dma_start3A_351 = tpu.memref_squeeze %dma_start3A_350 : memref<1x1x1x112xi32, #tpu.memory_space<hbm>> -> memref<112xi32, #tpu.memory_space<hbm>>
        tpu.enqueue_dma source(%dma_start3A_351 : memref<112xi32, #tpu.memory_space<hbm>>) target(%dma_start3A_348 : memref<112xi32, #tpu.memory_space<vmem>>) target_semaphore(%arg14 : memref<!tpu.dma_semaphore, #tpu.memory_space<semaphore_mem>>)
      } else {
      }
      %dma_wait3A_269 = arith.constant 1 : i32
      %dma_wait3A_270 = arith.constant 0 : i32
      %dma_wait3A_271 = tpu.memref_slice %arg7[%dma_wait3A_269, %dma_wait3A_270] : memref<3x112xi32, #tpu.memory_space<vmem>> -> memref<1x112xi32, #tpu.memory_space<vmem>>
      %dma_wait3A_272 = tpu.memref_squeeze %dma_wait3A_271 : memref<1x112xi32, #tpu.memory_space<vmem>> -> memref<112xi32, #tpu.memory_space<vmem>>
      %dma_wait3A_273 = arith.constant 0 : i32
      %dma_wait3A_274 = tpu.memref_slice %arg4[%arg0, %arg1, %add3A_244, %dma_wait3A_273] : memref<2x16x159x112xi32, #tpu.memory_space<hbm>> -> memref<1x1x1x112xi32, #tpu.memory_space<hbm>>
      %dma_wait3A_275 = tpu.memref_squeeze %dma_wait3A_274 : memref<1x1x1x112xi32, #tpu.memory_space<hbm>> -> memref<112xi32, #tpu.memory_space<hbm>>
      %dma_wait3A_276 = arith.constant 0 : i32
      %dma_wait3A_277 = tpu.memref_slice %arg7[%dma_wait3A_269, %dma_wait3A_276] : memref<3x112xi32, #tpu.memory_space<vmem>> -> memref<1x112xi32, #tpu.memory_space<vmem>>
      %dma_wait3A_278 = tpu.memref_squeeze %dma_wait3A_277 : memref<1x112xi32, #tpu.memory_space<vmem>> -> memref<112xi32, #tpu.memory_space<vmem>>
      %dma_wait3A_279 = arith.constant 0 : i32
      %dma_wait3A_280 = tpu.memref_slice %arg4[%arg0, %arg1, %add3A_244, %dma_wait3A_279] : memref<2x16x159x112xi32, #tpu.memory_space<hbm>> -> memref<1x1x1x112xi32, #tpu.memory_space<hbm>>
      %dma_wait3A_281 = tpu.memref_squeeze %dma_wait3A_280 : memref<1x1x1x112xi32, #tpu.memory_space<hbm>> -> memref<112xi32, #tpu.memory_space<hbm>>
      tpu.wait_dma2 semaphore(%arg17 : memref<!tpu.dma_semaphore, #tpu.memory_space<semaphore_mem>>) src(%dma_wait3A_281 : memref<112xi32, #tpu.memory_space<hbm>>) dst(%dma_wait3A_278 : memref<112xi32, #tpu.memory_space<vmem>>)
      %run_scoped3A_282 = arith.constant 1 : i32
      %run_scoped3A_283 = arith.constant 1 : i32
      "tpu.region"() ({
        %run_scoped3A_337 = tpu.sem_alloc : memref<!tpu.dma_semaphore, #tpu.memory_space<semaphore_mem>>
        %dma_start3A_338 = arith.constant 0 : i32
        %dma_start3A_339 = arith.constant 0 : i32
        %dma_start3A_340 = tpu.memref_slice %arg8[%run_scoped3A_282, %dma_start3A_338, %dma_start3A_339] : memref<3x112x128xf32, #tpu.memory_space<vmem>> -> memref<1x112x128xf32, #tpu.memory_space<vmem>>
        %dma_start3A_341 = tpu.memref_squeeze %dma_start3A_340 : memref<1x112x128xf32, #tpu.memory_space<vmem>> -> memref<112x128xf32, #tpu.memory_space<vmem>>
        %dma_start3A_342 = arith.constant 0 : i32
        %dma_start3A_343 = tpu.memref_slice %arg7[%run_scoped3A_283, %dma_start3A_342] : memref<3x112xi32, #tpu.memory_space<vmem>> -> memref<1x112xi32, #tpu.memory_space<vmem>>
        %dma_start3A_344 = tpu.memref_squeeze %dma_start3A_343 : memref<1x112xi32, #tpu.memory_space<vmem>> -> memref<112xi32, #tpu.memory_space<vmem>>
        %dma_start3A_345 = arith.constant 0 : i32
        %dma_start3A_346 = arith.constant 0 : i32
        %dma_start3A_347 = tpu.memref_slice %arg9[%dma_start3A_345, %dma_start3A_346] : memref<10112x128xf32, #tpu.memory_space<vmem_shared>> -> memref<10112x128xf32, #tpu.memory_space<vmem_shared>>
        tpu.enqueue_indirect_dma source(%dma_start3A_341 : memref<112x128xf32, #tpu.memory_space<vmem>>) target(%dma_start3A_347 : memref<10112x128xf32, #tpu.memory_space<vmem_shared>>) offsets(%dma_start3A_344 : memref<112xi32, #tpu.memory_space<vmem>>) semaphore(%run_scoped3A_337 : memref<!tpu.dma_semaphore, #tpu.memory_space<semaphore_mem>>) {add = true}
        %dma_wait3A_348 = arith.constant 0 : i32
        %dma_wait3A_349 = arith.constant 0 : i32
        %dma_wait3A_350 = tpu.memref_slice %arg8[%run_scoped3A_282, %dma_wait3A_348, %dma_wait3A_349] : memref<3x112x128xf32, #tpu.memory_space<vmem>> -> memref<1x112x128xf32, #tpu.memory_space<vmem>>
        %dma_wait3A_351 = tpu.memref_squeeze %dma_wait3A_350 : memref<1x112x128xf32, #tpu.memory_space<vmem>> -> memref<112x128xf32, #tpu.memory_space<vmem>>
        %dma_wait3A_352 = arith.constant 0 : i32
        %dma_wait3A_353 = tpu.memref_slice %arg7[%run_scoped3A_283, %dma_wait3A_352] : memref<3x112xi32, #tpu.memory_space<vmem>> -> memref<1x112xi32, #tpu.memory_space<vmem>>
        %dma_wait3A_354 = tpu.memref_squeeze %dma_wait3A_353 : memref<1x112xi32, #tpu.memory_space<vmem>> -> memref<112xi32, #tpu.memory_space<vmem>>
        %dma_wait3A_355 = arith.constant 0 : i32
        %dma_wait3A_356 = arith.constant 0 : i32
        %dma_wait3A_357 = tpu.memref_slice %arg9[%dma_wait3A_355, %dma_wait3A_356] : memref<10112x128xf32, #tpu.memory_space<vmem_shared>> -> memref<10112x128xf32, #tpu.memory_space<vmem_shared>>
        tpu.wait_indirect_dma semaphore(%run_scoped3A_337 : memref<!tpu.dma_semaphore, #tpu.memory_space<semaphore_mem>>) src(%dma_wait3A_351 : memref<112x128xf32, #tpu.memory_space<vmem>>) dst(%dma_wait3A_357 : memref<10112x128xf32, #tpu.memory_space<vmem_shared>>)
        tpu.yield
      }) : () -> ()
      %add3A_284 = arith.constant 3 : i32
      %add3A_285 = arith.addi %add3A_244, %add3A_284 : i32
      %lt3A_286 = arith.cmpi slt, %add3A_285, %select_n3A : i32
      %convert_element_type3A_287 = arith.extui %lt3A_286 : i1 to i32
      %cond3A_288 = arith.constant 0 : i32
      %cond3A_289 = arith.cmpi ne, %convert_element_type3A_287, %cond3A_288 : i32
      scf.if %cond3A_289 {
        %add3A_337 = arith.constant 3 : i32
        %add3A_338 = arith.addi %add3A_244, %add3A_337 : i32
        %dma_start3A_339 = arith.constant 1 : i32
        %dma_start3A_340 = arith.constant 0 : i32
        %dma_start3A_341 = tpu.memref_slice %arg7[%dma_start3A_339, %dma_start3A_340] : memref<3x112xi32, #tpu.memory_space<vmem>> -> memref<1x112xi32, #tpu.memory_space<vmem>>
        %dma_start3A_342 = tpu.memref_squeeze %dma_start3A_341 : memref<1x112xi32, #tpu.memory_space<vmem>> -> memref<112xi32, #tpu.memory_space<vmem>>
        %dma_start3A_343 = arith.constant 0 : i32
        %dma_start3A_344 = tpu.memref_slice %arg4[%arg0, %arg1, %add3A_338, %dma_start3A_343] : memref<2x16x159x112xi32, #tpu.memory_space<hbm>> -> memref<1x1x1x112xi32, #tpu.memory_space<hbm>>
        %dma_start3A_345 = tpu.memref_squeeze %dma_start3A_344 : memref<1x1x1x112xi32, #tpu.memory_space<hbm>> -> memref<112xi32, #tpu.memory_space<hbm>>
        %dma_start3A_346 = arith.constant 0 : i32
        %dma_start3A_347 = tpu.memref_slice %arg7[%dma_start3A_339, %dma_start3A_346] : memref<3x112xi32, #tpu.memory_space<vmem>> -> memref<1x112xi32, #tpu.memory_space<vmem>>
        %dma_start3A_348 = tpu.memref_squeeze %dma_start3A_347 : memref<1x112xi32, #tpu.memory_space<vmem>> -> memref<112xi32, #tpu.memory_space<vmem>>
        %dma_start3A_349 = arith.constant 0 : i32
        %dma_start3A_350 = tpu.memref_slice %arg4[%arg0, %arg1, %add3A_338, %dma_start3A_349] : memref<2x16x159x112xi32, #tpu.memory_space<hbm>> -> memref<1x1x1x112xi32, #tpu.memory_space<hbm>>
        %dma_start3A_351 = tpu.memref_squeeze %dma_start3A_350 : memref<1x1x1x112xi32, #tpu.memory_space<hbm>> -> memref<112xi32, #tpu.memory_space<hbm>>
        tpu.enqueue_dma source(%dma_start3A_351 : memref<112xi32, #tpu.memory_space<hbm>>) target(%dma_start3A_348 : memref<112xi32, #tpu.memory_space<vmem>>) target_semaphore(%arg17 : memref<!tpu.dma_semaphore, #tpu.memory_space<semaphore_mem>>)
      } else {
      }
      %add3A_290 = arith.constant 2 : i32
      %add3A_291 = arith.addi %mul3A_200, %add3A_290 : i32
      %add3A_292 = arith.constant 2 : i32
      %add3A_293 = arith.addi %add3A_291, %add3A_292 : i32
      %lt3A_294 = arith.cmpi slt, %add3A_293, %select_n3A : i32
      %convert_element_type3A_295 = arith.extui %lt3A_294 : i1 to i32
      %cond3A_296 = arith.constant 0 : i32
      %cond3A_297 = arith.cmpi ne, %convert_element_type3A_295, %cond3A_296 : i32
      scf.if %cond3A_297 {
        %add3A_337 = arith.constant 2 : i32
        %add3A_338 = arith.addi %add3A_291, %add3A_337 : i32
        %dma_wait3A_339 = arith.constant 1 : i32
        %dma_wait3A_340 = arith.constant 0 : i32
        %dma_wait3A_341 = tpu.memref_slice %arg6[%dma_wait3A_339, %dma_wait3A_340] : memref<3x112xi32, #tpu.memory_space<vmem>> -> memref<1x112xi32, #tpu.memory_space<vmem>>
        %dma_wait3A_342 = tpu.memref_squeeze %dma_wait3A_341 : memref<1x112xi32, #tpu.memory_space<vmem>> -> memref<112xi32, #tpu.memory_space<vmem>>
        %dma_wait3A_343 = arith.constant 0 : i32
        %dma_wait3A_344 = tpu.memref_slice %arg3[%arg0, %arg1, %add3A_338, %dma_wait3A_343] : memref<2x16x159x112xi32, #tpu.memory_space<hbm>> -> memref<1x1x1x112xi32, #tpu.memory_space<hbm>>
        %dma_wait3A_345 = tpu.memref_squeeze %dma_wait3A_344 : memref<1x1x1x112xi32, #tpu.memory_space<hbm>> -> memref<112xi32, #tpu.memory_space<hbm>>
        %dma_wait3A_346 = arith.constant 0 : i32
        %dma_wait3A_347 = tpu.memref_slice %arg6[%dma_wait3A_339, %dma_wait3A_346] : memref<3x112xi32, #tpu.memory_space<vmem>> -> memref<1x112xi32, #tpu.memory_space<vmem>>
        %dma_wait3A_348 = tpu.memref_squeeze %dma_wait3A_347 : memref<1x112xi32, #tpu.memory_space<vmem>> -> memref<112xi32, #tpu.memory_space<vmem>>
        %dma_wait3A_349 = arith.constant 0 : i32
        %dma_wait3A_350 = tpu.memref_slice %arg3[%arg0, %arg1, %add3A_338, %dma_wait3A_349] : memref<2x16x159x112xi32, #tpu.memory_space<hbm>> -> memref<1x1x1x112xi32, #tpu.memory_space<hbm>>
        %dma_wait3A_351 = tpu.memref_squeeze %dma_wait3A_350 : memref<1x1x1x112xi32, #tpu.memory_space<hbm>> -> memref<112xi32, #tpu.memory_space<hbm>>
        tpu.wait_dma2 semaphore(%arg14 : memref<!tpu.dma_semaphore, #tpu.memory_space<semaphore_mem>>) src(%dma_wait3A_351 : memref<112xi32, #tpu.memory_space<hbm>>) dst(%dma_wait3A_348 : memref<112xi32, #tpu.memory_space<vmem>>)
        %dma_start3A_352 = arith.constant 1 : i32
        %dma_start3A_353 = arith.constant 1 : i32
        %dma_start3A_354 = arith.constant 0 : i32
        %dma_start3A_355 = arith.constant 0 : i32
        %dma_start3A_356 = tpu.memref_slice %arg8[%dma_start3A_353, %dma_start3A_354, %dma_start3A_355] : memref<3x112x128xf32, #tpu.memory_space<vmem>> -> memref<1x112x128xf32, #tpu.memory_space<vmem>>
        %dma_start3A_357 = tpu.memref_squeeze %dma_start3A_356 : memref<1x112x128xf32, #tpu.memory_space<vmem>> -> memref<112x128xf32, #tpu.memory_space<vmem>>
        %dma_start3A_358 = arith.constant 0 : i32
        %dma_start3A_359 = tpu.memref_slice %arg6[%dma_start3A_352, %dma_start3A_358] : memref<3x112xi32, #tpu.memory_space<vmem>> -> memref<1x112xi32, #tpu.memory_space<vmem>>
        %dma_start3A_360 = tpu.memref_squeeze %dma_start3A_359 : memref<1x112xi32, #tpu.memory_space<vmem>> -> memref<112xi32, #tpu.memory_space<vmem>>
        %dma_start3A_361 = arith.constant 0 : i32
        %dma_start3A_362 = arith.constant 0 : i32
        %dma_start3A_363 = tpu.memref_slice %arg2[%dma_start3A_361, %dma_start3A_362] : memref<10000x128xf32, #tpu.memory_space<hbm>> -> memref<10000x128xf32, #tpu.memory_space<hbm>>
        tpu.enqueue_indirect_dma source(%dma_start3A_363 : memref<10000x128xf32, #tpu.memory_space<hbm>>) target(%dma_start3A_357 : memref<112x128xf32, #tpu.memory_space<vmem>>) offsets(%dma_start3A_360 : memref<112xi32, #tpu.memory_space<vmem>>) semaphore(%arg11 : memref<!tpu.dma_semaphore, #tpu.memory_space<semaphore_mem>>)
      } else {
      }
      %dma_wait3A_298 = arith.constant 2 : i32
      %dma_wait3A_299 = arith.constant 2 : i32
      %dma_wait3A_300 = arith.constant 0 : i32
      %dma_wait3A_301 = arith.constant 0 : i32
      %dma_wait3A_302 = tpu.memref_slice %arg8[%dma_wait3A_299, %dma_wait3A_300, %dma_wait3A_301] : memref<3x112x128xf32, #tpu.memory_space<vmem>> -> memref<1x112x128xf32, #tpu.memory_space<vmem>>
      %dma_wait3A_303 = tpu.memref_squeeze %dma_wait3A_302 : memref<1x112x128xf32, #tpu.memory_space<vmem>> -> memref<112x128xf32, #tpu.memory_space<vmem>>
      %dma_wait3A_304 = arith.constant 0 : i32
      %dma_wait3A_305 = tpu.memref_slice %arg6[%dma_wait3A_298, %dma_wait3A_304] : memref<3x112xi32, #tpu.memory_space<vmem>> -> memref<1x112xi32, #tpu.memory_space<vmem>>
      %dma_wait3A_306 = tpu.memref_squeeze %dma_wait3A_305 : memref<1x112xi32, #tpu.memory_space<vmem>> -> memref<112xi32, #tpu.memory_space<vmem>>
      %dma_wait3A_307 = arith.constant 0 : i32
      %dma_wait3A_308 = arith.constant 0 : i32
      %dma_wait3A_309 = tpu.memref_slice %arg2[%dma_wait3A_307, %dma_wait3A_308] : memref<10000x128xf32, #tpu.memory_space<hbm>> -> memref<10000x128xf32, #tpu.memory_space<hbm>>
      tpu.wait_indirect_dma semaphore(%arg12 : memref<!tpu.dma_semaphore, #tpu.memory_space<semaphore_mem>>) src(%dma_wait3A_309 : memref<10000x128xf32, #tpu.memory_space<hbm>>) dst(%dma_wait3A_303 : memref<112x128xf32, #tpu.memory_space<vmem>>)
      %add3A_310 = arith.constant 3 : i32
      %add3A_311 = arith.addi %add3A_291, %add3A_310 : i32
      %lt3A_312 = arith.cmpi slt, %add3A_311, %select_n3A : i32
      %convert_element_type3A_313 = arith.extui %lt3A_312 : i1 to i32
      %cond3A_314 = arith.constant 0 : i32
      %cond3A_315 = arith.cmpi ne, %convert_element_type3A_313, %cond3A_314 : i32
      scf.if %cond3A_315 {
        %add3A_337 = arith.constant 3 : i32
        %add3A_338 = arith.addi %add3A_291, %add3A_337 : i32
        %dma_start3A_339 = arith.constant 2 : i32
        %dma_start3A_340 = arith.constant 0 : i32
        %dma_start3A_341 = tpu.memref_slice %arg6[%dma_start3A_339, %dma_start3A_340] : memref<3x112xi32, #tpu.memory_space<vmem>> -> memref<1x112xi32, #tpu.memory_space<vmem>>
        %dma_start3A_342 = tpu.memref_squeeze %dma_start3A_341 : memref<1x112xi32, #tpu.memory_space<vmem>> -> memref<112xi32, #tpu.memory_space<vmem>>
        %dma_start3A_343 = arith.constant 0 : i32
        %dma_start3A_344 = tpu.memref_slice %arg3[%arg0, %arg1, %add3A_338, %dma_start3A_343] : memref<2x16x159x112xi32, #tpu.memory_space<hbm>> -> memref<1x1x1x112xi32, #tpu.memory_space<hbm>>
        %dma_start3A_345 = tpu.memref_squeeze %dma_start3A_344 : memref<1x1x1x112xi32, #tpu.memory_space<hbm>> -> memref<112xi32, #tpu.memory_space<hbm>>
        %dma_start3A_346 = arith.constant 0 : i32
        %dma_start3A_347 = tpu.memref_slice %arg6[%dma_start3A_339, %dma_start3A_346] : memref<3x112xi32, #tpu.memory_space<vmem>> -> memref<1x112xi32, #tpu.memory_space<vmem>>
        %dma_start3A_348 = tpu.memref_squeeze %dma_start3A_347 : memref<1x112xi32, #tpu.memory_space<vmem>> -> memref<112xi32, #tpu.memory_space<vmem>>
        %dma_start3A_349 = arith.constant 0 : i32
        %dma_start3A_350 = tpu.memref_slice %arg3[%arg0, %arg1, %add3A_338, %dma_start3A_349] : memref<2x16x159x112xi32, #tpu.memory_space<hbm>> -> memref<1x1x1x112xi32, #tpu.memory_space<hbm>>
        %dma_start3A_351 = tpu.memref_squeeze %dma_start3A_350 : memref<1x1x1x112xi32, #tpu.memory_space<hbm>> -> memref<112xi32, #tpu.memory_space<hbm>>
        tpu.enqueue_dma source(%dma_start3A_351 : memref<112xi32, #tpu.memory_space<hbm>>) target(%dma_start3A_348 : memref<112xi32, #tpu.memory_space<vmem>>) target_semaphore(%arg15 : memref<!tpu.dma_semaphore, #tpu.memory_space<semaphore_mem>>)
      } else {
      }
      %dma_wait3A_316 = arith.constant 2 : i32
      %dma_wait3A_317 = arith.constant 0 : i32
      %dma_wait3A_318 = tpu.memref_slice %arg7[%dma_wait3A_316, %dma_wait3A_317] : memref<3x112xi32, #tpu.memory_space<vmem>> -> memref<1x112xi32, #tpu.memory_space<vmem>>
      %dma_wait3A_319 = tpu.memref_squeeze %dma_wait3A_318 : memref<1x112xi32, #tpu.memory_space<vmem>> -> memref<112xi32, #tpu.memory_space<vmem>>
      %dma_wait3A_320 = arith.constant 0 : i32
      %dma_wait3A_321 = tpu.memref_slice %arg4[%arg0, %arg1, %add3A_291, %dma_wait3A_320] : memref<2x16x159x112xi32, #tpu.memory_space<hbm>> -> memref<1x1x1x112xi32, #tpu.memory_space<hbm>>
      %dma_wait3A_322 = tpu.memref_squeeze %dma_wait3A_321 : memref<1x1x1x112xi32, #tpu.memory_space<hbm>> -> memref<112xi32, #tpu.memory_space<hbm>>
      %dma_wait3A_323 = arith.constant 0 : i32
      %dma_wait3A_324 = tpu.memref_slice %arg7[%dma_wait3A_316, %dma_wait3A_323] : memref<3x112xi32, #tpu.memory_space<vmem>> -> memref<1x112xi32, #tpu.memory_space<vmem>>
      %dma_wait3A_325 = tpu.memref_squeeze %dma_wait3A_324 : memref<1x112xi32, #tpu.memory_space<vmem>> -> memref<112xi32, #tpu.memory_space<vmem>>
      %dma_wait3A_326 = arith.constant 0 : i32
      %dma_wait3A_327 = tpu.memref_slice %arg4[%arg0, %arg1, %add3A_291, %dma_wait3A_326] : memref<2x16x159x112xi32, #tpu.memory_space<hbm>> -> memref<1x1x1x112xi32, #tpu.memory_space<hbm>>
      %dma_wait3A_328 = tpu.memref_squeeze %dma_wait3A_327 : memref<1x1x1x112xi32, #tpu.memory_space<hbm>> -> memref<112xi32, #tpu.memory_space<hbm>>
      tpu.wait_dma2 semaphore(%arg18 : memref<!tpu.dma_semaphore, #tpu.memory_space<semaphore_mem>>) src(%dma_wait3A_328 : memref<112xi32, #tpu.memory_space<hbm>>) dst(%dma_wait3A_325 : memref<112xi32, #tpu.memory_space<vmem>>)
      %run_scoped3A_329 = arith.constant 2 : i32
      %run_scoped3A_330 = arith.constant 2 : i32
      "tpu.region"() ({
        %run_scoped3A_337 = tpu.sem_alloc : memref<!tpu.dma_semaphore, #tpu.memory_space<semaphore_mem>>
        %dma_start3A_338 = arith.constant 0 : i32
        %dma_start3A_339 = arith.constant 0 : i32
        %dma_start3A_340 = tpu.memref_slice %arg8[%run_scoped3A_329, %dma_start3A_338, %dma_start3A_339] : memref<3x112x128xf32, #tpu.memory_space<vmem>> -> memref<1x112x128xf32, #tpu.memory_space<vmem>>
        %dma_start3A_341 = tpu.memref_squeeze %dma_start3A_340 : memref<1x112x128xf32, #tpu.memory_space<vmem>> -> memref<112x128xf32, #tpu.memory_space<vmem>>
        %dma_start3A_342 = arith.constant 0 : i32
        %dma_start3A_343 = tpu.memref_slice %arg7[%run_scoped3A_330, %dma_start3A_342] : memref<3x112xi32, #tpu.memory_space<vmem>> -> memref<1x112xi32, #tpu.memory_space<vmem>>
        %dma_start3A_344 = tpu.memref_squeeze %dma_start3A_343 : memref<1x112xi32, #tpu.memory_space<vmem>> -> memref<112xi32, #tpu.memory_space<vmem>>
        %dma_start3A_345 = arith.constant 0 : i32
        %dma_start3A_346 = arith.constant 0 : i32
        %dma_start3A_347 = tpu.memref_slice %arg9[%dma_start3A_345, %dma_start3A_346] : memref<10112x128xf32, #tpu.memory_space<vmem_shared>> -> memref<10112x128xf32, #tpu.memory_space<vmem_shared>>
        tpu.enqueue_indirect_dma source(%dma_start3A_341 : memref<112x128xf32, #tpu.memory_space<vmem>>) target(%dma_start3A_347 : memref<10112x128xf32, #tpu.memory_space<vmem_shared>>) offsets(%dma_start3A_344 : memref<112xi32, #tpu.memory_space<vmem>>) semaphore(%run_scoped3A_337 : memref<!tpu.dma_semaphore, #tpu.memory_space<semaphore_mem>>) {add = true}
        %dma_wait3A_348 = arith.constant 0 : i32
        %dma_wait3A_349 = arith.constant 0 : i32
        %dma_wait3A_350 = tpu.memref_slice %arg8[%run_scoped3A_329, %dma_wait3A_348, %dma_wait3A_349] : memref<3x112x128xf32, #tpu.memory_space<vmem>> -> memref<1x112x128xf32, #tpu.memory_space<vmem>>
        %dma_wait3A_351 = tpu.memref_squeeze %dma_wait3A_350 : memref<1x112x128xf32, #tpu.memory_space<vmem>> -> memref<112x128xf32, #tpu.memory_space<vmem>>
        %dma_wait3A_352 = arith.constant 0 : i32
        %dma_wait3A_353 = tpu.memref_slice %arg7[%run_scoped3A_330, %dma_wait3A_352] : memref<3x112xi32, #tpu.memory_space<vmem>> -> memref<1x112xi32, #tpu.memory_space<vmem>>
        %dma_wait3A_354 = tpu.memref_squeeze %dma_wait3A_353 : memref<1x112xi32, #tpu.memory_space<vmem>> -> memref<112xi32, #tpu.memory_space<vmem>>
        %dma_wait3A_355 = arith.constant 0 : i32
        %dma_wait3A_356 = arith.constant 0 : i32
        %dma_wait3A_357 = tpu.memref_slice %arg9[%dma_wait3A_355, %dma_wait3A_356] : memref<10112x128xf32, #tpu.memory_space<vmem_shared>> -> memref<10112x128xf32, #tpu.memory_space<vmem_shared>>
        tpu.wait_indirect_dma semaphore(%run_scoped3A_337 : memref<!tpu.dma_semaphore, #tpu.memory_space<semaphore_mem>>) src(%dma_wait3A_351 : memref<112x128xf32, #tpu.memory_space<vmem>>) dst(%dma_wait3A_357 : memref<10112x128xf32, #tpu.memory_space<vmem_shared>>)
        tpu.yield
      }) : () -> ()
      %add3A_331 = arith.constant 3 : i32
      %add3A_332 = arith.addi %add3A_291, %add3A_331 : i32
      %lt3A_333 = arith.cmpi slt, %add3A_332, %select_n3A : i32
      %convert_element_type3A_334 = arith.extui %lt3A_333 : i1 to i32
      %cond3A_335 = arith.constant 0 : i32
      %cond3A_336 = arith.cmpi ne, %convert_element_type3A_334, %cond3A_335 : i32
      scf.if %cond3A_336 {
        %add3A_337 = arith.constant 3 : i32
        %add3A_338 = arith.addi %add3A_291, %add3A_337 : i32
        %dma_start3A_339 = arith.constant 2 : i32
        %dma_start3A_340 = arith.constant 0 : i32
        %dma_start3A_341 = tpu.memref_slice %arg7[%dma_start3A_339, %dma_start3A_340] : memref<3x112xi32, #tpu.memory_space<vmem>> -> memref<1x112xi32, #tpu.memory_space<vmem>>
        %dma_start3A_342 = tpu.memref_squeeze %dma_start3A_341 : memref<1x112xi32, #tpu.memory_space<vmem>> -> memref<112xi32, #tpu.memory_space<vmem>>
        %dma_start3A_343 = arith.constant 0 : i32
        %dma_start3A_344 = tpu.memref_slice %arg4[%arg0, %arg1, %add3A_338, %dma_start3A_343] : memref<2x16x159x112xi32, #tpu.memory_space<hbm>> -> memref<1x1x1x112xi32, #tpu.memory_space<hbm>>
        %dma_start3A_345 = tpu.memref_squeeze %dma_start3A_344 : memref<1x1x1x112xi32, #tpu.memory_space<hbm>> -> memref<112xi32, #tpu.memory_space<hbm>>
        %dma_start3A_346 = arith.constant 0 : i32
        %dma_start3A_347 = tpu.memref_slice %arg7[%dma_start3A_339, %dma_start3A_346] : memref<3x112xi32, #tpu.memory_space<vmem>> -> memref<1x112xi32, #tpu.memory_space<vmem>>
        %dma_start3A_348 = tpu.memref_squeeze %dma_start3A_347 : memref<1x112xi32, #tpu.memory_space<vmem>> -> memref<112xi32, #tpu.memory_space<vmem>>
        %dma_start3A_349 = arith.constant 0 : i32
        %dma_start3A_350 = tpu.memref_slice %arg4[%arg0, %arg1, %add3A_338, %dma_start3A_349] : memref<2x16x159x112xi32, #tpu.memory_space<hbm>> -> memref<1x1x1x112xi32, #tpu.memory_space<hbm>>
        %dma_start3A_351 = tpu.memref_squeeze %dma_start3A_350 : memref<1x1x1x112xi32, #tpu.memory_space<hbm>> -> memref<112xi32, #tpu.memory_space<hbm>>
        tpu.enqueue_dma source(%dma_start3A_351 : memref<112xi32, #tpu.memory_space<hbm>>) target(%dma_start3A_348 : memref<112xi32, #tpu.memory_space<vmem>>) target_semaphore(%arg18 : memref<!tpu.dma_semaphore, #tpu.memory_space<semaphore_mem>>)
      } else {
      }
    }
    %while3A_194 = arith.constant 1 : i32
    scf.for %while3A_198 = %while3A_192 to %while3A_188 step %while3A_194  : i32 {
      %mul3A_199 = arith.constant 3 : i32
      %mul3A_200 = arith.muli %while3A_198, %mul3A_199 : i32
      %add3A_201 = arith.constant 2 : i32
      %add3A_202 = arith.addi %mul3A_200, %add3A_201 : i32
      %lt3A = arith.cmpi slt, %add3A_202, %select_n3A : i32
      %convert_element_type3A = arith.extui %lt3A : i1 to i32
      %cond3A = arith.constant 0 : i32
      %cond3A_203 = arith.cmpi ne, %convert_element_type3A, %cond3A : i32
      scf.if %cond3A_203 {
        %add3A_337 = arith.constant 2 : i32
        %add3A_338 = arith.addi %mul3A_200, %add3A_337 : i32
        %dma_wait3A_339 = arith.constant 2 : i32
        %dma_wait3A_340 = arith.constant 0 : i32
        %dma_wait3A_341 = tpu.memref_slice %arg6[%dma_wait3A_339, %dma_wait3A_340] : memref<3x112xi32, #tpu.memory_space<vmem>> -> memref<1x112xi32, #tpu.memory_space<vmem>>
        %dma_wait3A_342 = tpu.memref_squeeze %dma_wait3A_341 : memref<1x112xi32, #tpu.memory_space<vmem>> -> memref<112xi32, #tpu.memory_space<vmem>>
        %dma_wait3A_343 = arith.constant 0 : i32
        %dma_wait3A_344 = tpu.memref_slice %arg3[%arg0, %arg1, %add3A_338, %dma_wait3A_343] : memref<2x16x159x112xi32, #tpu.memory_space<hbm>> -> memref<1x1x1x112xi32, #tpu.memory_space<hbm>>
        %dma_wait3A_345 = tpu.memref_squeeze %dma_wait3A_344 : memref<1x1x1x112xi32, #tpu.memory_space<hbm>> -> memref<112xi32, #tpu.memory_space<hbm>>
        %dma_wait3A_346 = arith.constant 0 : i32
        %dma_wait3A_347 = tpu.memref_slice %arg6[%dma_wait3A_339, %dma_wait3A_346] : memref<3x112xi32, #tpu.memory_space<vmem>> -> memref<1x112xi32, #tpu.memory_space<vmem>>
        %dma_wait3A_348 = tpu.memref_squeeze %dma_wait3A_347 : memref<1x112xi32, #tpu.memory_space<vmem>> -> memref<112xi32, #tpu.memory_space<vmem>>
        %dma_wait3A_349 = arith.constant 0 : i32
        %dma_wait3A_350 = tpu.memref_slice %arg3[%arg0, %arg1, %add3A_338, %dma_wait3A_349] : memref<2x16x159x112xi32, #tpu.memory_space<hbm>> -> memref<1x1x1x112xi32, #tpu.memory_space<hbm>>
        %dma_wait3A_351 = tpu.memref_squeeze %dma_wait3A_350 : memref<1x1x1x112xi32, #tpu.memory_space<hbm>> -> memref<112xi32, #tpu.memory_space<hbm>>
        tpu.wait_dma2 semaphore(%arg15 : memref<!tpu.dma_semaphore, #tpu.memory_space<semaphore_mem>>) src(%dma_wait3A_351 : memref<112xi32, #tpu.memory_space<hbm>>) dst(%dma_wait3A_348 : memref<112xi32, #tpu.memory_space<vmem>>)
        %dma_start3A_352 = arith.constant 2 : i32
        %dma_start3A_353 = arith.constant 2 : i32
        %dma_start3A_354 = arith.constant 0 : i32
        %dma_start3A_355 = arith.constant 0 : i32
        %dma_start3A_356 = tpu.memref_slice %arg8[%dma_start3A_353, %dma_start3A_354, %dma_start3A_355] : memref<3x112x128xf32, #tpu.memory_space<vmem>> -> memref<1x112x128xf32, #tpu.memory_space<vmem>>
        %dma_start3A_357 = tpu.memref_squeeze %dma_start3A_356 : memref<1x112x128xf32, #tpu.memory_space<vmem>> -> memref<112x128xf32, #tpu.memory_space<vmem>>
        %dma_start3A_358 = arith.constant 0 : i32
        %dma_start3A_359 = tpu.memref_slice %arg6[%dma_start3A_352, %dma_start3A_358] : memref<3x112xi32, #tpu.memory_space<vmem>> -> memref<1x112xi32, #tpu.memory_space<vmem>>
        %dma_start3A_360 = tpu.memref_squeeze %dma_start3A_359 : memref<1x112xi32, #tpu.memory_space<vmem>> -> memref<112xi32, #tpu.memory_space<vmem>>
        %dma_start3A_361 = arith.constant 0 : i32
        %dma_start3A_362 = arith.constant 0 : i32
        %dma_start3A_363 = tpu.memref_slice %arg2[%dma_start3A_361, %dma_start3A_362] : memref<10000x128xf32, #tpu.memory_space<hbm>> -> memref<10000x128xf32, #tpu.memory_space<hbm>>
        tpu.enqueue_indirect_dma source(%dma_start3A_363 : memref<10000x128xf32, #tpu.memory_space<hbm>>) target(%dma_start3A_357 : memref<112x128xf32, #tpu.memory_space<vmem>>) offsets(%dma_start3A_360 : memref<112xi32, #tpu.memory_space<vmem>>) semaphore(%arg12 : memref<!tpu.dma_semaphore, #tpu.memory_space<semaphore_mem>>)
      } else {
      }
      %dma_wait3A_204 = arith.constant 0 : i32
      %dma_wait3A_205 = arith.constant 0 : i32
      %dma_wait3A_206 = arith.constant 0 : i32
      %dma_wait3A_207 = arith.constant 0 : i32
      %dma_wait3A_208 = tpu.memref_slice %arg8[%dma_wait3A_205, %dma_wait3A_206, %dma_wait3A_207] : memref<3x112x128xf32, #tpu.memory_space<vmem>> -> memref<1x112x128xf32, #tpu.memory_space<vmem>>
      %dma_wait3A_209 = tpu.memref_squeeze %dma_wait3A_208 : memref<1x112x128xf32, #tpu.memory_space<vmem>> -> memref<112x128xf32, #tpu.memory_space<vmem>>
      %dma_wait3A_210 = arith.constant 0 : i32
      %dma_wait3A_211 = tpu.memref_slice %arg6[%dma_wait3A_204, %dma_wait3A_210] : memref<3x112xi32, #tpu.memory_space<vmem>> -> memref<1x112xi32, #tpu.memory_space<vmem>>
      %dma_wait3A_212 = tpu.memref_squeeze %dma_wait3A_211 : memref<1x112xi32, #tpu.memory_space<vmem>> -> memref<112xi32, #tpu.memory_space<vmem>>
      %dma_wait3A_213 = arith.constant 0 : i32
      %dma_wait3A_214 = arith.constant 0 : i32
      %dma_wait3A_215 = tpu.memref_slice %arg2[%dma_wait3A_213, %dma_wait3A_214] : memref<10000x128xf32, #tpu.memory_space<hbm>> -> memref<10000x128xf32, #tpu.memory_space<hbm>>
      tpu.wait_indirect_dma semaphore(%arg10 : memref<!tpu.dma_semaphore, #tpu.memory_space<semaphore_mem>>) src(%dma_wait3A_215 : memref<10000x128xf32, #tpu.memory_space<hbm>>) dst(%dma_wait3A_209 : memref<112x128xf32, #tpu.memory_space<vmem>>)
      %add3A_216 = arith.constant 3 : i32
      %add3A_217 = arith.addi %mul3A_200, %add3A_216 : i32
      %lt3A_218 = arith.cmpi slt, %add3A_217, %select_n3A : i32
      %convert_element_type3A_219 = arith.extui %lt3A_218 : i1 to i32
      %cond3A_220 = arith.constant 0 : i32
      %cond3A_221 = arith.cmpi ne, %convert_element_type3A_219, %cond3A_220 : i32
      scf.if %cond3A_221 {
        %add3A_337 = arith.constant 3 : i32
        %add3A_338 = arith.addi %mul3A_200, %add3A_337 : i32
        %dma_start3A_339 = arith.constant 0 : i32
        %dma_start3A_340 = arith.constant 0 : i32
        %dma_start3A_341 = tpu.memref_slice %arg6[%dma_start3A_339, %dma_start3A_340] : memref<3x112xi32, #tpu.memory_space<vmem>> -> memref<1x112xi32, #tpu.memory_space<vmem>>
        %dma_start3A_342 = tpu.memref_squeeze %dma_start3A_341 : memref<1x112xi32, #tpu.memory_space<vmem>> -> memref<112xi32, #tpu.memory_space<vmem>>
        %dma_start3A_343 = arith.constant 0 : i32
        %dma_start3A_344 = tpu.memref_slice %arg3[%arg0, %arg1, %add3A_338, %dma_start3A_343] : memref<2x16x159x112xi32, #tpu.memory_space<hbm>> -> memref<1x1x1x112xi32, #tpu.memory_space<hbm>>
        %dma_start3A_345 = tpu.memref_squeeze %dma_start3A_344 : memref<1x1x1x112xi32, #tpu.memory_space<hbm>> -> memref<112xi32, #tpu.memory_space<hbm>>
        %dma_start3A_346 = arith.constant 0 : i32
        %dma_start3A_347 = tpu.memref_slice %arg6[%dma_start3A_339, %dma_start3A_346] : memref<3x112xi32, #tpu.memory_space<vmem>> -> memref<1x112xi32, #tpu.memory_space<vmem>>
        %dma_start3A_348 = tpu.memref_squeeze %dma_start3A_347 : memref<1x112xi32, #tpu.memory_space<vmem>> -> memref<112xi32, #tpu.memory_space<vmem>>
        %dma_start3A_349 = arith.constant 0 : i32
        %dma_start3A_350 = tpu.memref_slice %arg3[%arg0, %arg1, %add3A_338, %dma_start3A_349] : memref<2x16x159x112xi32, #tpu.memory_space<hbm>> -> memref<1x1x1x112xi32, #tpu.memory_space<hbm>>
        %dma_start3A_351 = tpu.memref_squeeze %dma_start3A_350 : memref<1x1x1x112xi32, #tpu.memory_space<hbm>> -> memref<112xi32, #tpu.memory_space<hbm>>
        tpu.enqueue_dma source(%dma_start3A_351 : memref<112xi32, #tpu.memory_space<hbm>>) target(%dma_start3A_348 : memref<112xi32, #tpu.memory_space<vmem>>) target_semaphore(%arg13 : memref<!tpu.dma_semaphore, #tpu.memory_space<semaphore_mem>>)
      } else {
      }
      %dma_wait3A_222 = arith.constant 0 : i32
      %dma_wait3A_223 = arith.constant 0 : i32
      %dma_wait3A_224 = tpu.memref_slice %arg7[%dma_wait3A_222, %dma_wait3A_223] : memref<3x112xi32, #tpu.memory_space<vmem>> -> memref<1x112xi32, #tpu.memory_space<vmem>>
      %dma_wait3A_225 = tpu.memref_squeeze %dma_wait3A_224 : memref<1x112xi32, #tpu.memory_space<vmem>> -> memref<112xi32, #tpu.memory_space<vmem>>
      %dma_wait3A_226 = arith.constant 0 : i32
      %dma_wait3A_227 = tpu.memref_slice %arg4[%arg0, %arg1, %mul3A_200, %dma_wait3A_226] : memref<2x16x159x112xi32, #tpu.memory_space<hbm>> -> memref<1x1x1x112xi32, #tpu.memory_space<hbm>>
      %dma_wait3A_228 = tpu.memref_squeeze %dma_wait3A_227 : memref<1x1x1x112xi32, #tpu.memory_space<hbm>> -> memref<112xi32, #tpu.memory_space<hbm>>
      %dma_wait3A_229 = arith.constant 0 : i32
      %dma_wait3A_230 = tpu.memref_slice %arg7[%dma_wait3A_222, %dma_wait3A_229] : memref<3x112xi32, #tpu.memory_space<vmem>> -> memref<1x112xi32, #tpu.memory_space<vmem>>
      %dma_wait3A_231 = tpu.memref_squeeze %dma_wait3A_230 : memref<1x112xi32, #tpu.memory_space<vmem>> -> memref<112xi32, #tpu.memory_space<vmem>>
      %dma_wait3A_232 = arith.constant 0 : i32
      %dma_wait3A_233 = tpu.memref_slice %arg4[%arg0, %arg1, %mul3A_200, %dma_wait3A_232] : memref<2x16x159x112xi32, #tpu.memory_space<hbm>> -> memref<1x1x1x112xi32, #tpu.memory_space<hbm>>
      %dma_wait3A_234 = tpu.memref_squeeze %dma_wait3A_233 : memref<1x1x1x112xi32, #tpu.memory_space<hbm>> -> memref<112xi32, #tpu.memory_space<hbm>>
      tpu.wait_dma2 semaphore(%arg16 : memref<!tpu.dma_semaphore, #tpu.memory_space<semaphore_mem>>) src(%dma_wait3A_234 : memref<112xi32, #tpu.memory_space<hbm>>) dst(%dma_wait3A_231 : memref<112xi32, #tpu.memory_space<vmem>>)
      %run_scoped3A_235 = arith.constant 0 : i32
      %run_scoped3A_236 = arith.constant 0 : i32
      "tpu.region"() ({
        %run_scoped3A_337 = tpu.sem_alloc : memref<!tpu.dma_semaphore, #tpu.memory_space<semaphore_mem>>
        %dma_start3A_338 = arith.constant 0 : i32
        %dma_start3A_339 = arith.constant 0 : i32
        %dma_start3A_340 = tpu.memref_slice %arg8[%run_scoped3A_235, %dma_start3A_338, %dma_start3A_339] : memref<3x112x128xf32, #tpu.memory_space<vmem>> -> memref<1x112x128xf32, #tpu.memory_space<vmem>>
        %dma_start3A_341 = tpu.memref_squeeze %dma_start3A_340 : memref<1x112x128xf32, #tpu.memory_space<vmem>> -> memref<112x128xf32, #tpu.memory_space<vmem>>
        %dma_start3A_342 = arith.constant 0 : i32
        %dma_start3A_343 = tpu.memref_slice %arg7[%run_scoped3A_236, %dma_start3A_342] : memref<3x112xi32, #tpu.memory_space<vmem>> -> memref<1x112xi32, #tpu.memory_space<vmem>>
        %dma_start3A_344 = tpu.memref_squeeze %dma_start3A_343 : memref<1x112xi32, #tpu.memory_space<vmem>> -> memref<112xi32, #tpu.memory_space<vmem>>
        %dma_start3A_345 = arith.constant 0 : i32
        %dma_start3A_346 = arith.constant 0 : i32
        %dma_start3A_347 = tpu.memref_slice %arg9[%dma_start3A_345, %dma_start3A_346] : memref<10112x128xf32, #tpu.memory_space<vmem_shared>> -> memref<10112x128xf32, #tpu.memory_space<vmem_shared>>
        tpu.enqueue_indirect_dma source(%dma_start3A_341 : memref<112x128xf32, #tpu.memory_space<vmem>>) target(%dma_start3A_347 : memref<10112x128xf32, #tpu.memory_space<vmem_shared>>) offsets(%dma_start3A_344 : memref<112xi32, #tpu.memory_space<vmem>>) semaphore(%run_scoped3A_337 : memref<!tpu.dma_semaphore, #tpu.memory_space<semaphore_mem>>) {add = true}
        %dma_wait3A_348 = arith.constant 0 : i32
        %dma_wait3A_349 = arith.constant 0 : i32
        %dma_wait3A_350 = tpu.memref_slice %arg8[%run_scoped3A_235, %dma_wait3A_348, %dma_wait3A_349] : memref<3x112x128xf32, #tpu.memory_space<vmem>> -> memref<1x112x128xf32, #tpu.memory_space<vmem>>
        %dma_wait3A_351 = tpu.memref_squeeze %dma_wait3A_350 : memref<1x112x128xf32, #tpu.memory_space<vmem>> -> memref<112x128xf32, #tpu.memory_space<vmem>>
        %dma_wait3A_352 = arith.constant 0 : i32
        %dma_wait3A_353 = tpu.memref_slice %arg7[%run_scoped3A_236, %dma_wait3A_352] : memref<3x112xi32, #tpu.memory_space<vmem>> -> memref<1x112xi32, #tpu.memory_space<vmem>>
        %dma_wait3A_354 = tpu.memref_squeeze %dma_wait3A_353 : memref<1x112xi32, #tpu.memory_space<vmem>> -> memref<112xi32, #tpu.memory_space<vmem>>
        %dma_wait3A_355 = arith.constant 0 : i32
        %dma_wait3A_356 = arith.constant 0 : i32
        %dma_wait3A_357 = tpu.memref_slice %arg9[%dma_wait3A_355, %dma_wait3A_356] : memref<10112x128xf32, #tpu.memory_space<vmem_shared>> -> memref<10112x128xf32, #tpu.memory_space<vmem_shared>>
        tpu.wait_indirect_dma semaphore(%run_scoped3A_337 : memref<!tpu.dma_semaphore, #tpu.memory_space<semaphore_mem>>) src(%dma_wait3A_351 : memref<112x128xf32, #tpu.memory_space<vmem>>) dst(%dma_wait3A_357 : memref<10112x128xf32, #tpu.memory_space<vmem_shared>>)
        tpu.yield
      }) : () -> ()
      %add3A_237 = arith.constant 3 : i32
      %add3A_238 = arith.addi %mul3A_200, %add3A_237 : i32
      %lt3A_239 = arith.cmpi slt, %add3A_238, %select_n3A : i32
      %convert_element_type3A_240 = arith.extui %lt3A_239 : i1 to i32
      %cond3A_241 = arith.constant 0 : i32
      %cond3A_242 = arith.cmpi ne, %convert_element_type3A_240, %cond3A_241 : i32
      scf.if %cond3A_242 {
        %add3A_337 = arith.constant 3 : i32
        %add3A_338 = arith.addi %mul3A_200, %add3A_337 : i32
        %dma_start3A_339 = arith.constant 0 : i32
        %dma_start3A_340 = arith.constant 0 : i32
        %dma_start3A_341 = tpu.memref_slice %arg7[%dma_start3A_339, %dma_start3A_340] : memref<3x112xi32, #tpu.memory_space<vmem>> -> memref<1x112xi32, #tpu.memory_space<vmem>>
        %dma_start3A_342 = tpu.memref_squeeze %dma_start3A_341 : memref<1x112xi32, #tpu.memory_space<vmem>> -> memref<112xi32, #tpu.memory_space<vmem>>
        %dma_start3A_343 = arith.constant 0 : i32
        %dma_start3A_344 = tpu.memref_slice %arg4[%arg0, %arg1, %add3A_338, %dma_start3A_343] : memref<2x16x159x112xi32, #tpu.memory_space<hbm>> -> memref<1x1x1x112xi32, #tpu.memory_space<hbm>>
        %dma_start3A_345 = tpu.memref_squeeze %dma_start3A_344 : memref<1x1x1x112xi32, #tpu.memory_space<hbm>> -> memref<112xi32, #tpu.memory_space<hbm>>
        %dma_start3A_346 = arith.constant 0 : i32
        %dma_start3A_347 = tpu.memref_slice %arg7[%dma_start3A_339, %dma_start3A_346] : memref<3x112xi32, #tpu.memory_space<vmem>> -> memref<1x112xi32, #tpu.memory_space<vmem>>
        %dma_start3A_348 = tpu.memref_squeeze %dma_start3A_347 : memref<1x112xi32, #tpu.memory_space<vmem>> -> memref<112xi32, #tpu.memory_space<vmem>>
        %dma_start3A_349 = arith.constant 0 : i32
        %dma_start3A_350 = tpu.memref_slice %arg4[%arg0, %arg1, %add3A_338, %dma_start3A_349] : memref<2x16x159x112xi32, #tpu.memory_space<hbm>> -> memref<1x1x1x112xi32, #tpu.memory_space<hbm>>
        %dma_start3A_351 = tpu.memref_squeeze %dma_start3A_350 : memref<1x1x1x112xi32, #tpu.memory_space<hbm>> -> memref<112xi32, #tpu.memory_space<hbm>>
        tpu.enqueue_dma source(%dma_start3A_351 : memref<112xi32, #tpu.memory_space<hbm>>) target(%dma_start3A_348 : memref<112xi32, #tpu.memory_space<vmem>>) target_semaphore(%arg16 : memref<!tpu.dma_semaphore, #tpu.memory_space<semaphore_mem>>)
      } else {
      }
      %add3A_243 = arith.constant 1 : i32
      %add3A_244 = arith.addi %mul3A_200, %add3A_243 : i32
      %add3A_245 = arith.constant 2 : i32
      %add3A_246 = arith.addi %add3A_244, %add3A_245 : i32
      %lt3A_247 = arith.cmpi slt, %add3A_246, %select_n3A : i32
      %convert_element_type3A_248 = arith.extui %lt3A_247 : i1 to i32
      %cond3A_249 = arith.constant 0 : i32
      %cond3A_250 = arith.cmpi ne, %convert_element_type3A_248, %cond3A_249 : i32
      scf.if %cond3A_250 {
        %add3A_337 = arith.constant 2 : i32
        %add3A_338 = arith.addi %add3A_244, %add3A_337 : i32
        %dma_wait3A_339 = arith.constant 0 : i32
        %dma_wait3A_340 = arith.constant 0 : i32
        %dma_wait3A_341 = tpu.memref_slice %arg6[%dma_wait3A_339, %dma_wait3A_340] : memref<3x112xi32, #tpu.memory_space<vmem>> -> memref<1x112xi32, #tpu.memory_space<vmem>>
        %dma_wait3A_342 = tpu.memref_squeeze %dma_wait3A_341 : memref<1x112xi32, #tpu.memory_space<vmem>> -> memref<112xi32, #tpu.memory_space<vmem>>
        %dma_wait3A_343 = arith.constant 0 : i32
        %dma_wait3A_344 = tpu.memref_slice %arg3[%arg0, %arg1, %add3A_338, %dma_wait3A_343] : memref<2x16x159x112xi32, #tpu.memory_space<hbm>> -> memref<1x1x1x112xi32, #tpu.memory_space<hbm>>
        %dma_wait3A_345 = tpu.memref_squeeze %dma_wait3A_344 : memref<1x1x1x112xi32, #tpu.memory_space<hbm>> -> memref<112xi32, #tpu.memory_space<hbm>>
        %dma_wait3A_346 = arith.constant 0 : i32
        %dma_wait3A_347 = tpu.memref_slice %arg6[%dma_wait3A_339, %dma_wait3A_346] : memref<3x112xi32, #tpu.memory_space<vmem>> -> memref<1x112xi32, #tpu.memory_space<vmem>>
        %dma_wait3A_348 = tpu.memref_squeeze %dma_wait3A_347 : memref<1x112xi32, #tpu.memory_space<vmem>> -> memref<112xi32, #tpu.memory_space<vmem>>
        %dma_wait3A_349 = arith.constant 0 : i32
        %dma_wait3A_350 = tpu.memref_slice %arg3[%arg0, %arg1, %add3A_338, %dma_wait3A_349] : memref<2x16x159x112xi32, #tpu.memory_space<hbm>> -> memref<1x1x1x112xi32, #tpu.memory_space<hbm>>
        %dma_wait3A_351 = tpu.memref_squeeze %dma_wait3A_350 : memref<1x1x1x112xi32, #tpu.memory_space<hbm>> -> memref<112xi32, #tpu.memory_space<hbm>>
        tpu.wait_dma2 semaphore(%arg13 : memref<!tpu.dma_semaphore, #tpu.memory_space<semaphore_mem>>) src(%dma_wait3A_351 : memref<112xi32, #tpu.memory_space<hbm>>) dst(%dma_wait3A_348 : memref<112xi32, #tpu.memory_space<vmem>>)
        %dma_start3A_352 = arith.constant 0 : i32
        %dma_start3A_353 = arith.constant 0 : i32
        %dma_start3A_354 = arith.constant 0 : i32
        %dma_start3A_355 = arith.constant 0 : i32
        %dma_start3A_356 = tpu.memref_slice %arg8[%dma_start3A_353, %dma_start3A_354, %dma_start3A_355] : memref<3x112x128xf32, #tpu.memory_space<vmem>> -> memref<1x112x128xf32, #tpu.memory_space<vmem>>
        %dma_start3A_357 = tpu.memref_squeeze %dma_start3A_356 : memref<1x112x128xf32, #tpu.memory_space<vmem>> -> memref<112x128xf32, #tpu.memory_space<vmem>>
        %dma_start3A_358 = arith.constant 0 : i32
        %dma_start3A_359 = tpu.memref_slice %arg6[%dma_start3A_352, %dma_start3A_358] : memref<3x112xi32, #tpu.memory_space<vmem>> -> memref<1x112xi32, #tpu.memory_space<vmem>>
        %dma_start3A_360 = tpu.memref_squeeze %dma_start3A_359 : memref<1x112xi32, #tpu.memory_space<vmem>> -> memref<112xi32, #tpu.memory_space<vmem>>
        %dma_start3A_361 = arith.constant 0 : i32
        %dma_start3A_362 = arith.constant 0 : i32
        %dma_start3A_363 = tpu.memref_slice %arg2[%dma_start3A_361, %dma_start3A_362] : memref<10000x128xf32, #tpu.memory_space<hbm>> -> memref<10000x128xf32, #tpu.memory_space<hbm>>
        tpu.enqueue_indirect_dma source(%dma_start3A_363 : memref<10000x128xf32, #tpu.memory_space<hbm>>) target(%dma_start3A_357 : memref<112x128xf32, #tpu.memory_space<vmem>>) offsets(%dma_start3A_360 : memref<112xi32, #tpu.memory_space<vmem>>) semaphore(%arg10 : memref<!tpu.dma_semaphore, #tpu.memory_space<semaphore_mem>>)
      } else {
      }
      %dma_wait3A_251 = arith.constant 1 : i32
      %dma_wait3A_252 = arith.constant 1 : i32
      %dma_wait3A_253 = arith.constant 0 : i32
      %dma_wait3A_254 = arith.constant 0 : i32
      %dma_wait3A_255 = tpu.memref_slice %arg8[%dma_wait3A_252, %dma_wait3A_253, %dma_wait3A_254] : memref<3x112x128xf32, #tpu.memory_space<vmem>> -> memref<1x112x128xf32, #tpu.memory_space<vmem>>
      %dma_wait3A_256 = tpu.memref_squeeze %dma_wait3A_255 : memref<1x112x128xf32, #tpu.memory_space<vmem>> -> memref<112x128xf32, #tpu.memory_space<vmem>>
      %dma_wait3A_257 = arith.constant 0 : i32
      %dma_wait3A_258 = tpu.memref_slice %arg6[%dma_wait3A_251, %dma_wait3A_257] : memref<3x112xi32, #tpu.memory_space<vmem>> -> memref<1x112xi32, #tpu.memory_space<vmem>>
      %dma_wait3A_259 = tpu.memref_squeeze %dma_wait3A_258 : memref<1x112xi32, #tpu.memory_space<vmem>> -> memref<112xi32, #tpu.memory_space<vmem>>
      %dma_wait3A_260 = arith.constant 0 : i32
      %dma_wait3A_261 = arith.constant 0 : i32
      %dma_wait3A_262 = tpu.memref_slice %arg2[%dma_wait3A_260, %dma_wait3A_261] : memref<10000x128xf32, #tpu.memory_space<hbm>> -> memref<10000x128xf32, #tpu.memory_space<hbm>>
      tpu.wait_indirect_dma semaphore(%arg11 : memref<!tpu.dma_semaphore, #tpu.memory_space<semaphore_mem>>) src(%dma_wait3A_262 : memref<10000x128xf32, #tpu.memory_space<hbm>>) dst(%dma_wait3A_256 : memref<112x128xf32, #tpu.memory_space<vmem>>)
      %add3A_263 = arith.constant 3 : i32
      %add3A_264 = arith.addi %add3A_244, %add3A_263 : i32
      %lt3A_265 = arith.cmpi slt, %add3A_264, %select_n3A : i32
      %convert_element_type3A_266 = arith.extui %lt3A_265 : i1 to i32
      %cond3A_267 = arith.constant 0 : i32
      %cond3A_268 = arith.cmpi ne, %convert_element_type3A_266, %cond3A_267 : i32
      scf.if %cond3A_268 {
        %add3A_337 = arith.constant 3 : i32
        %add3A_338 = arith.addi %add3A_244, %add3A_337 : i32
        %dma_start3A_339 = arith.constant 1 : i32
        %dma_start3A_340 = arith.constant 0 : i32
        %dma_start3A_341 = tpu.memref_slice %arg6[%dma_start3A_339, %dma_start3A_340] : memref<3x112xi32, #tpu.memory_space<vmem>> -> memref<1x112xi32, #tpu.memory_space<vmem>>
        %dma_start3A_342 = tpu.memref_squeeze %dma_start3A_341 : memref<1x112xi32, #tpu.memory_space<vmem>> -> memref<112xi32, #tpu.memory_space<vmem>>
        %dma_start3A_343 = arith.constant 0 : i32
        %dma_start3A_344 = tpu.memref_slice %arg3[%arg0, %arg1, %add3A_338, %dma_start3A_343] : memref<2x16x159x112xi32, #tpu.memory_space<hbm>> -> memref<1x1x1x112xi32, #tpu.memory_space<hbm>>
        %dma_start3A_345 = tpu.memref_squeeze %dma_start3A_344 : memref<1x1x1x112xi32, #tpu.memory_space<hbm>> -> memref<112xi32, #tpu.memory_space<hbm>>
        %dma_start3A_346 = arith.constant 0 : i32
        %dma_start3A_347 = tpu.memref_slice %arg6[%dma_start3A_339, %dma_start3A_346] : memref<3x112xi32, #tpu.memory_space<vmem>> -> memref<1x112xi32, #tpu.memory_space<vmem>>
        %dma_start3A_348 = tpu.memref_squeeze %dma_start3A_347 : memref<1x112xi32, #tpu.memory_space<vmem>> -> memref<112xi32, #tpu.memory_space<vmem>>
        %dma_start3A_349 = arith.constant 0 : i32
        %dma_start3A_350 = tpu.memref_slice %arg3[%arg0, %arg1, %add3A_338, %dma_start3A_349] : memref<2x16x159x112xi32, #tpu.memory_space<hbm>> -> memref<1x1x1x112xi32, #tpu.memory_space<hbm>>
        %dma_start3A_351 = tpu.memref_squeeze %dma_start3A_350 : memref<1x1x1x112xi32, #tpu.memory_space<hbm>> -> memref<112xi32, #tpu.memory_space<hbm>>
        tpu.enqueue_dma source(%dma_start3A_351 : memref<112xi32, #tpu.memory_space<hbm>>) target(%dma_start3A_348 : memref<112xi32, #tpu.memory_space<vmem>>) target_semaphore(%arg14 : memref<!tpu.dma_semaphore, #tpu.memory_space<semaphore_mem>>)
      } else {
      }
      %dma_wait3A_269 = arith.constant 1 : i32
      %dma_wait3A_270 = arith.constant 0 : i32
      %dma_wait3A_271 = tpu.memref_slice %arg7[%dma_wait3A_269, %dma_wait3A_270] : memref<3x112xi32, #tpu.memory_space<vmem>> -> memref<1x112xi32, #tpu.memory_space<vmem>>
      %dma_wait3A_272 = tpu.memref_squeeze %dma_wait3A_271 : memref<1x112xi32, #tpu.memory_space<vmem>> -> memref<112xi32, #tpu.memory_space<vmem>>
      %dma_wait3A_273 = arith.constant 0 : i32
      %dma_wait3A_274 = tpu.memref_slice %arg4[%arg0, %arg1, %add3A_244, %dma_wait3A_273] : memref<2x16x159x112xi32, #tpu.memory_space<hbm>> -> memref<1x1x1x112xi32, #tpu.memory_space<hbm>>
      %dma_wait3A_275 = tpu.memref_squeeze %dma_wait3A_274 : memref<1x1x1x112xi32, #tpu.memory_space<hbm>> -> memref<112xi32, #tpu.memory_space<hbm>>
      %dma_wait3A_276 = arith.constant 0 : i32
      %dma_wait3A_277 = tpu.memref_slice %arg7[%dma_wait3A_269, %dma_wait3A_276] : memref<3x112xi32, #tpu.memory_space<vmem>> -> memref<1x112xi32, #tpu.memory_space<vmem>>
      %dma_wait3A_278 = tpu.memref_squeeze %dma_wait3A_277 : memref<1x112xi32, #tpu.memory_space<vmem>> -> memref<112xi32, #tpu.memory_space<vmem>>
      %dma_wait3A_279 = arith.constant 0 : i32
      %dma_wait3A_280 = tpu.memref_slice %arg4[%arg0, %arg1, %add3A_244, %dma_wait3A_279] : memref<2x16x159x112xi32, #tpu.memory_space<hbm>> -> memref<1x1x1x112xi32, #tpu.memory_space<hbm>>
      %dma_wait3A_281 = tpu.memref_squeeze %dma_wait3A_280 : memref<1x1x1x112xi32, #tpu.memory_space<hbm>> -> memref<112xi32, #tpu.memory_space<hbm>>
      tpu.wait_dma2 semaphore(%arg17 : memref<!tpu.dma_semaphore, #tpu.memory_space<semaphore_mem>>) src(%dma_wait3A_281 : memref<112xi32, #tpu.memory_space<hbm>>) dst(%dma_wait3A_278 : memref<112xi32, #tpu.memory_space<vmem>>)
      %run_scoped3A_282 = arith.constant 1 : i32
      %run_scoped3A_283 = arith.constant 1 : i32
      "tpu.region"() ({
        %run_scoped3A_337 = tpu.sem_alloc : memref<!tpu.dma_semaphore, #tpu.memory_space<semaphore_mem>>
        %dma_start3A_338 = arith.constant 0 : i32
        %dma_start3A_339 = arith.constant 0 : i32
        %dma_start3A_340 = tpu.memref_slice %arg8[%run_scoped3A_282, %dma_start3A_338, %dma_start3A_339] : memref<3x112x128xf32, #tpu.memory_space<vmem>> -> memref<1x112x128xf32, #tpu.memory_space<vmem>>
        %dma_start3A_341 = tpu.memref_squeeze %dma_start3A_340 : memref<1x112x128xf32, #tpu.memory_space<vmem>> -> memref<112x128xf32, #tpu.memory_space<vmem>>
        %dma_start3A_342 = arith.constant 0 : i32
        %dma_start3A_343 = tpu.memref_slice %arg7[%run_scoped3A_283, %dma_start3A_342] : memref<3x112xi32, #tpu.memory_space<vmem>> -> memref<1x112xi32, #tpu.memory_space<vmem>>
        %dma_start3A_344 = tpu.memref_squeeze %dma_start3A_343 : memref<1x112xi32, #tpu.memory_space<vmem>> -> memref<112xi32, #tpu.memory_space<vmem>>
        %dma_start3A_345 = arith.constant 0 : i32
        %dma_start3A_346 = arith.constant 0 : i32
        %dma_start3A_347 = tpu.memref_slice %arg9[%dma_start3A_345, %dma_start3A_346] : memref<10112x128xf32, #tpu.memory_space<vmem_shared>> -> memref<10112x128xf32, #tpu.memory_space<vmem_shared>>
        tpu.enqueue_indirect_dma source(%dma_start3A_341 : memref<112x128xf32, #tpu.memory_space<vmem>>) target(%dma_start3A_347 : memref<10112x128xf32, #tpu.memory_space<vmem_shared>>) offsets(%dma_start3A_344 : memref<112xi32, #tpu.memory_space<vmem>>) semaphore(%run_scoped3A_337 : memref<!tpu.dma_semaphore, #tpu.memory_space<semaphore_mem>>) {add = true}
        %dma_wait3A_348 = arith.constant 0 : i32
        %dma_wait3A_349 = arith.constant 0 : i32
        %dma_wait3A_350 = tpu.memref_slice %arg8[%run_scoped3A_282, %dma_wait3A_348, %dma_wait3A_349] : memref<3x112x128xf32, #tpu.memory_space<vmem>> -> memref<1x112x128xf32, #tpu.memory_space<vmem>>
        %dma_wait3A_351 = tpu.memref_squeeze %dma_wait3A_350 : memref<1x112x128xf32, #tpu.memory_space<vmem>> -> memref<112x128xf32, #tpu.memory_space<vmem>>
        %dma_wait3A_352 = arith.constant 0 : i32
        %dma_wait3A_353 = tpu.memref_slice %arg7[%run_scoped3A_283, %dma_wait3A_352] : memref<3x112xi32, #tpu.memory_space<vmem>> -> memref<1x112xi32, #tpu.memory_space<vmem>>
        %dma_wait3A_354 = tpu.memref_squeeze %dma_wait3A_353 : memref<1x112xi32, #tpu.memory_space<vmem>> -> memref<112xi32, #tpu.memory_space<vmem>>
        %dma_wait3A_355 = arith.constant 0 : i32
        %dma_wait3A_356 = arith.constant 0 : i32
        %dma_wait3A_357 = tpu.memref_slice %arg9[%dma_wait3A_355, %dma_wait3A_356] : memref<10112x128xf32, #tpu.memory_space<vmem_shared>> -> memref<10112x128xf32, #tpu.memory_space<vmem_shared>>
        tpu.wait_indirect_dma semaphore(%run_scoped3A_337 : memref<!tpu.dma_semaphore, #tpu.memory_space<semaphore_mem>>) src(%dma_wait3A_351 : memref<112x128xf32, #tpu.memory_space<vmem>>) dst(%dma_wait3A_357 : memref<10112x128xf32, #tpu.memory_space<vmem_shared>>)
        tpu.yield
      }) : () -> ()
      %add3A_284 = arith.constant 3 : i32
      %add3A_285 = arith.addi %add3A_244, %add3A_284 : i32
      %lt3A_286 = arith.cmpi slt, %add3A_285, %select_n3A : i32
      %convert_element_type3A_287 = arith.extui %lt3A_286 : i1 to i32
      %cond3A_288 = arith.constant 0 : i32
      %cond3A_289 = arith.cmpi ne, %convert_element_type3A_287, %cond3A_288 : i32
      scf.if %cond3A_289 {
        %add3A_337 = arith.constant 3 : i32
        %add3A_338 = arith.addi %add3A_244, %add3A_337 : i32
        %dma_start3A_339 = arith.constant 1 : i32
        %dma_start3A_340 = arith.constant 0 : i32
        %dma_start3A_341 = tpu.memref_slice %arg7[%dma_start3A_339, %dma_start3A_340] : memref<3x112xi32, #tpu.memory_space<vmem>> -> memref<1x112xi32, #tpu.memory_space<vmem>>
        %dma_start3A_342 = tpu.memref_squeeze %dma_start3A_341 : memref<1x112xi32, #tpu.memory_space<vmem>> -> memref<112xi32, #tpu.memory_space<vmem>>
        %dma_start3A_343 = arith.constant 0 : i32
        %dma_start3A_344 = tpu.memref_slice %arg4[%arg0, %arg1, %add3A_338, %dma_start3A_343] : memref<2x16x159x112xi32, #tpu.memory_space<hbm>> -> memref<1x1x1x112xi32, #tpu.memory_space<hbm>>
        %dma_start3A_345 = tpu.memref_squeeze %dma_start3A_344 : memref<1x1x1x112xi32, #tpu.memory_space<hbm>> -> memref<112xi32, #tpu.memory_space<hbm>>
        %dma_start3A_346 = arith.constant 0 : i32
        %dma_start3A_347 = tpu.memref_slice %arg7[%dma_start3A_339, %dma_start3A_346] : memref<3x112xi32, #tpu.memory_space<vmem>> -> memref<1x112xi32, #tpu.memory_space<vmem>>
        %dma_start3A_348 = tpu.memref_squeeze %dma_start3A_347 : memref<1x112xi32, #tpu.memory_space<vmem>> -> memref<112xi32, #tpu.memory_space<vmem>>
        %dma_start3A_349 = arith.constant 0 : i32
        %dma_start3A_350 = tpu.memref_slice %arg4[%arg0, %arg1, %add3A_338, %dma_start3A_349] : memref<2x16x159x112xi32, #tpu.memory_space<hbm>> -> memref<1x1x1x112xi32, #tpu.memory_space<hbm>>
        %dma_start3A_351 = tpu.memref_squeeze %dma_start3A_350 : memref<1x1x1x112xi32, #tpu.memory_space<hbm>> -> memref<112xi32, #tpu.memory_space<hbm>>
        tpu.enqueue_dma source(%dma_start3A_351 : memref<112xi32, #tpu.memory_space<hbm>>) target(%dma_start3A_348 : memref<112xi32, #tpu.memory_space<vmem>>) target_semaphore(%arg17 : memref<!tpu.dma_semaphore, #tpu.memory_space<semaphore_mem>>)
      } else {
      }
      %add3A_290 = arith.constant 2 : i32
      %add3A_291 = arith.addi %mul3A_200, %add3A_290 : i32
      %add3A_292 = arith.constant 2 : i32
      %add3A_293 = arith.addi %add3A_291, %add3A_292 : i32
      %lt3A_294 = arith.cmpi slt, %add3A_293, %select_n3A : i32
      %convert_element_type3A_295 = arith.extui %lt3A_294 : i1 to i32
      %cond3A_296 = arith.constant 0 : i32
      %cond3A_297 = arith.cmpi ne, %convert_element_type3A_295, %cond3A_296 : i32
      scf.if %cond3A_297 {
        %add3A_337 = arith.constant 2 : i32
        %add3A_338 = arith.addi %add3A_291, %add3A_337 : i32
        %dma_wait3A_339 = arith.constant 1 : i32
        %dma_wait3A_340 = arith.constant 0 : i32
        %dma_wait3A_341 = tpu.memref_slice %arg6[%dma_wait3A_339, %dma_wait3A_340] : memref<3x112xi32, #tpu.memory_space<vmem>> -> memref<1x112xi32, #tpu.memory_space<vmem>>
        %dma_wait3A_342 = tpu.memref_squeeze %dma_wait3A_341 : memref<1x112xi32, #tpu.memory_space<vmem>> -> memref<112xi32, #tpu.memory_space<vmem>>
        %dma_wait3A_343 = arith.constant 0 : i32
        %dma_wait3A_344 = tpu.memref_slice %arg3[%arg0, %arg1, %add3A_338, %dma_wait3A_343] : memref<2x16x159x112xi32, #tpu.memory_space<hbm>> -> memref<1x1x1x112xi32, #tpu.memory_space<hbm>>
        %dma_wait3A_345 = tpu.memref_squeeze %dma_wait3A_344 : memref<1x1x1x112xi32, #tpu.memory_space<hbm>> -> memref<112xi32, #tpu.memory_space<hbm>>
        %dma_wait3A_346 = arith.constant 0 : i32
        %dma_wait3A_347 = tpu.memref_slice %arg6[%dma_wait3A_339, %dma_wait3A_346] : memref<3x112xi32, #tpu.memory_space<vmem>> -> memref<1x112xi32, #tpu.memory_space<vmem>>
        %dma_wait3A_348 = tpu.memref_squeeze %dma_wait3A_347 : memref<1x112xi32, #tpu.memory_space<vmem>> -> memref<112xi32, #tpu.memory_space<vmem>>
        %dma_wait3A_349 = arith.constant 0 : i32
        %dma_wait3A_350 = tpu.memref_slice %arg3[%arg0, %arg1, %add3A_338, %dma_wait3A_349] : memref<2x16x159x112xi32, #tpu.memory_space<hbm>> -> memref<1x1x1x112xi32, #tpu.memory_space<hbm>>
        %dma_wait3A_351 = tpu.memref_squeeze %dma_wait3A_350 : memref<1x1x1x112xi32, #tpu.memory_space<hbm>> -> memref<112xi32, #tpu.memory_space<hbm>>
        tpu.wait_dma2 semaphore(%arg14 : memref<!tpu.dma_semaphore, #tpu.memory_space<semaphore_mem>>) src(%dma_wait3A_351 : memref<112xi32, #tpu.memory_space<hbm>>) dst(%dma_wait3A_348 : memref<112xi32, #tpu.memory_space<vmem>>)
        %dma_start3A_352 = arith.constant 1 : i32
        %dma_start3A_353 = arith.constant 1 : i32
        %dma_start3A_354 = arith.constant 0 : i32
        %dma_start3A_355 = arith.constant 0 : i32
        %dma_start3A_356 = tpu.memref_slice %arg8[%dma_start3A_353, %dma_start3A_354, %dma_start3A_355] : memref<3x112x128xf32, #tpu.memory_space<vmem>> -> memref<1x112x128xf32, #tpu.memory_space<vmem>>
        %dma_start3A_357 = tpu.memref_squeeze %dma_start3A_356 : memref<1x112x128xf32, #tpu.memory_space<vmem>> -> memref<112x128xf32, #tpu.memory_space<vmem>>
        %dma_start3A_358 = arith.constant 0 : i32
        %dma_start3A_359 = tpu.memref_slice %arg6[%dma_start3A_352, %dma_start3A_358] : memref<3x112xi32, #tpu.memory_space<vmem>> -> memref<1x112xi32, #tpu.memory_space<vmem>>
        %dma_start3A_360 = tpu.memref_squeeze %dma_start3A_359 : memref<1x112xi32, #tpu.memory_space<vmem>> -> memref<112xi32, #tpu.memory_space<vmem>>
        %dma_start3A_361 = arith.constant 0 : i32
        %dma_start3A_362 = arith.constant 0 : i32
        %dma_start3A_363 = tpu.memref_slice %arg2[%dma_start3A_361, %dma_start3A_362] : memref<10000x128xf32, #tpu.memory_space<hbm>> -> memref<10000x128xf32, #tpu.memory_space<hbm>>
        tpu.enqueue_indirect_dma source(%dma_start3A_363 : memref<10000x128xf32, #tpu.memory_space<hbm>>) target(%dma_start3A_357 : memref<112x128xf32, #tpu.memory_space<vmem>>) offsets(%dma_start3A_360 : memref<112xi32, #tpu.memory_space<vmem>>) semaphore(%arg11 : memref<!tpu.dma_semaphore, #tpu.memory_space<semaphore_mem>>)
      } else {
      }
      %dma_wait3A_298 = arith.constant 2 : i32
      %dma_wait3A_299 = arith.constant 2 : i32
      %dma_wait3A_300 = arith.constant 0 : i32
      %dma_wait3A_301 = arith.constant 0 : i32
      %dma_wait3A_302 = tpu.memref_slice %arg8[%dma_wait3A_299, %dma_wait3A_300, %dma_wait3A_301] : memref<3x112x128xf32, #tpu.memory_space<vmem>> -> memref<1x112x128xf32, #tpu.memory_space<vmem>>
      %dma_wait3A_303 = tpu.memref_squeeze %dma_wait3A_302 : memref<1x112x128xf32, #tpu.memory_space<vmem>> -> memref<112x128xf32, #tpu.memory_space<vmem>>
      %dma_wait3A_304 = arith.constant 0 : i32
      %dma_wait3A_305 = tpu.memref_slice %arg6[%dma_wait3A_298, %dma_wait3A_304] : memref<3x112xi32, #tpu.memory_space<vmem>> -> memref<1x112xi32, #tpu.memory_space<vmem>>
      %dma_wait3A_306 = tpu.memref_squeeze %dma_wait3A_305 : memref<1x112xi32, #tpu.memory_space<vmem>> -> memref<112xi32, #tpu.memory_space<vmem>>
      %dma_wait3A_307 = arith.constant 0 : i32
      %dma_wait3A_308 = arith.constant 0 : i32
      %dma_wait3A_309 = tpu.memref_slice %arg2[%dma_wait3A_307, %dma_wait3A_308] : memref<10000x128xf32, #tpu.memory_space<hbm>> -> memref<10000x128xf32, #tpu.memory_space<hbm>>
      tpu.wait_indirect_dma semaphore(%arg12 : memref<!tpu.dma_semaphore, #tpu.memory_space<semaphore_mem>>) src(%dma_wait3A_309 : memref<10000x128xf32, #tpu.memory_space<hbm>>) dst(%dma_wait3A_303 : memref<112x128xf32, #tpu.memory_space<vmem>>)
      %add3A_310 = arith.constant 3 : i32
      %add3A_311 = arith.addi %add3A_291, %add3A_310 : i32
      %lt3A_312 = arith.cmpi slt, %add3A_311, %select_n3A : i32
      %convert_element_type3A_313 = arith.extui %lt3A_312 : i1 to i32
      %cond3A_314 = arith.constant 0 : i32
      %cond3A_315 = arith.cmpi ne, %convert_element_type3A_313, %cond3A_314 : i32
      scf.if %cond3A_315 {
        %add3A_337 = arith.constant 3 : i32
        %add3A_338 = arith.addi %add3A_291, %add3A_337 : i32
        %dma_start3A_339 = arith.constant 2 : i32
        %dma_start3A_340 = arith.constant 0 : i32
        %dma_start3A_341 = tpu.memref_slice %arg6[%dma_start3A_339, %dma_start3A_340] : memref<3x112xi32, #tpu.memory_space<vmem>> -> memref<1x112xi32, #tpu.memory_space<vmem>>
        %dma_start3A_342 = tpu.memref_squeeze %dma_start3A_341 : memref<1x112xi32, #tpu.memory_space<vmem>> -> memref<112xi32, #tpu.memory_space<vmem>>
        %dma_start3A_343 = arith.constant 0 : i32
        %dma_start3A_344 = tpu.memref_slice %arg3[%arg0, %arg1, %add3A_338, %dma_start3A_343] : memref<2x16x159x112xi32, #tpu.memory_space<hbm>> -> memref<1x1x1x112xi32, #tpu.memory_space<hbm>>
        %dma_start3A_345 = tpu.memref_squeeze %dma_start3A_344 : memref<1x1x1x112xi32, #tpu.memory_space<hbm>> -> memref<112xi32, #tpu.memory_space<hbm>>
        %dma_start3A_346 = arith.constant 0 : i32
        %dma_start3A_347 = tpu.memref_slice %arg6[%dma_start3A_339, %dma_start3A_346] : memref<3x112xi32, #tpu.memory_space<vmem>> -> memref<1x112xi32, #tpu.memory_space<vmem>>
        %dma_start3A_348 = tpu.memref_squeeze %dma_start3A_347 : memref<1x112xi32, #tpu.memory_space<vmem>> -> memref<112xi32, #tpu.memory_space<vmem>>
        %dma_start3A_349 = arith.constant 0 : i32
        %dma_start3A_350 = tpu.memref_slice %arg3[%arg0, %arg1, %add3A_338, %dma_start3A_349] : memref<2x16x159x112xi32, #tpu.memory_space<hbm>> -> memref<1x1x1x112xi32, #tpu.memory_space<hbm>>
        %dma_start3A_351 = tpu.memref_squeeze %dma_start3A_350 : memref<1x1x1x112xi32, #tpu.memory_space<hbm>> -> memref<112xi32, #tpu.memory_space<hbm>>
        tpu.enqueue_dma source(%dma_start3A_351 : memref<112xi32, #tpu.memory_space<hbm>>) target(%dma_start3A_348 : memref<112xi32, #tpu.memory_space<vmem>>) target_semaphore(%arg15 : memref<!tpu.dma_semaphore, #tpu.memory_space<semaphore_mem>>)
      } else {
      }
      %dma_wait3A_316 = arith.constant 2 : i32
      %dma_wait3A_317 = arith.constant 0 : i32
      %dma_wait3A_318 = tpu.memref_slice %arg7[%dma_wait3A_316, %dma_wait3A_317] : memref<3x112xi32, #tpu.memory_space<vmem>> -> memref<1x112xi32, #tpu.memory_space<vmem>>
      %dma_wait3A_319 = tpu.memref_squeeze %dma_wait3A_318 : memref<1x112xi32, #tpu.memory_space<vmem>> -> memref<112xi32, #tpu.memory_space<vmem>>
      %dma_wait3A_320 = arith.constant 0 : i32
      %dma_wait3A_321 = tpu.memref_slice %arg4[%arg0, %arg1, %add3A_291, %dma_wait3A_320] : memref<2x16x159x112xi32, #tpu.memory_space<hbm>> -> memref<1x1x1x112xi32, #tpu.memory_space<hbm>>
      %dma_wait3A_322 = tpu.memref_squeeze %dma_wait3A_321 : memref<1x1x1x112xi32, #tpu.memory_space<hbm>> -> memref<112xi32, #tpu.memory_space<hbm>>
      %dma_wait3A_323 = arith.constant 0 : i32
      %dma_wait3A_324 = tpu.memref_slice %arg7[%dma_wait3A_316, %dma_wait3A_323] : memref<3x112xi32, #tpu.memory_space<vmem>> -> memref<1x112xi32, #tpu.memory_space<vmem>>
      %dma_wait3A_325 = tpu.memref_squeeze %dma_wait3A_324 : memref<1x112xi32, #tpu.memory_space<vmem>> -> memref<112xi32, #tpu.memory_space<vmem>>
      %dma_wait3A_326 = arith.constant 0 : i32
      %dma_wait3A_327 = tpu.memref_slice %arg4[%arg0, %arg1, %add3A_291, %dma_wait3A_326] : memref<2x16x159x112xi32, #tpu.memory_space<hbm>> -> memref<1x1x1x112xi32, #tpu.memory_space<hbm>>
      %dma_wait3A_328 = tpu.memref_squeeze %dma_wait3A_327 : memref<1x1x1x112xi32, #tpu.memory_space<hbm>> -> memref<112xi32, #tpu.memory_space<hbm>>
      tpu.wait_dma2 semaphore(%arg18 : memref<!tpu.dma_semaphore, #tpu.memory_space<semaphore_mem>>) src(%dma_wait3A_328 : memref<112xi32, #tpu.memory_space<hbm>>) dst(%dma_wait3A_325 : memref<112xi32, #tpu.memory_space<vmem>>)
      %run_scoped3A_329 = arith.constant 2 : i32
      %run_scoped3A_330 = arith.constant 2 : i32
      "tpu.region"() ({
        %run_scoped3A_337 = tpu.sem_alloc : memref<!tpu.dma_semaphore, #tpu.memory_space<semaphore_mem>>
        %dma_start3A_338 = arith.constant 0 : i32
        %dma_start3A_339 = arith.constant 0 : i32
        %dma_start3A_340 = tpu.memref_slice %arg8[%run_scoped3A_329, %dma_start3A_338, %dma_start3A_339] : memref<3x112x128xf32, #tpu.memory_space<vmem>> -> memref<1x112x128xf32, #tpu.memory_space<vmem>>
        %dma_start3A_341 = tpu.memref_squeeze %dma_start3A_340 : memref<1x112x128xf32, #tpu.memory_space<vmem>> -> memref<112x128xf32, #tpu.memory_space<vmem>>
        %dma_start3A_342 = arith.constant 0 : i32
        %dma_start3A_343 = tpu.memref_slice %arg7[%run_scoped3A_330, %dma_start3A_342] : memref<3x112xi32, #tpu.memory_space<vmem>> -> memref<1x112xi32, #tpu.memory_space<vmem>>
        %dma_start3A_344 = tpu.memref_squeeze %dma_start3A_343 : memref<1x112xi32, #tpu.memory_space<vmem>> -> memref<112xi32, #tpu.memory_space<vmem>>
        %dma_start3A_345 = arith.constant 0 : i32
        %dma_start3A_346 = arith.constant 0 : i32
        %dma_start3A_347 = tpu.memref_slice %arg9[%dma_start3A_345, %dma_start3A_346] : memref<10112x128xf32, #tpu.memory_space<vmem_shared>> -> memref<10112x128xf32, #tpu.memory_space<vmem_shared>>
        tpu.enqueue_indirect_dma source(%dma_start3A_341 : memref<112x128xf32, #tpu.memory_space<vmem>>) target(%dma_start3A_347 : memref<10112x128xf32, #tpu.memory_space<vmem_shared>>) offsets(%dma_start3A_344 : memref<112xi32, #tpu.memory_space<vmem>>) semaphore(%run_scoped3A_337 : memref<!tpu.dma_semaphore, #tpu.memory_space<semaphore_mem>>) {add = true}
        %dma_wait3A_348 = arith.constant 0 : i32
        %dma_wait3A_349 = arith.constant 0 : i32
        %dma_wait3A_350 = tpu.memref_slice %arg8[%run_scoped3A_329, %dma_wait3A_348, %dma_wait3A_349] : memref<3x112x128xf32, #tpu.memory_space<vmem>> -> memref<1x112x128xf32, #tpu.memory_space<vmem>>
        %dma_wait3A_351 = tpu.memref_squeeze %dma_wait3A_350 : memref<1x112x128xf32, #tpu.memory_space<vmem>> -> memref<112x128xf32, #tpu.memory_space<vmem>>
        %dma_wait3A_352 = arith.constant 0 : i32
        %dma_wait3A_353 = tpu.memref_slice %arg7[%run_scoped3A_330, %dma_wait3A_352] : memref<3x112xi32, #tpu.memory_space<vmem>> -> memref<1x112xi32, #tpu.memory_space<vmem>>
        %dma_wait3A_354 = tpu.memref_squeeze %dma_wait3A_353 : memref<1x112xi32, #tpu.memory_space<vmem>> -> memref<112xi32, #tpu.memory_space<vmem>>
        %dma_wait3A_355 = arith.constant 0 : i32
        %dma_wait3A_356 = arith.constant 0 : i32
        %dma_wait3A_357 = tpu.memref_slice %arg9[%dma_wait3A_355, %dma_wait3A_356] : memref<10112x128xf32, #tpu.memory_space<vmem_shared>> -> memref<10112x128xf32, #tpu.memory_space<vmem_shared>>
        tpu.wait_indirect_dma semaphore(%run_scoped3A_337 : memref<!tpu.dma_semaphore, #tpu.memory_space<semaphore_mem>>) src(%dma_wait3A_351 : memref<112x128xf32, #tpu.memory_space<vmem>>) dst(%dma_wait3A_357 : memref<10112x128xf32, #tpu.memory_space<vmem_shared>>)
        tpu.yield
      }) : () -> ()
      %add3A_331 = arith.constant 3 : i32
      %add3A_332 = arith.addi %add3A_291, %add3A_331 : i32
      %lt3A_333 = arith.cmpi slt, %add3A_332, %select_n3A : i32
      %convert_element_type3A_334 = arith.extui %lt3A_333 : i1 to i32
      %cond3A_335 = arith.constant 0 : i32
      %cond3A_336 = arith.cmpi ne, %convert_element_type3A_334, %cond3A_335 : i32
      scf.if %cond3A_336 {
        %add3A_337 = arith.constant 3 : i32
        %add3A_338 = arith.addi %add3A_291, %add3A_337 : i32
        %dma_start3A_339 = arith.constant 2 : i32
        %dma_start3A_340 = arith.constant 0 : i32
        %dma_start3A_341 = tpu.memref_slice %arg7[%dma_start3A_339, %dma_start3A_340] : memref<3x112xi32, #tpu.memory_space<vmem>> -> memref<1x112xi32, #tpu.memory_space<vmem>>
        %dma_start3A_342 = tpu.memref_squeeze %dma_start3A_341 : memref<1x112xi32, #tpu.memory_space<vmem>> -> memref<112xi32, #tpu.memory_space<vmem>>
        %dma_start3A_343 = arith.constant 0 : i32
        %dma_start3A_344 = tpu.memref_slice %arg4[%arg0, %arg1, %add3A_338, %dma_start3A_343] : memref<2x16x159x112xi32, #tpu.memory_space<hbm>> -> memref<1x1x1x112xi32, #tpu.memory_space<hbm>>
        %dma_start3A_345 = tpu.memref_squeeze %dma_start3A_344 : memref<1x1x1x112xi32, #tpu.memory_space<hbm>> -> memref<112xi32, #tpu.memory_space<hbm>>
        %dma_start3A_346 = arith.constant 0 : i32
        %dma_start3A_347 = tpu.memref_slice %arg7[%dma_start3A_339, %dma_start3A_346] : memref<3x112xi32, #tpu.memory_space<vmem>> -> memref<1x112xi32, #tpu.memory_space<vmem>>
        %dma_start3A_348 = tpu.memref_squeeze %dma_start3A_347 : memref<1x112xi32, #tpu.memory_space<vmem>> -> memref<112xi32, #tpu.memory_space<vmem>>
        %dma_start3A_349 = arith.constant 0 : i32
        %dma_start3A_350 = tpu.memref_slice %arg4[%arg0, %arg1, %add3A_338, %dma_start3A_349] : memref<2x16x159x112xi32, #tpu.memory_space<hbm>> -> memref<1x1x1x112xi32, #tpu.memory_space<hbm>>
        %dma_start3A_351 = tpu.memref_squeeze %dma_start3A_350 : memref<1x1x1x112xi32, #tpu.memory_space<hbm>> -> memref<112xi32, #tpu.memory_space<hbm>>
        tpu.enqueue_dma source(%dma_start3A_351 : memref<112xi32, #tpu.memory_space<hbm>>) target(%dma_start3A_348 : memref<112xi32, #tpu.memory_space<vmem>>) target_semaphore(%arg18 : memref<!tpu.dma_semaphore, #tpu.memory_space<semaphore_mem>>)
      } else {
      }
    }
    %barrier3A_195 = arith.constant 0 : index
    tpu.barrier barrier_id(%barrier3A_195)
    %mul3A_196 = arith.constant 632 : i32
    %mul3A_197 = arith.muli %arg1, %mul3A_196 : i32
    "tpu.region"() ({
      %run_scoped3A_198 = tpu.sem_alloc : memref<!tpu.dma_semaphore, #tpu.memory_space<semaphore_mem>>
      %dma_start3A_199 = arith.constant 0 : i32
      %dma_start3A_200 = arith.constant 0 : i32
      %dma_start3A_201 = tpu.memref_slice %arg5[%arg0, %arg1, %dma_start3A_199, %dma_start3A_200] : memref<2x16x632x128xf32, #tpu.memory_space<hbm>> -> memref<1x1x632x128xf32, #tpu.memory_space<hbm>>
      %dma_start3A_202 = tpu.memref_squeeze %dma_start3A_201 : memref<1x1x632x128xf32, #tpu.memory_space<hbm>> -> memref<632x128xf32, #tpu.memory_space<hbm>>
      %dma_start3A_203 = arith.constant 0 : i32
      %dma_start3A_204 = tpu.memref_slice %arg9[%mul3A_197, %dma_start3A_203] : memref<10112x128xf32, #tpu.memory_space<vmem_shared>> -> memref<632x128xf32, #tpu.memory_space<vmem_shared>>
      tpu.enqueue_dma source(%dma_start3A_204 : memref<632x128xf32, #tpu.memory_space<vmem_shared>>) target(%dma_start3A_202 : memref<632x128xf32, #tpu.memory_space<hbm>>) target_semaphore(%run_scoped3A_198 : memref<!tpu.dma_semaphore, #tpu.memory_space<semaphore_mem>>)
      %dma_wait3A_205 = arith.constant 0 : i32
      %dma_wait3A_206 = arith.constant 0 : i32
      %dma_wait3A_207 = tpu.memref_slice %arg5[%arg0, %arg1, %dma_wait3A_205, %dma_wait3A_206] : memref<2x16x632x128xf32, #tpu.memory_space<hbm>> -> memref<1x1x632x128xf32, #tpu.memory_space<hbm>>
      %dma_wait3A_208 = tpu.memref_squeeze %dma_wait3A_207 : memref<1x1x632x128xf32, #tpu.memory_space<hbm>> -> memref<632x128xf32, #tpu.memory_space<hbm>>
      %dma_wait3A_209 = arith.constant 0 : i32
      %dma_wait3A_210 = tpu.memref_slice %arg9[%mul3A_197, %dma_wait3A_209] : memref<10112x128xf32, #tpu.memory_space<vmem_shared>> -> memref<632x128xf32, #tpu.memory_space<vmem_shared>>
      tpu.wait_dma2 semaphore(%run_scoped3A_198 : memref<!tpu.dma_semaphore, #tpu.memory_space<semaphore_mem>>) src(%dma_wait3A_210 : memref<632x128xf32, #tpu.memory_space<vmem_shared>>) dst(%dma_wait3A_208 : memref<632x128xf32, #tpu.memory_space<hbm>>)
      tpu.yield
    }) : () -> ()
    return
  }
}

module attributes {stable_mosaic.version = 14 : i64} {
  func.func @_dense_body(%arg0: i32, %arg1: memref<2000x128xf32, #tpu.memory_space<vmem>>, %arg2: memref<128x128xf32, #tpu.memory_space<vmem>>, %arg3: memref<128x128xf32, #tpu.memory_space<vmem>>, %arg4: memref<2x2000x1xf32, #tpu.memory_space<vmem>>, %arg5: memref<2000x128xf32, #tpu.memory_space<vmem>>, %arg6: memref<2000x128xf32, #tpu.memory_space<vmem>>) attributes {dimension_semantics = [#tpu.dimension_semantics<arbitrary>], iteration_bounds = array<i64: 5>, scalar_prefetch = 0 : i64, scratch_operands = 0 : i64, tpu.core_type = #tpu.core_type<tc>, window_params = [{transform_indices = @transform_0, window_bounds = array<i64: 2000, 128>}, {pipeline_mode = #tpu.pipeline_mode<synchronous>, transform_indices = @transform_1, window_bounds = array<i64: 128, 128>}, {pipeline_mode = #tpu.pipeline_mode<synchronous>, transform_indices = @transform_2, window_bounds = array<i64: 128, 128>}, {transform_indices = @transform_3, window_bounds = array<i64: 2, 2000, 1>}, {transform_indices = @transform_4, window_bounds = array<i64: 2000, 128>}, {transform_indices = @transform_5, window_bounds = array<i64: 2000, 128>}]} {
    %get3A = arith.constant 0 : index
    %get3A_0 = arith.constant 0 : index
    %get3A_1 = arith.constant 0 : index
    %get3A_2 = vector.load %arg4[%get3A, %get3A_0, %get3A_1] : memref<2x2000x1xf32, #tpu.memory_space<vmem>>, vector<1x2000x1xf32>
    %get3A_3 = vector.shape_cast %get3A_2 : vector<1x2000x1xf32> to vector<2000x1xf32>
    %get3A_4 = arith.constant 1 : index
    %get3A_5 = arith.constant 0 : index
    %get3A_6 = arith.constant 0 : index
    %get3A_7 = vector.load %arg4[%get3A_4, %get3A_5, %get3A_6] : memref<2x2000x1xf32, #tpu.memory_space<vmem>>, vector<1x2000x1xf32>
    %get3A_8 = vector.shape_cast %get3A_7 : vector<1x2000x1xf32> to vector<2000x1xf32>
    %add3A = arith.addf %get3A_3, %get3A_8 : vector<2000x1xf32>
    %gt3A = arith.constant 0.000000e+00 : f32
    %gt3A_9 = vector.broadcast %gt3A : f32 to vector<2000x1xf32>
    %gt3A_10 = arith.cmpf ogt, %add3A, %gt3A_9 : vector<2000x1xf32>
    %rsqrt3A = math.rsqrt %add3A : vector<2000x1xf32>
    %jit3A = arith.constant 0.000000e+00 : f32
    %broadcast_in_dim3A = vector.broadcast %jit3A : f32 to vector<2000x1xf32>
    %select_n3A = arith.select %gt3A_10, %rsqrt3A, %broadcast_in_dim3A : vector<2000x1xi1>, vector<2000x1xf32>
    %get3A_11 = arith.constant 0 : index
    %get3A_12 = arith.constant 0 : index
    %get3A_13 = vector.load %arg1[%get3A_11, %get3A_12] : memref<2000x128xf32, #tpu.memory_space<vmem>>, vector<2000x128xf32>
    %get3A_14 = arith.constant 0 : index
    %get3A_15 = arith.constant 0 : index
    %get3A_16 = vector.load %arg2[%get3A_14, %get3A_15] : memref<128x128xf32, #tpu.memory_space<vmem>>, vector<128x128xf32>
    %dot_general3A = arith.constant dense<0.000000e+00> : vector<2000x128xf32>
    %dot_general3A_17 = tpu.matmul %get3A_13, %get3A_16, %dot_general3A {dimension_numbers = #tpu.dot_dimension_numbers<[1], [0], [0], [1], [0, 0, 1, 1], [], []>, transpose_lhs_hint = false} : vector<2000x128xf32>, vector<128x128xf32>, vector<2000x128xf32> -> vector<2000x128xf32>
    %mul3A = vector.broadcast %select_n3A : vector<2000x1xf32> to vector<2000x128xf32>
    %mul3A_18 = arith.mulf %dot_general3A_17, %mul3A : vector<2000x128xf32>
    %swap3A = arith.constant 0 : index
    %swap3A_19 = arith.constant 0 : index
    %swap3A_20 = vector.load %arg5[%swap3A, %swap3A_19] : memref<2000x128xf32, #tpu.memory_space<vmem>>, vector<2000x128xf32>
    tpu.vector_store %arg5[%swap3A, %swap3A_19], %mul3A_18 {strides = array<i32>} : memref<2000x128xf32, #tpu.memory_space<vmem>>, vector<2000x128xf32>,
    %get3A_21 = arith.constant 0 : index
    %get3A_22 = arith.constant 0 : index
    %get3A_23 = vector.load %arg1[%get3A_21, %get3A_22] : memref<2000x128xf32, #tpu.memory_space<vmem>>, vector<2000x128xf32>
    %get3A_24 = arith.constant 0 : index
    %get3A_25 = arith.constant 0 : index
    %get3A_26 = vector.load %arg3[%get3A_24, %get3A_25] : memref<128x128xf32, #tpu.memory_space<vmem>>, vector<128x128xf32>
    %dot_general3A_27 = arith.constant dense<0.000000e+00> : vector<2000x128xf32>
    %dot_general3A_28 = tpu.matmul %get3A_23, %get3A_26, %dot_general3A_27 {dimension_numbers = #tpu.dot_dimension_numbers<[1], [0], [0], [1], [0, 0, 1, 1], [], []>, transpose_lhs_hint = false} : vector<2000x128xf32>, vector<128x128xf32>, vector<2000x128xf32> -> vector<2000x128xf32>
    %swap3A_29 = arith.constant 0 : index
    %swap3A_30 = arith.constant 0 : index
    %swap3A_31 = vector.load %arg6[%swap3A_29, %swap3A_30] : memref<2000x128xf32, #tpu.memory_space<vmem>>, vector<2000x128xf32>
    tpu.vector_store %arg6[%swap3A_29, %swap3A_30], %dot_general3A_28 {strides = array<i32>} : memref<2000x128xf32, #tpu.memory_space<vmem>>, vector<2000x128xf32>,
    return
  }
  func.func @transform_0(%arg0: i32) -> (i32, i32) {
    %c0_i32 = arith.constant 0 : i32
    %c0_i32_0 = arith.constant 0 : i32
    return %arg0, %c0_i32 : i32, i32
  }
  func.func @transform_1(%arg0: i32) -> (i32, i32) {
    %c0_i32 = arith.constant 0 : i32
    %c0_i32_0 = arith.constant 0 : i32
    %c0_i32_1 = arith.constant 0 : i32
    return %c0_i32, %c0_i32_0 : i32, i32
  }
  func.func @transform_2(%arg0: i32) -> (i32, i32) {
    %c0_i32 = arith.constant 0 : i32
    %c0_i32_0 = arith.constant 0 : i32
    %c0_i32_1 = arith.constant 0 : i32
    return %c0_i32, %c0_i32_0 : i32, i32
  }
  func.func @transform_3(%arg0: i32) -> (i32, i32, i32) {
    %c0_i32 = arith.constant 0 : i32
    %c0_i32_0 = arith.constant 0 : i32
    %c0_i32_1 = arith.constant 0 : i32
    return %c0_i32, %arg0, %c0_i32_0 : i32, i32, i32
  }
  func.func @transform_4(%arg0: i32) -> (i32, i32) {
    %c0_i32 = arith.constant 0 : i32
    %c0_i32_0 = arith.constant 0 : i32
    return %arg0, %c0_i32 : i32, i32
  }
  func.func @transform_5(%arg0: i32) -> (i32, i32) {
    %c0_i32 = arith.constant 0 : i32
    %c0_i32_0 = arith.constant 0 : i32
    return %arg0, %c0_i32 : i32, i32
  }
}

module attributes {stable_mosaic.version = 14 : i64} {
  func.func @_final_body(%arg0: i32, %arg1: memref<2x2000x128xf32, #tpu.memory_space<vmem>>, %arg2: memref<2x2000x1xf32, #tpu.memory_space<vmem>>, %arg3: memref<2000x128xf32, #tpu.memory_space<vmem>>, %arg4: memref<1x128xf32, #tpu.memory_space<vmem>>, %arg5: memref<2000x128xf32, #tpu.memory_space<vmem>>) attributes {dimension_semantics = [#tpu.dimension_semantics<arbitrary>], iteration_bounds = array<i64: 5>, scalar_prefetch = 0 : i64, scratch_operands = 0 : i64, tpu.core_type = #tpu.core_type<tc>, window_params = [{transform_indices = @transform_0, window_bounds = array<i64: 2, 2000, 128>}, {transform_indices = @transform_1, window_bounds = array<i64: 2, 2000, 1>}, {transform_indices = @transform_2, window_bounds = array<i64: 2000, 128>}, {pipeline_mode = #tpu.pipeline_mode<synchronous>, transform_indices = @transform_3, window_bounds = array<i64: 1, 128>}, {transform_indices = @transform_4, window_bounds = array<i64: 2000, 128>}]} {
    %get3A = arith.constant 0 : index
    %get3A_0 = arith.constant 0 : index
    %get3A_1 = arith.constant 0 : index
    %get3A_2 = vector.load %arg2[%get3A, %get3A_0, %get3A_1] : memref<2x2000x1xf32, #tpu.memory_space<vmem>>, vector<1x2000x1xf32>
    %get3A_3 = vector.shape_cast %get3A_2 : vector<1x2000x1xf32> to vector<2000x1xf32>
    %get3A_4 = arith.constant 1 : index
    %get3A_5 = arith.constant 0 : index
    %get3A_6 = arith.constant 0 : index
    %get3A_7 = vector.load %arg2[%get3A_4, %get3A_5, %get3A_6] : memref<2x2000x1xf32, #tpu.memory_space<vmem>>, vector<1x2000x1xf32>
    %get3A_8 = vector.shape_cast %get3A_7 : vector<1x2000x1xf32> to vector<2000x1xf32>
    %add3A = arith.addf %get3A_3, %get3A_8 : vector<2000x1xf32>
    %gt3A = arith.constant 0.000000e+00 : f32
    %gt3A_9 = vector.broadcast %gt3A : f32 to vector<2000x1xf32>
    %gt3A_10 = arith.cmpf ogt, %add3A, %gt3A_9 : vector<2000x1xf32>
    %rsqrt3A = math.rsqrt %add3A : vector<2000x1xf32>
    %jit3A = arith.constant 0.000000e+00 : f32
    %broadcast_in_dim3A = vector.broadcast %jit3A : f32 to vector<2000x1xf32>
    %select_n3A = arith.select %gt3A_10, %rsqrt3A, %broadcast_in_dim3A : vector<2000x1xi1>, vector<2000x1xf32>
    %get3A_11 = arith.constant 0 : index
    %get3A_12 = arith.constant 0 : index
    %get3A_13 = arith.constant 0 : index
    %get3A_14 = vector.load %arg1[%get3A_11, %get3A_12, %get3A_13] : memref<2x2000x128xf32, #tpu.memory_space<vmem>>, vector<1x2000x128xf32>
    %get3A_15 = vector.shape_cast %get3A_14 : vector<1x2000x128xf32> to vector<2000x128xf32>
    %get3A_16 = arith.constant 1 : index
    %get3A_17 = arith.constant 0 : index
    %get3A_18 = arith.constant 0 : index
    %get3A_19 = vector.load %arg1[%get3A_16, %get3A_17, %get3A_18] : memref<2x2000x128xf32, #tpu.memory_space<vmem>>, vector<1x2000x128xf32>
    %get3A_20 = vector.shape_cast %get3A_19 : vector<1x2000x128xf32> to vector<2000x128xf32>
    %add3A_21 = arith.addf %get3A_15, %get3A_20 : vector<2000x128xf32>
    %neg3A = arith.constant 0.000000e+00 : f32
    %neg3A_22 = vector.broadcast %neg3A : f32 to vector<2000x128xf32>
    %neg3A_23 = arith.subf %neg3A_22, %add3A_21 : vector<2000x128xf32>
    %mul3A = vector.broadcast %select_n3A : vector<2000x1xf32> to vector<2000x128xf32>
    %mul3A_24 = arith.mulf %neg3A_23, %mul3A : vector<2000x128xf32>
    %get3A_25 = arith.constant 0 : index
    %get3A_26 = arith.constant 0 : index
    %get3A_27 = vector.load %arg3[%get3A_25, %get3A_26] : memref<2000x128xf32, #tpu.memory_space<vmem>>, vector<2000x128xf32>
    %add3A_28 = arith.addf %mul3A_24, %get3A_27 : vector<2000x128xf32>
    %get3A_29 = arith.constant 0 : index
    %get3A_30 = arith.constant 0 : index
    %get3A_31 = vector.load %arg4[%get3A_29, %get3A_30] : memref<1x128xf32, #tpu.memory_space<vmem>>, vector<1x128xf32>
    %add3A_32 = vector.broadcast %get3A_31 : vector<1x128xf32> to vector<2000x128xf32>
    %add3A_33 = arith.addf %add3A_28, %add3A_32 : vector<2000x128xf32>
    %max3A = arith.constant 0.000000e+00 : f32
    %max3A_34 = vector.broadcast %max3A : f32 to vector<2000x128xf32>
    %max3A_35 = arith.maximumf %add3A_33, %max3A_34 : vector<2000x128xf32>
    %swap3A = arith.constant 0 : index
    %swap3A_36 = arith.constant 0 : index
    %swap3A_37 = vector.load %arg5[%swap3A, %swap3A_36] : memref<2000x128xf32, #tpu.memory_space<vmem>>, vector<2000x128xf32>
    tpu.vector_store %arg5[%swap3A, %swap3A_36], %max3A_35 {strides = array<i32>} : memref<2000x128xf32, #tpu.memory_space<vmem>>, vector<2000x128xf32>,
    return
  }
  func.func @transform_0(%arg0: i32) -> (i32, i32, i32) {
    %c0_i32 = arith.constant 0 : i32
    %c0_i32_0 = arith.constant 0 : i32
    %c0_i32_1 = arith.constant 0 : i32
    return %c0_i32, %arg0, %c0_i32_0 : i32, i32, i32
  }
  func.func @transform_1(%arg0: i32) -> (i32, i32, i32) {
    %c0_i32 = arith.constant 0 : i32
    %c0_i32_0 = arith.constant 0 : i32
    %c0_i32_1 = arith.constant 0 : i32
    return %c0_i32, %arg0, %c0_i32_0 : i32, i32, i32
  }
  func.func @transform_2(%arg0: i32) -> (i32, i32) {
    %c0_i32 = arith.constant 0 : i32
    %c0_i32_0 = arith.constant 0 : i32
    return %arg0, %c0_i32 : i32, i32
  }
  func.func @transform_3(%arg0: i32) -> (i32, i32) {
    %c0_i32 = arith.constant 0 : i32
    %c0_i32_0 = arith.constant 0 : i32
    %c0_i32_1 = arith.constant 0 : i32
    return %c0_i32, %c0_i32_0 : i32, i32
  }
  func.func @transform_4(%arg0: i32) -> (i32, i32) {
    %c0_i32 = arith.constant 0 : i32
    %c0_i32_0 = arith.constant 0 : i32
    return %arg0, %c0_i32 : i32, i32
  }
}

</mosaic_0001>

<sc_bundles>
// kernel: kernel.6.cloned.1.call-start
scs
__scs_entry_jumppad:
0x0: {  	(pc) =	sbr.rel $0x88, $3  }
0x1: {  	(tag) =	ssettag $0x0;
	lr =	simm.s32 $0x1  }
0x2: {  	[smem:$0x3F9C] =	sst lr;
	_ =	strace $0xD0000000  }
0x3: {  	_ = 	snop  }
0x4: {  	_ = 	snop  }
0x5: {  	_ = 	snop  }
0x6: {  	_ = 	snop  }
0x7: {  	_ = 	snop  }
__scs_overlays_trampoline_lowered:
0x8: {  	[smem:$0x3FAB] =	sst s0  }
0x9: {  	[smem:$0x3FAC] =	sst s1  }
0xa: {  	[smem:$0x3FAD] =	sst s2  }
0xb: {  	[smem:$0x3FAE] =	sst s3  }
0xc: {  	[smem:$0x3FAF] =	sst s4  }
0xd: {  	[smem:$0x3FB0] =	sst s5  }
0xe: {  	[smem:$0x3FB1] =	sst s6  }
0xf: {  	[smem:$0x3FB2] =	sst s7  }
0x10: {  	[smem:$0x3FB3] =	sst s8  }
0x11: {  	[smem:$0x3FB4] =	sst s9;
	s0 =	simm.s32 @!p0 $0x0  }
0x12: {  	s1 =	sld [smem:$0x3F9A];
	s0 =	simm.s32 @p0 $0x1  }
0x13: {  	[smem:$0x3FB5] =	sst s0;
	s0 =	simm.s32 @!p1 $0x0  }
0x14: {  	s2 =	sld [smem:$0x3F99];
	s0 =	simm.s32 @p1 $0x1  }
0x15: {  	[smem:$0x3FB6] =	sst s0;
	s0 =	simm.s32 @!p2 $0x0  }
0x16: {  	s3 =	sld [smem:$0x3FDB];
	s0 =	simm.s32 @p2 $0x1  }
0x17: {  	s4 =	simm.s32 $0x1BF5;
	[smem:$0x3FB8] =	sst s0  }
0x18: {  	s0 =	sld [smem:$0x3F9B];
	_ =	swait.ge [sflag:s4], $0x0  }
0x19: {  	s7 =	sld [smem:$0x3F9C]  }
0x1a: {  	s8 =	sadd.s32 $0xFFFFE003, lr  }
0x1b: {  	s9 =	sadd.s32 $0xFFFFFEF7, lr;
	s5 =	simm.s32 $0xFFFFFFFF;
	p2 =	slt.u32 s8, $0xFFFFF086  }
0x1c: {  	p1 =	slt.u32 s9, $0xF7A;
	s5 =	simm.s32 @!p2 $0x0  }
0x1d: {  	s5 =	simm.s32 @p1 $0x1;
	p0 =	seq.s32 s7, s2  }
0x1e: {  	s7 =	smul.u32 @!p0 $0xF7A, s2;
	p2 =	seq.s32 @!p0 s5, $0x0  }
0x1f: {  	s9 =	smul.u32 $0xF7A, s1;
	s8 =	simm.s32 @!p0 $0x1BF5;
	p2 =	por !p2, p0  }
0x20: {  	[sflag:s8] =	ssyncset.s32 @!p0 $0xFFFFF086;
	s6 =	sadd.s32 @!p0 s3, s7;
	s7 =	simm.s32 @!p0 $0x108  }
0x21: {  	s3 =	sadd.s32 s3, s9;
	s6 =	sadd.s32 @!p0 $0x88, s6;
	s7 =	simm.s32 @p2 $0x1082  }
0x22: {  	[simem:s7], [sflag:s8] =	dma.local @!p0 [hbm:s6], $0xF7A  }
0x23: {  	s9 =	sor.u32 $0xD0000000, s2;
	s6 =	simm.s32 $0x108;
	_ =	swait.ge @!p0 [sflag:s8], $0x0  }
0x24: {  	s3 =	sadd.s32 $0x88, s3;
	s6 =	simm.s32 @!p1 $0x1082;
	[sflag:s4] =	ssyncset.s32 $0xFFFFF086  }
0x25: {  	[simem:s6], [sflag:s4] =	dma.local [hbm:s3], $0xF7A  }
0x26: {  	[smem:$0x3F9C] =	sst s1;
	(tag) =	ssettag s2;
	_ =	strace s9  }
0x27: {  	s1 =	sld [smem:$0x3FAC]  }
0x28: {  	s2 =	sld [smem:$0x3FAD]  }
0x29: {  	s4 =	sld [smem:$0x3FAF]  }
0x2a: {  	p0 =	seq.s32 s5, $0x0;
	s5 =	sld [smem:$0x3FB0]  }
0x2b: {  	s6 =	sld [smem:$0x3FB1]  }
0x2c: {  	s7 =	sld [smem:$0x3FB2]  }
0x2d: {  	s3 =	simm.s32 $0x108;
	s8 =	sld [smem:$0x3FB3]  }
0x2e: {  	s3 =	simm.s32 @!p0 $0x1082;
	s9 =	sld [smem:$0x3FB4]  }
0x2f: {  	lr =	sadd.s32 s0, s3;
	s0 =	sld [smem:$0x3FAB]  }
0x30: {  	s3 =	sld [smem:$0x3FAE]  }
0x31: {  	[smem:$0x3FB7] =	sst s10  }
0x32: {  	s10 =	sld [smem:$0x3FB5];
	_ =	sdelay $0x3  }
0x33: {  	p0 =	seq.s32 s10, $0x1;
	s10 =	sld [smem:$0x3FB7];
	_ =	sdelay $0x3  }
0x34: {  	[smem:$0x3FB7] =	sst s10  }
0x35: {  	s10 =	sld [smem:$0x3FB6];
	_ =	sdelay $0x3  }
0x36: {  	p1 =	seq.s32 s10, $0x1;
	s10 =	sld [smem:$0x3FB7];
	_ =	sdelay $0x3  }
0x37: {  	[smem:$0x3FB7] =	sst s10  }
0x38: {  	s10 =	sld [smem:$0x3FB8]  }
0x39: {  	_ = 	snop;
	(pc) =	sbr.ind lr, $3  }
0x3a: {  	_ = 	snop  }
0x3b: {  	_ = 	snop  }
0x3c: {  	p2 =	seq.s32 s10, $0x1;
	s10 =	sld [smem:$0x3FB7]  }
0x3d: {  	_ =	shalt  }
0x3e: {  	_ =	shalt  }
0x3f: {  	_ =	shalt  }
0x40: {  	_ =	shalt  }
0x41: {  	_ =	shalt  }
0x42: {  	_ =	shalt  }
0x43: {  	_ =	shalt  }
0x44: {  	_ =	shalt  }
0x45: {  	_ =	shalt  }
0x46: {  	_ =	shalt  }
0x47: {  	_ =	shalt  }
0x48: {  	_ =	shalt  }
0x49: {  	_ =	shalt  }
0x4a: {  	_ =	shalt  }
0x4b: {  	_ =	shalt  }
0x4c: {  	_ =	shalt  }
0x4d: {  	_ =	shalt  }
0x4e: {  	_ =	shalt  }
0x4f: {  	_ =	shalt  }
0x50: {  	_ =	shalt  }
0x51: {  	_ =	shalt  }
0x52: {  	_ =	shalt  }
0x53: {  	_ =	shalt  }
0x54: {  	_ =	shalt  }
0x55: {  	_ =	shalt  }
0x56: {  	_ =	shalt  }
0x57: {  	_ =	shalt  }
0x58: {  	_ =	shalt  }
0x59: {  	_ =	shalt  }
0x5a: {  	_ =	shalt  }
0x5b: {  	_ =	shalt  }
0x5c: {  	_ =	shalt  }
0x5d: {  	_ =	shalt  }
0x5e: {  	_ =	shalt  }
0x5f: {  	_ =	shalt  }
0x60: {  	_ =	shalt  }
0x61: {  	_ =	shalt  }
0x62: {  	_ =	shalt  }
0x63: {  	_ =	shalt  }
0x64: {  	_ =	shalt  }
0x65: {  	_ =	shalt  }
0x66: {  	_ =	shalt  }
0x67: {  	_ =	shalt  }
0x68: {  	_ =	shalt  }
0x69: {  	_ =	shalt  }
0x6a: {  	_ =	shalt  }
0x6b: {  	_ =	shalt  }
0x6c: {  	_ =	shalt  }
0x6d: {  	_ =	shalt  }
0x6e: {  	_ =	shalt  }
0x6f: {  	_ =	shalt  }
0x70: {  	_ =	shalt  }
0x71: {  	_ =	shalt  }
0x72: {  	_ =	shalt  }
0x73: {  	_ =	shalt  }
0x74: {  	_ =	shalt  }
0x75: {  	_ =	shalt  }
0x76: {  	_ =	shalt  }
0x77: {  	_ =	shalt  }
0x78: {  	_ =	shalt  }
0x79: {  	_ =	shalt  }
0x7a: {  	_ =	shalt  }
0x7b: {  	_ =	shalt  }
0x7c: {  	_ =	shalt  }
0x7d: {  	_ =	shalt  }
0x7e: {  	_ =	shalt  }
0x7f: {  	_ =	shalt  }
0x80: {  	_ =	shalt  }
0x81: {  	_ =	shalt  }
0x82: {  	_ =	shalt  }
0x83: {  	_ =	shalt  }
0x84: {  	_ =	shalt  }
0x85: {  	_ =	shalt  }
0x86: {  	_ =	shalt  }
0x87: {  	_ =	shalt  }
.Lfunc_end0:
.L_simem_size_0:
called_computation_lowered:
.L_overlay_start_0:
0x88: {  	s2 =	sld [smem:$0x3FD9]  }
0x89: {  	s3 =	sld [smem:$0x3FFE];
	_ =	sdelay $0x1  }
0x8a: {  	s1 =	srdreg.scid  }
0x8b: {  	s0 =	sand.u32 $0x1, s1  }
0x8c: {  	s17 =	sshll.u32 s0, $0xA;
	s2 =	sadd.s32 s3, s2  }
0x8d: {  	s2 =	sadd.s32 s2, s17  }
0x8e: {  	[smem:$0x3FC3] =	sst s2  }
0x8f: {  	_ = 	snop  }
0x90: {  	s2 =	sld [smem:$0x3FD0];
	(tm) =	ssettm $0x1  }
0x91: {  	s18 =	sld [smem:$0x3FFB];
	_ =	sdelay $0x3  }
0x92: {  	_ =	strace s18  }
0x93: {  	s3 =	sld [smem:$0x3FFC];
	_ =	sdelay $0x3  }
0x94: {  	_ =	strace s3  }
0x95: {  	s3 =	sld [smem:$0x3FFD];
	_ =	sdelay $0x3  }
0x96: {  	_ =	strace s3  }
0x97: {  	_ =	strace $0x8FFFFFFF  }
0x98: {  	s19 =	sld [smem:$0x3FDB];
	_ =	sdelay $0x1  }
0x99: {  	s4 =	simm.s32 $_scs_section_size  }
0x9a: {  	s5 =	simm.s32 $_size__tile_overlayer_lowered;
	s6 =	simm.s32 $_tile_overlayer_lowered  }
0x9b: {  	s22 =	simm.s32 $0x1BFF;
	s21 =	sshll.u32 s6, $0x1;
	s3 =	sadd.s32 s4, s19  }
0x9c: {  	s7 =	simm.s32 $0x0;
	s20 =	sshll.u32 s5, $0x1;
	s5 =	sadd.s32 s21, s3  }
0x9d: {  	[timem:s7], [sflag:s22] =	dma.local [hbm:s5], s20  }
0x9e: {  	_ =	swait.ge [sflag:s22], s20  }
0x9f: {  	s4 =	ssub.s32 $0x0, s20;
	[sflag:s22] =	ssyncset.done $0x0  }
0xa0: {  	[sflag:s22] =	ssyncadd.s32 s4;
	_ =	sdelay $0x1  }
0xa1: {  	s23 =	simm.s32 $0x1B8B  }
0xa2: {  	_ =	swait.ge [sflag:s23], $0x1  }
0xa3: {  	[sflag:s23] =	ssyncset.done $0x0  }
0xa4: {  	s25 =	simm.s32 $0x1B8E;
	s24 =	sld [smem:$0x3FFE];
	[sflag:s23] =	ssyncadd.s32 $0xFFFFFFFF  }
0xa5: {  	s26 =	simm.s32 $execute0_lowered;
	[smem:$0x3FD2] =	sst s25  }
0xa6: {  	s5 =	sshll.u32 s26, $0x1;
	_ =	strace $0x80000046;
	[dreg:$0x1] =	wrdreg $0xFFFFFFFF  }
0xa7: {  	s28 =	simm.s32 $_size_execute0_lowered;
	s3 =	sadd.s32 s3, s5;
	[dreg:$0x0] =	wrdreg $0x0  }
0xa8: {  	s5 =	sshll.u32 s28, $0x1;
	[dreg:$0x2] =	wrdreg s3  }
0xa9: {  	[dreg:$0x3] =	wrdreg s5  }
0xaa: {  	[dreg:$0x4] =	wrdreg $0xC0  }
0xab: {  	_ =	task [dreg:s7], $0x5FFFF  }
0xac: {  	[dreg:$0x1] =	wrdreg $0xFFFFFFFF  }
0xad: {  	[dreg:$0x0] =	wrdreg $0x60  }
0xae: {  	[dreg:$0x2] =	wrdreg s24  }
0xaf: {  	[dreg:$0x3] =	wrdreg s2  }
0xb0: {  	[dreg:$0x4] =	wrdreg $0x53000  }
0xb1: {  	[dreg:$0x5] =	wrdreg $0x9  }
0xb2: {  	_ =	task.clear_ibuf [dreg:s7], $0x6FFFF;
	_ =	strace $0x90000046  }
0xb3: {  	s29 =	simm.s32 $0x9;
	_ =	strace $0x80000048  }
0xb4: {  	_ =	swait.ge [sflag:s29], $0x1  }
0xb5: {  	[sflag:s29] =	ssyncadd.s32 $0xFFFFFFFF  }
0xb6: {  	_ =	strace $0x90000048  }
0xb7: {  	_ =	sfence  }
0xb8: {  	s30 =	sld [smem:$0x0];
	_ =	sdelay $0x2  }
0xb9: {  	s31 =	sshll.u32 s1, $0xD;
	s1 =	sshrl.u32 s1, $0x2  }
0xba: {  	s3 =	sand.u32 $0x4000, s31;
	s1 =	sadd.s32 s1, s30  }
0xbb: {  	s0 =	sor.u32 s3, s0;
	s1 =	sshll.u32 s1, $0x11  }
0xbc: {  	s0 =	sor.u32 s1, s0  }
0xbd: {  	s0 =	sadd.s32 $0x8F2B, s0  }
0xbe: {  	[sflag:s0] =	ssyncadd.remote.s32 $0x1  }
0xbf: {  	_ =	sfence.sel $0xFFFF  }
0xc0: {  	[dreg:$0x0] =	wrdreg $0xFFFFFFFF;
	(pc) =	sbr.abs _section_cstart, $3  }
0xc1: {  	[dreg:$0x1] =	wrdreg $0xFFFFFFFF  }
0xc2: {  	_ =	task.clear_ibuf [dreg:s7], $0x2FFFF;
	_ =	strace $0x9FFFFFFF  }
0xc3: {  	(tm) =	ssettm $0x7FFFFFFF  }
tec
execute0_lowered:
.L_overlay_start_1:
0x0: {  	(tag) =	ssettag $0x1  }
0x1: {  	s4 =	rddreg [dreg:$0x0]  }
0x2: {  	s7 =	rddreg [dreg:$0x1]  }
0x3: {  	s2 =	rddreg [dreg:$0x2]  }
0x4: {  	s0 =	srdreg.scid;
	s1 =	rddreg [dreg:$0x3];
	s3 =	simm.s32 $0x0  }
0x5: {  	s13 =	simm.s32 $0x5000;
	s17 =	simm.s32 $0x80;
	s5 =	sand.u32 $0x1, s0  }
0x6: {  	s18 =	simm.s32 $0x10;
	s0 =	stileid.u32;
	s6 =	smul.u32 $0x50000, s5  }
0x7: {  	s19 =	simm.s32 $0x0;
	[smem:$0x7FF] =	sst s3;
	s8 =	smul.u32 $0x5000, s0  }
0x8: {  	s25 =	ssub.s32 $0x2, s5;
	_ =	strace $0x80000047;
	s9 =	smul.u32 $0x2800, s5  }
0x9: {  	s10 =	sshrl.u32 s0, $0x3;
	p0 =	seq.s32 s5, $0x0;
	s11 =	smul.u32 $0xA00, s0  }
0xa: {  	s12 =	sshll.u32 s0, $0x7;
	s15 =	sshll.u32 s0, $0x6;
	s26 =	sshrl.u32 s25, $0x1  }
0xb: {  	s10 =	smul.u32 $0x1400, s10;
	s29 =	sand.u32 $0x380, s12;
	s12 =	simm.s32 $0x70  }
0xc: {  	s15 =	sor.u32 $0x1C02, s15;
	s6 =	sadd.s32 s8, s6;
	s8 =	ssub.s32 s25, s26  }
0xd: {  	s30 =	sshrl.u32 s11, $0x2;
	s11 =	simm.s32 $0x5080;
	s6 =	sshrl.u32 s6, $0x3  }
0xe: {  	s28 =	sadd.s32 s9, s10;
	s8 =	smax.u32 s8, $0x1;
	s10 =	simm.s32 $0x2  }
.Ltmp0:
0xf: {  	s6 =	sadd.s32 s6, s4;
	s4 =	simm.s32 $0x9F;
	(pc) =	sbr.rel .LBB2_1-.Ltmp0, $4  }
0x10: {  	s9 =	sor.u32 s29, s28;
	s4 =	simm.s32 @!p0 $0x15;
	s5 =	sadd.s32 $0xE00, s6  }
0x11: {  	s6 =	sadd.s32 s30, s2;
	s9 =	sshrl.u32 s9, $0x3;
	s31 =	smax.u32 s4, $0x40  }
0x12: {  	s7 =	sadd.s32 s7, s9;
	s9 =	smin.u32 s4, $0x40;
	s14 =	sadd.s32 $0xFFFFFFC0, s31  }
0x13: {  	v0 =	vimm.f32 $1.000000000e+00;
	v1 =	vimm.f32 $0.0e+00;
	s16 =	sshrl.u32 s6, $0x3;
	p0 =	sge.u32 s14, s4;
	s14 =	simm.s32 $0x1  }
.LBB2_6:
0x14: {  	[sflag:s14] =	ssyncadd.s32 $0xFFFFFF90  }
.LBB2_7:
0x15: {  	s19 =	sadd.s32 $0x1, s19  }
0x16: {  	p1 =	sne.s32 s19, s8  }
.Ltmp1:
0x17: {  	[bflag:$0x0] =	sbarrier.arrive $0xFFFF;
	(pc) =	sbr.rel @!p1 .LBB2_8-.Ltmp1, $4  }
0x18: {  	[hbm:s7@s17], [sflag:s15] =	dma.strided [spmem:s16@s18], $0x50, s14, $0x10   }
0x19: {  	_ =	swait.ge [sflag:s10], $0x50  }
0x1a: {  	[sflag:s10] =	ssyncset.done $0x0  }
0x1b: {  	[sflag:s10] =	ssyncadd.s32 $0xFFFFFFB0  }
.LBB2_1:
0x1c: {  	[tilespmem:s3], [sflag:$0x2] =	stream.linear.gather [hbm4b:s5+s3], $0x4F80, $0x38;
	[tilespmem:$0x5580] =	vst v63  }
0x1d: {  	_ =	swait.ge [sflag:s10], $0x4F80  }
0x1e: {  	[sflag:s10] =	ssyncset.done $0x0  }
0x1f: {  	[sflag:s10] =	ssyncadd.s32 $0xFFFFB080  }
0x20: {  	[tilespmem:$0x5000] =	vst v0  }
0x21: {  	[tilespmem:$0x5010] =	vst v0  }
0x22: {  	[tilespmem:$0x5020] =	vst v0  }
0x23: {  	[tilespmem:$0x5030] =	vst v0  }
0x24: {  	[tilespmem:$0x5040] =	vst v0  }
0x25: {  	[tilespmem:$0x5050] =	vst v0  }
0x26: {  	[tilespmem:$0x5060] =	vst v0  }
0x27: {  	[tilespmem:$0x5080] =	vst v1  }
0x28: {  	[tilespmem:$0x5090] =	vst v1  }
0x29: {  	[tilespmem:$0x50A0] =	vst v1  }
0x2a: {  	[tilespmem:$0x50B0] =	vst v1  }
0x2b: {  	[tilespmem:$0x50C0] =	vst v1  }
0x2c: {  	[tilespmem:$0x50D0] =	vst v1  }
0x2d: {  	[tilespmem:$0x50E0] =	vst v1  }
0x2e: {  	[tilespmem:$0x50F0] =	vst v1  }
0x2f: {  	[tilespmem:$0x5100] =	vst v1  }
0x30: {  	[tilespmem:$0x5110] =	vst v1  }
0x31: {  	[tilespmem:$0x5120] =	vst v1  }
0x32: {  	[tilespmem:$0x5130] =	vst v1  }
0x33: {  	[tilespmem:$0x5140] =	vst v1  }
0x34: {  	[tilespmem:$0x5150] =	vst v1  }
0x35: {  	[tilespmem:$0x5160] =	vst v1  }
0x36: {  	[tilespmem:$0x5170] =	vst v1  }
0x37: {  	[tilespmem:$0x5180] =	vst v1  }
0x38: {  	[tilespmem:$0x5190] =	vst v1  }
0x39: {  	[tilespmem:$0x51A0] =	vst v1  }
0x3a: {  	[tilespmem:$0x51B0] =	vst v1  }
0x3b: {  	[tilespmem:$0x51C0] =	vst v1  }
0x3c: {  	[tilespmem:$0x51D0] =	vst v1  }
0x3d: {  	[tilespmem:$0x51E0] =	vst v1  }
0x3e: {  	[tilespmem:$0x51F0] =	vst v1  }
0x3f: {  	[tilespmem:$0x5200] =	vst v1  }
0x40: {  	[tilespmem:$0x5210] =	vst v1  }
0x41: {  	[tilespmem:$0x5220] =	vst v1  }
0x42: {  	[tilespmem:$0x5230] =	vst v1  }
0x43: {  	[tilespmem:$0x5240] =	vst v1  }
0x44: {  	[tilespmem:$0x5250] =	vst v1  }
0x45: {  	[tilespmem:$0x5260] =	vst v1  }
0x46: {  	[tilespmem:$0x5270] =	vst v1  }
0x47: {  	[tilespmem:$0x5280] =	vst v1  }
0x48: {  	[tilespmem:$0x5290] =	vst v1  }
0x49: {  	[tilespmem:$0x52A0] =	vst v1  }
0x4a: {  	[tilespmem:$0x52B0] =	vst v1  }
0x4b: {  	[tilespmem:$0x52C0] =	vst v1  }
0x4c: {  	[tilespmem:$0x52D0] =	vst v1  }
0x4d: {  	[tilespmem:$0x52E0] =	vst v1  }
0x4e: {  	[tilespmem:$0x52F0] =	vst v1  }
0x4f: {  	[spmem:s6] =	stream.linear.scatter [tilespmem:s11], [sflag:$0x2], $0x280, $0x38;
	[tilespmem:$0x5580] =	vst v63  }
0x50: {  	_ =	swait.ge [sflag:s10], $0x280  }
0x51: {  	p2 =	sne.s32 s4, $0x1;
	[sflag:s10] =	ssyncset.done $0x0  }
.Ltmp2:
0x52: {  	p1 =	por $0x1, $0x1;
	[sflag:s10] =	ssyncadd.s32 $0xFFFFFD80;
	(pc) =	sbr.rel @!p2 .LBB2_3-.Ltmp2, $4  }
0x53: {  	s22 =	simm.s32 @!p1 $0x1;
	[bflag:$0x0] =	sbarrier.arrive $0xFFFF  }
0x54: {  	[spmem:s2] =	stream.indirect.scatter.add.f32 [tilespmem:s13], [sflag:$0x1], $0x1, s3, s12, $0xb8;
	[tilespmem:$0x5580] =	vst v63  }
0x55: {  	_ =	swait.ge @!p1 [sflag:s22], $0x70  }
0x56: {  	s20 =	simm.s32 $0x1;
	s21 =	simm.s32 $0x0;
	[sflag:s22] =	ssyncset.done @!p1 $0x0  }
.LBB2_2:
0x57: {  	[sflag:s22] =	ssyncadd.s32 @!p1 $0xFFFFFF90  }
0x58: {  	s21 =	sadd.s32 $0x80, s21;
	s22 =	smov.u32 s20;
	s20 =	sadd.s32 $0x1, s20  }
0x59: {  	p2 =	sne.s32 s4, s20  }
0x5a: {  	[spmem:s2] =	stream.indirect.scatter.add.f32 [tilespmem:s13], [sflag:$0x1], $0x1, s21, s12, $0xb8;
	[tilespmem:$0x5580] =	vst v63  }
.Ltmp3:
0x5b: {  	_ = 	snop;
	(pc) =	sbr.rel @p2 .LBB2_2-.Ltmp3, $4  }
0x5c: {  	p1 =	slt.u32 s22, $0x40  }
0x5d: {  	s22 =	simm.s32 @!p1 $0x1  }
0x5e: {  	_ =	swait.ge @!p1 [sflag:s22], $0x70  }
0x5f: {  	[sflag:s22] =	ssyncset.done @!p1 $0x0  }
.LBB2_3:
.Ltmp4:
0x60: {  	(pc) =	sbr.rel @p0 .LBB2_7-.Ltmp4, $2  }
0x61: {  	_ =	sdelay $0x2  }
0x62: {  	[sflag:s22] =	ssyncadd.s32 @!p1 $0xFFFFFF90  }
0x63: {  	p1 =	sne.s32 s9, $0x1  }
.Ltmp5:
0x64: {  	_ = 	snop;
	(pc) =	sbr.rel @!p1 .LBB2_6-.Ltmp5, $3  }
0x65: {  	_ =	sdelay $0x1  }
0x66: {  	_ =	swait.ge [sflag:s14], $0x70  }
0x67: {  	s20 =	sadd.s32 $0xFFFFFFFF, s9;
	[sflag:s14] =	ssyncset.done $0x0  }
.LBB2_5:
0x68: {  	p1 =	sne.s32 s20, $0x1;
	s20 =	sadd.s32 $0xFFFFFFFF, s20;
	[sflag:s14] =	ssyncadd.s32 $0xFFFFFF90  }
.Ltmp6:
0x69: {  	(pc) =	sbr.rel @p1 .LBB2_5-.Ltmp6, $3  }
0x6a: {  	_ =	sdelay $0x1  }
0x6b: {  	_ =	swait.ge [sflag:s14], $0x70  }
0x6c: {  	[sflag:s14] =	ssyncset.done $0x0  }
.Ltmp7:
0x6d: {  	_ = 	snop;
	(pc) =	sbr.rel .LBB2_6-.Ltmp7, $1  }
0x6e: {  	_ =	sdelay $0x3  }
.LBB2_8:
0x6f: {  	_ =	sfence.sel $0x180000  }
0x70: {  	[bflag:$0x0] =	sbarrier.arrive $0xFFFF  }
0x71: {  	p0 =	sne.s32 s0, $0x0;
	_ =	strace $0x90000047  }
0x72: {  	s0 =	sadd.s32 @!p0 $0x100000, s1;
	[bflag:$0x2] =	sbarrier.arrive $0xFFFF  }
0x73: {  	[sflag:s0] =	ssyncadd.tile.s32 @!p0 $0x1;
	_ =	shalt  }
.Lfunc_end2:
_tile_overlayer_lowered:
.L_overlay_start_2:
0x74: {  	(tag) =	ssettag $0x2  }
0x75: {  	s0 =	rddreg [dreg:$0x0];
	s2 =	stileid.u32  }
0x76: {  	s1 =	rddreg [dreg:$0x1];
	p0 =	sne.s32 s2, $0x0  }
0x77: {  	s3 =	rddreg [dreg:$0x2];
	[bflag:$0x3] =	sbarrier.arrive $0xFFFF;
	s2 =	simm.s32 @!p0 $0x1C02  }
0x78: {  	[timem:s3], [sflag:s2] =	dma.local @!p0 [hbm:s0], s1  }
0x79: {  	s0 =	simm.s32 @!p0 $0x2  }
0x7a: {  	_ =	swait.ge @!p0 [sflag:s0], s1  }
0x7b: {  	s1 =	ssub.s32 @!p0 $0x0, s1;
	[sflag:s0] =	ssyncset.done @!p0 $0x0  }
0x7c: {  	[sflag:s0] =	ssyncadd.s32 @!p0 s1  }
0x7d: {  	[bflag:$0x3] =	sbarrier.arrive $0xFFFF  }
0x7e: {  	_ =	shalt  }

// kernel: kernel.9.cloned.1.call-start
scs
__scs_entry_jumppad:
0x0: {  	(pc) =	sbr.rel $0x88, $3  }
0x1: {  	(tag) =	ssettag $0x0;
	lr =	simm.s32 $0x1  }
0x2: {  	[smem:$0x3F9C] =	sst lr;
	_ =	strace $0xD0000000  }
0x3: {  	_ = 	snop  }
0x4: {  	_ = 	snop  }
0x5: {  	_ = 	snop  }
0x6: {  	_ = 	snop  }
0x7: {  	_ = 	snop  }
__scs_overlays_trampoline_lowered:
0x8: {  	[smem:$0x3FAB] =	sst s0  }
0x9: {  	[smem:$0x3FAC] =	sst s1  }
0xa: {  	[smem:$0x3FAD] =	sst s2  }
0xb: {  	[smem:$0x3FAE] =	sst s3  }
0xc: {  	[smem:$0x3FAF] =	sst s4  }
0xd: {  	[smem:$0x3FB0] =	sst s5  }
0xe: {  	[smem:$0x3FB1] =	sst s6  }
0xf: {  	[smem:$0x3FB2] =	sst s7  }
0x10: {  	[smem:$0x3FB3] =	sst s8  }
0x11: {  	[smem:$0x3FB4] =	sst s9;
	s0 =	simm.s32 @!p0 $0x0  }
0x12: {  	s1 =	sld [smem:$0x3F9A];
	s0 =	simm.s32 @p0 $0x1  }
0x13: {  	[smem:$0x3FB5] =	sst s0;
	s0 =	simm.s32 @!p1 $0x0  }
0x14: {  	s2 =	sld [smem:$0x3F99];
	s0 =	simm.s32 @p1 $0x1  }
0x15: {  	[smem:$0x3FB6] =	sst s0;
	s0 =	simm.s32 @!p2 $0x0  }
0x16: {  	s3 =	sld [smem:$0x3FDB];
	s0 =	simm.s32 @p2 $0x1  }
0x17: {  	s4 =	simm.s32 $0x1BF5;
	[smem:$0x3FB8] =	sst s0  }
0x18: {  	s0 =	sld [smem:$0x3F9B];
	_ =	swait.ge [sflag:s4], $0x0  }
0x19: {  	s7 =	sld [smem:$0x3F9C]  }
0x1a: {  	s8 =	sadd.s32 $0xFFFFE003, lr  }
0x1b: {  	s9 =	sadd.s32 $0xFFFFFEF7, lr;
	s5 =	simm.s32 $0xFFFFFFFF;
	p2 =	slt.u32 s8, $0xFFFFF086  }
0x1c: {  	p1 =	slt.u32 s9, $0xF7A;
	s5 =	simm.s32 @!p2 $0x0  }
0x1d: {  	s5 =	simm.s32 @p1 $0x1;
	p0 =	seq.s32 s7, s2  }
0x1e: {  	s7 =	smul.u32 @!p0 $0xF7A, s2;
	p2 =	seq.s32 @!p0 s5, $0x0  }
0x1f: {  	s9 =	smul.u32 $0xF7A, s1;
	s8 =	simm.s32 @!p0 $0x1BF5;
	p2 =	por !p2, p0  }
0x20: {  	[sflag:s8] =	ssyncset.s32 @!p0 $0xFFFFF086;
	s6 =	sadd.s32 @!p0 s3, s7;
	s7 =	simm.s32 @!p0 $0x108  }
0x21: {  	s3 =	sadd.s32 s3, s9;
	s6 =	sadd.s32 @!p0 $0x88, s6;
	s7 =	simm.s32 @p2 $0x1082  }
0x22: {  	[simem:s7], [sflag:s8] =	dma.local @!p0 [hbm:s6], $0xF7A  }
0x23: {  	s9 =	sor.u32 $0xD0000000, s2;
	s6 =	simm.s32 $0x108;
	_ =	swait.ge @!p0 [sflag:s8], $0x0  }
0x24: {  	s3 =	sadd.s32 $0x88, s3;
	s6 =	simm.s32 @!p1 $0x1082;
	[sflag:s4] =	ssyncset.s32 $0xFFFFF086  }
0x25: {  	[simem:s6], [sflag:s4] =	dma.local [hbm:s3], $0xF7A  }
0x26: {  	[smem:$0x3F9C] =	sst s1;
	(tag) =	ssettag s2;
	_ =	strace s9  }
0x27: {  	s1 =	sld [smem:$0x3FAC]  }
0x28: {  	s2 =	sld [smem:$0x3FAD]  }
0x29: {  	s4 =	sld [smem:$0x3FAF]  }
0x2a: {  	p0 =	seq.s32 s5, $0x0;
	s5 =	sld [smem:$0x3FB0]  }
0x2b: {  	s6 =	sld [smem:$0x3FB1]  }
0x2c: {  	s7 =	sld [smem:$0x3FB2]  }
0x2d: {  	s3 =	simm.s32 $0x108;
	s8 =	sld [smem:$0x3FB3]  }
0x2e: {  	s3 =	simm.s32 @!p0 $0x1082;
	s9 =	sld [smem:$0x3FB4]  }
0x2f: {  	lr =	sadd.s32 s0, s3;
	s0 =	sld [smem:$0x3FAB]  }
0x30: {  	s3 =	sld [smem:$0x3FAE]  }
0x31: {  	[smem:$0x3FB7] =	sst s10  }
0x32: {  	s10 =	sld [smem:$0x3FB5];
	_ =	sdelay $0x3  }
0x33: {  	p0 =	seq.s32 s10, $0x1;
	s10 =	sld [smem:$0x3FB7];
	_ =	sdelay $0x3  }
0x34: {  	[smem:$0x3FB7] =	sst s10  }
0x35: {  	s10 =	sld [smem:$0x3FB6];
	_ =	sdelay $0x3  }
0x36: {  	p1 =	seq.s32 s10, $0x1;
	s10 =	sld [smem:$0x3FB7];
	_ =	sdelay $0x3  }
0x37: {  	[smem:$0x3FB7] =	sst s10  }
0x38: {  	s10 =	sld [smem:$0x3FB8]  }
0x39: {  	_ = 	snop;
	(pc) =	sbr.ind lr, $3  }
0x3a: {  	_ = 	snop  }
0x3b: {  	_ = 	snop  }
0x3c: {  	p2 =	seq.s32 s10, $0x1;
	s10 =	sld [smem:$0x3FB7]  }
0x3d: {  	_ =	shalt  }
0x3e: {  	_ =	shalt  }
0x3f: {  	_ =	shalt  }
0x40: {  	_ =	shalt  }
0x41: {  	_ =	shalt  }
0x42: {  	_ =	shalt  }
0x43: {  	_ =	shalt  }
0x44: {  	_ =	shalt  }
0x45: {  	_ =	shalt  }
0x46: {  	_ =	shalt  }
0x47: {  	_ =	shalt  }
0x48: {  	_ =	shalt  }
0x49: {  	_ =	shalt  }
0x4a: {  	_ =	shalt  }
0x4b: {  	_ =	shalt  }
0x4c: {  	_ =	shalt  }
0x4d: {  	_ =	shalt  }
0x4e: {  	_ =	shalt  }
0x4f: {  	_ =	shalt  }
0x50: {  	_ =	shalt  }
0x51: {  	_ =	shalt  }
0x52: {  	_ =	shalt  }
0x53: {  	_ =	shalt  }
0x54: {  	_ =	shalt  }
0x55: {  	_ =	shalt  }
0x56: {  	_ =	shalt  }
0x57: {  	_ =	shalt  }
0x58: {  	_ =	shalt  }
0x59: {  	_ =	shalt  }
0x5a: {  	_ =	shalt  }
0x5b: {  	_ =	shalt  }
0x5c: {  	_ =	shalt  }
0x5d: {  	_ =	shalt  }
0x5e: {  	_ =	shalt  }
0x5f: {  	_ =	shalt  }
0x60: {  	_ =	shalt  }
0x61: {  	_ =	shalt  }
0x62: {  	_ =	shalt  }
0x63: {  	_ =	shalt  }
0x64: {  	_ =	shalt  }
0x65: {  	_ =	shalt  }
0x66: {  	_ =	shalt  }
0x67: {  	_ =	shalt  }
0x68: {  	_ =	shalt  }
0x69: {  	_ =	shalt  }
0x6a: {  	_ =	shalt  }
0x6b: {  	_ =	shalt  }
0x6c: {  	_ =	shalt  }
0x6d: {  	_ =	shalt  }
0x6e: {  	_ =	shalt  }
0x6f: {  	_ =	shalt  }
0x70: {  	_ =	shalt  }
0x71: {  	_ =	shalt  }
0x72: {  	_ =	shalt  }
0x73: {  	_ =	shalt  }
0x74: {  	_ =	shalt  }
0x75: {  	_ =	shalt  }
0x76: {  	_ =	shalt  }
0x77: {  	_ =	shalt  }
0x78: {  	_ =	shalt  }
0x79: {  	_ =	shalt  }
0x7a: {  	_ =	shalt  }
0x7b: {  	_ =	shalt  }
0x7c: {  	_ =	shalt  }
0x7d: {  	_ =	shalt  }
0x7e: {  	_ =	shalt  }
0x7f: {  	_ =	shalt  }
0x80: {  	_ =	shalt  }
0x81: {  	_ =	shalt  }
0x82: {  	_ =	shalt  }
0x83: {  	_ =	shalt  }
0x84: {  	_ =	shalt  }
0x85: {  	_ =	shalt  }
0x86: {  	_ =	shalt  }
0x87: {  	_ =	shalt  }
.Lfunc_end0:
.L_simem_size_0:
called_computation.1_lowered:
.L_overlay_start_0:
0x88: {  	s2 =	sld [smem:$0x3FD9]  }
0x89: {  	s3 =	sld [smem:$0x3FFE];
	_ =	sdelay $0x1  }
0x8a: {  	s1 =	srdreg.scid  }
0x8b: {  	s0 =	sand.u32 $0x1, s1  }
0x8c: {  	s17 =	sshll.u32 s0, $0xA;
	s2 =	sadd.s32 s3, s2  }
0x8d: {  	s2 =	sadd.s32 s2, s17  }
0x8e: {  	[smem:$0x3FC3] =	sst s2  }
0x8f: {  	_ = 	snop  }
0x90: {  	s2 =	sld [smem:$0x3FD0];
	(tm) =	ssettm $0x1  }
0x91: {  	s18 =	sld [smem:$0x3FFB];
	_ =	sdelay $0x3  }
0x92: {  	_ =	strace s18  }
0x93: {  	s3 =	sld [smem:$0x3FFC];
	_ =	sdelay $0x3  }
0x94: {  	_ =	strace s3  }
0x95: {  	s3 =	sld [smem:$0x3FFD];
	_ =	sdelay $0x3  }
0x96: {  	_ =	strace s3  }
0x97: {  	_ =	strace $0x8FFFFFFF  }
0x98: {  	s19 =	sld [smem:$0x3FDB];
	_ =	sdelay $0x1  }
0x99: {  	s4 =	simm.s32 $_scs_section_size  }
0x9a: {  	s5 =	simm.s32 $_size__tile_overlayer_lowered;
	s6 =	simm.s32 $_tile_overlayer_lowered  }
0x9b: {  	s22 =	simm.s32 $0x1BFF;
	s21 =	sshll.u32 s6, $0x1;
	s3 =	sadd.s32 s4, s19  }
0x9c: {  	s7 =	simm.s32 $0x0;
	s20 =	sshll.u32 s5, $0x1;
	s5 =	sadd.s32 s21, s3  }
0x9d: {  	[timem:s7], [sflag:s22] =	dma.local [hbm:s5], s20  }
0x9e: {  	_ =	swait.ge [sflag:s22], s20  }
0x9f: {  	s4 =	ssub.s32 $0x0, s20;
	[sflag:s22] =	ssyncset.done $0x0  }
0xa0: {  	[sflag:s22] =	ssyncadd.s32 s4;
	_ =	sdelay $0x1  }
0xa1: {  	s23 =	simm.s32 $0x1B8B  }
0xa2: {  	_ =	swait.ge [sflag:s23], $0x1  }
0xa3: {  	[sflag:s23] =	ssyncset.done $0x0  }
0xa4: {  	s25 =	simm.s32 $0x1B8E;
	s24 =	sld [smem:$0x3FFE];
	[sflag:s23] =	ssyncadd.s32 $0xFFFFFFFF  }
0xa5: {  	s26 =	simm.s32 $execute0_lowered;
	[smem:$0x3FD2] =	sst s25  }
0xa6: {  	s5 =	sshll.u32 s26, $0x1;
	_ =	strace $0x80000049;
	[dreg:$0x1] =	wrdreg $0xFFFFFFFF  }
0xa7: {  	s28 =	simm.s32 $_size_execute0_lowered;
	s3 =	sadd.s32 s3, s5;
	[dreg:$0x0] =	wrdreg $0x0  }
0xa8: {  	s5 =	sshll.u32 s28, $0x1;
	[dreg:$0x2] =	wrdreg s3  }
0xa9: {  	[dreg:$0x3] =	wrdreg s5  }
0xaa: {  	[dreg:$0x4] =	wrdreg $0xC0  }
0xab: {  	_ =	task [dreg:s7], $0x5FFFF  }
0xac: {  	[dreg:$0x1] =	wrdreg $0xFFFFFFFF  }
0xad: {  	[dreg:$0x0] =	wrdreg $0x60  }
0xae: {  	[dreg:$0x2] =	wrdreg s2  }
0xaf: {  	[dreg:$0x3] =	wrdreg s24  }
0xb0: {  	[dreg:$0x4] =	wrdreg $0xAC000  }
0xb1: {  	[dreg:$0x5] =	wrdreg $0x9  }
0xb2: {  	_ =	task.clear_ibuf [dreg:s7], $0x6FFFF;
	_ =	strace $0x90000049  }
0xb3: {  	s29 =	simm.s32 $0x9;
	_ =	strace $0x8000004B  }
0xb4: {  	_ =	swait.ge [sflag:s29], $0x1  }
0xb5: {  	[sflag:s29] =	ssyncadd.s32 $0xFFFFFFFF  }
0xb6: {  	_ =	strace $0x9000004B  }
0xb7: {  	_ =	sfence  }
0xb8: {  	s30 =	sld [smem:$0x0];
	_ =	sdelay $0x2  }
0xb9: {  	s31 =	sshll.u32 s1, $0xD;
	s1 =	sshrl.u32 s1, $0x2  }
0xba: {  	s3 =	sand.u32 $0x4000, s31;
	s1 =	sadd.s32 s1, s30  }
0xbb: {  	s0 =	sor.u32 s3, s0;
	s1 =	sshll.u32 s1, $0x11  }
0xbc: {  	s0 =	sor.u32 s1, s0  }
0xbd: {  	s0 =	sadd.s32 $0x8F2B, s0  }
0xbe: {  	[sflag:s0] =	ssyncadd.remote.s32 $0x1  }
0xbf: {  	_ =	sfence.sel $0xFFFF  }
0xc0: {  	[dreg:$0x0] =	wrdreg $0xFFFFFFFF;
	(pc) =	sbr.abs _section_cstart, $3  }
0xc1: {  	[dreg:$0x1] =	wrdreg $0xFFFFFFFF  }
0xc2: {  	_ =	task.clear_ibuf [dreg:s7], $0x2FFFF;
	_ =	strace $0x9FFFFFFF  }
0xc3: {  	(tm) =	ssettm $0x7FFFFFFF  }
tec
execute0_lowered:
.L_overlay_start_1:
0x0: {  	(tag) =	ssettag $0x1  }
0x1: {  	s0 =	rddreg [dreg:$0x0]  }
0x2: {  	s1 =	rddreg [dreg:$0x1];
	s2 =	srdreg.scid  }
0x3: {  	s3 =	rddreg [dreg:$0x2];
	s10 =	stileid.u32;
	s5 =	simm.s32 $0x0  }
0x4: {  	s30 =	simm.s32 $0x4;
	s31 =	simm.s32 $0x70;
	s6 =	smul.u32 $0x13C00, s10  }
0x5: {  	s28 =	simm.s32 $0x2;
	s29 =	simm.s32 $0x3;
	s7 =	smul.u32 $0x4F000, s10  }
0x6: {  	s2 =	sand.u32 $0x1, s2;
	[smem:$0x7FF] =	sst s5;
	s10 =	smul.u32 $0x5000, s10  }
0x7: {  	s5 =	sadd.s32 $0x14E00, s1;
	s4 =	smul.u32 $0x13C000, s2;
	_ =	strace $0x8000004A  }
0x8: {  	s9 =	ssub.s32 $0x2, s2;
	p0 =	seq.s32 s2, $0x0;
	s2 =	smul.u32 $0x50000, s2  }
0x9: {  	s14 =	sshrl.u32 s9, $0x1;
	s8 =	sshrl.u32 s7, $0x2;
	s7 =	simm.s32 $0x9F  }
0xa: {  	s4 =	sadd.s32 s6, s4;
	s6 =	sadd.s32 $0xE00, s1;
	s8 =	sadd.s32 s8, s3  }
0xb: {  	s7 =	simm.s32 @!p0 $0x15;
	s12 =	sadd.s32 s10, s2;
	s15 =	sadd.s32 $0x3800, s8  }
0xc: {  	s4 =	sshrl.u32 s4, $0x3;
	s16 =	sadd.s32 $0x7000, s8;
	[dreg:$0x6] =	wrdreg s15  }
0xd: {  	s17 =	sadd.s32 $0xA800, s8;
	s18 =	sadd.s32 $0xE000, s8;
	[dreg:$0x7] =	wrdreg s16  }
0xe: {  	s19 =	sadd.s32 $0x11800, s8;
	s20 =	sshrl.u32 s12, $0x3;
	[dreg:$0x8] =	wrdreg s17  }
0xf: {  	s23 =	smul.u32 $0xAB, s7;
	s26 =	sadd.s32 $0xFFFFFFFE, s7;
	[dreg:$0x9] =	wrdreg s18  }
0x10: {  	s1 =	sadd.s32 s4, s1;
	s4 =	ssub.s32 s9, s14;
	[dreg:$0xa] =	wrdreg s19  }
0x11: {  	s21 =	sadd.s32 s5, s20;
	s22 =	sor.u32 $0x10, s20;
	[dreg:$0x4] =	wrdreg s26  }
0x12: {  	s11 =	sadd.s32 s6, s20;
	s2 =	sor.u32 $0x20, s20;
	[dreg:$0xb] =	wrdreg s21  }
0x13: {  	s26 =	simm.s32 $0x80;
	[dreg:$0xc] =	wrdreg s11;
	s24 =	sadd.s32 s5, s22  }
0x14: {  	s9 =	sadd.s32 s6, s22;
	s19 =	sadd.s32 s5, s2;
	s25 =	sshrl.u32 s23, $0x9  }
0x15: {  	s20 =	sadd.s32 s6, s2;
	s21 =	sadd.s32 $0x78E00, s1;
	s22 =	smax.u32 s4, $0x1  }
0x16: {  	s23 =	simm.s32 $0x400;
	[dreg:$0xe] =	wrdreg s9;
	s9 =	smul.u32 $0x3, s25  }
0x17: {  	s1 =	simm.s32 $0x5;
	s2 =	simm.s32 $0x0;
	[dreg:$0xd] =	wrdreg s24  }
0x18: {  	v0 =	vimm.f32 $0.0e+00;
	s24 =	simm.s32 $0xA;
	s25 =	simm.s32 $0x1;
	[dreg:$0x5] =	wrdreg s9  }
.LBB2_1:
0x19: {  	s9 =	simm.s32 $0x0  }
0x1a: {  	s4 =	sand.u32 $0xFE00, s9  }
0x1b: {  	s9 =	sand.u32 $0x70, s9;
	s10 =	sshrl.u32 s4, $0x2  }
0x1c: {  	s4 =	simm.s32 $0x40;
	s10 =	sor.u32 s9, s10;
	s9 =	simm.s32 $0x0  }
.LBB2_2:
0x1d: {  	p0 =	sne.s32 s4, $0xDFC0  }
0x1e: {  	[tilespmem:s10+$0x400] =	vst v0;
	s9 =	sadd.s32 $0x10, s9;
	s10 =	smov.u32 s4;
	s4 =	sadd.s32 $0x40, s4  }
.Ltmp0:
0x1f: {  	(pc) =	sbr.rel @p0 .LBB2_2-.Ltmp0, $4  }
0x20: {  	_ = 	snop  }
0x21: {  	s10 =	sand.u32 $0xFE00, s10  }
0x22: {  	s11 =	sand.u32 $0x70, s9;
	s10 =	sshrl.u32 s10, $0x2  }
0x23: {  	s10 =	sor.u32 s11, s10  }
0x24: {  	[tilespmem:s10+$0x400] =	vst v0  }
0x25: {  	[spmem:s8] =	stream.linear.scatter [tilespmem:s23], [sflag:$0xA], $0x3800, $0x38;
	[tilespmem:$0x1E800] =	vst v63  }
0x26: {  	_ =	swait.ge [sflag:s24], $0x3800  }
0x27: {  	[sflag:s24] =	ssyncset.done $0x0  }
0x28: {  	s4 =	rddreg [dreg:$0x6];
	[sflag:s24] =	ssyncadd.s32 $0xFFFFC800  }
0x29: {  	[spmem:s4] =	stream.linear.scatter [tilespmem:s23], [sflag:$0xA], $0x3800, $0x38;
	[tilespmem:$0x1E800] =	vst v63  }
0x2a: {  	_ =	swait.ge [sflag:s24], $0x3800  }
0x2b: {  	[sflag:s24] =	ssyncset.done $0x0  }
0x2c: {  	s16 =	rddreg [dreg:$0x7];
	[sflag:s24] =	ssyncadd.s32 $0xFFFFC800  }
0x2d: {  	[spmem:s16] =	stream.linear.scatter [tilespmem:s23], [sflag:$0xA], $0x3800, $0x38;
	[tilespmem:$0x1E800] =	vst v63  }
0x2e: {  	_ =	swait.ge [sflag:s24], $0x3800  }
0x2f: {  	[sflag:s24] =	ssyncset.done $0x0  }
0x30: {  	s17 =	rddreg [dreg:$0x8];
	[sflag:s24] =	ssyncadd.s32 $0xFFFFC800  }
0x31: {  	[spmem:s17] =	stream.linear.scatter [tilespmem:s23], [sflag:$0xA], $0x3800, $0x38;
	[tilespmem:$0x1E800] =	vst v63  }
0x32: {  	_ =	swait.ge [sflag:s24], $0x3800  }
0x33: {  	[sflag:s24] =	ssyncset.done $0x0  }
0x34: {  	s18 =	rddreg [dreg:$0x9];
	[sflag:s24] =	ssyncadd.s32 $0xFFFFC800  }
0x35: {  	[spmem:s18] =	stream.linear.scatter [tilespmem:s23], [sflag:$0xA], $0x3800, $0x38;
	[tilespmem:$0x1E800] =	vst v63  }
0x36: {  	_ =	swait.ge [sflag:s24], $0x3800  }
0x37: {  	[sflag:s24] =	ssyncset.done $0x0  }
0x38: {  	s9 =	rddreg [dreg:$0xa];
	[sflag:s24] =	ssyncadd.s32 $0xFFFFC800  }
0x39: {  	[spmem:s9] =	stream.linear.scatter [tilespmem:s23], [sflag:$0xA], $0x2400, $0x38;
	[tilespmem:$0x1E800] =	vst v63  }
0x3a: {  	_ =	swait.ge [sflag:s24], $0x2400  }
0x3b: {  	[sflag:s24] =	ssyncset.done $0x0  }
0x3c: {  	[sflag:s24] =	ssyncadd.s32 $0xFFFFDC00  }
0x3d: {  	[bflag:$0x0] =	sbarrier.arrive $0xFFFF  }
0x3e: {  	s9 =	simm.s32 $0x0;
	s10 =	rddreg [dreg:$0xb]  }
0x3f: {  	[tilespmem:s9], [sflag:$0x4] =	stream.linear.gather [hbm4b:s10+s9], $0x80, $0x38;
	[tilespmem:$0x1E800] =	vst v63  }
0x40: {  	s13 =	simm.s32 $0x200;
	s11 =	rddreg [dreg:$0xc]  }
0x41: {  	[tilespmem:s13], [sflag:$0x7] =	stream.linear.gather [hbm4b:s11+s9], $0x80, $0x38;
	[tilespmem:$0x1E800] =	vst v63  }
0x42: {  	s14 =	rddreg [dreg:$0xd]  }
0x43: {  	[tilespmem:s26], [sflag:$0x5] =	stream.linear.gather [hbm4b:s14+s9], $0x80, $0x38;
	[tilespmem:$0x1E800] =	vst v63  }
0x44: {  	s4 =	simm.s32 $0x280;
	s15 =	rddreg [dreg:$0xe]  }
0x45: {  	[tilespmem:s4], [sflag:$0x8] =	stream.linear.gather [hbm4b:s15+s9], $0x80, $0x38;
	[tilespmem:$0x1E800] =	vst v63  }
0x46: {  	s16 =	simm.s32 $0x100  }
0x47: {  	[tilespmem:s16], [sflag:$0x6] =	stream.linear.gather [hbm4b:s19+s9], $0x80, $0x38;
	[tilespmem:$0x1E800] =	vst v63  }
0x48: {  	s17 =	simm.s32 $0x300  }
0x49: {  	[tilespmem:s17], [sflag:$0x9] =	stream.linear.gather [hbm4b:s20+s9], $0x80, $0x38;
	[tilespmem:$0x1E800] =	vst v63  }
0x4a: {  	_ =	swait.ge [sflag:s30], $0x80  }
0x4b: {  	[sflag:s30] =	ssyncset.done $0x0  }
0x4c: {  	[sflag:s30] =	ssyncadd.s32 $0xFFFFFF80  }
0x4d: {  	[tilespmem:s23], [sflag:$0x1] =	stream.indirect.gather [hbm4b:s0+s31], $0x80, s9, s31, $0xb8;
	[tilespmem:$0x1E800] =	vst v63  }
0x4e: {  	_ =	swait.ge [sflag:s1], $0x80  }
0x4f: {  	[sflag:s1] =	ssyncset.done $0x0  }
0x50: {  	s18 =	simm.s32 $0x3C00;
	[sflag:s1] =	ssyncadd.s32 $0xFFFFFF80  }
0x51: {  	[tilespmem:s18], [sflag:$0x2] =	stream.indirect.gather [hbm4b:s0+s31], $0x80, s26, s31, $0xb8;
	[tilespmem:$0x1E800] =	vst v63  }
.LBB2_4:
0x52: {  	s10 =	rddreg [dreg:$0x4]  }
0x53: {  	p0 =	sge.u32 s9, s10  }
0x54: {  	s10 =	simm.s32 @!p0 $0x6  }
0x55: {  	_ =	swait.ge @!p0 [sflag:s10], $0x80  }
0x56: {  	s11 =	simm.s32 @!p0 $0x100;
	[sflag:s10] =	ssyncset.done @!p0 $0x0  }
0x57: {  	s13 =	simm.s32 @!p0 $0x7400;
	[sflag:s10] =	ssyncadd.s32 @!p0 $0xFFFFFF80;
	s10 =	simm.s32 @!p0 $0x70  }
0x58: {  	[tilespmem:s13], [sflag:$0x3] =	stream.indirect.gather @!p0 [hbm4b:s0+s10], $0x80, s11, s10, $0xb8;
	[tilespmem:$0x1E800] =	vst v63  }
0x59: {  	s10 =	sadd.s32 $0x3, s9;
	_ =	swait.ge [sflag:s25], $0x3800  }
0x5a: {  	p0 =	sge.u32 s10, s7;
	[sflag:s25] =	ssyncset.done $0x0  }
0x5b: {  	s11 =	simm.s32 @p0 $0x7;
	[sflag:s25] =	ssyncadd.s32 $0xFFFFC800  }
0x5c: {  	_ =	swait.ge @p0 [sflag:s11], $0x80  }
0x5d: {  	s13 =	simm.s32 @p0 $0x200;
	[sflag:s11] =	ssyncset.done @p0 $0x0  }
0x5e: {  	s14 =	simm.s32 @p0 $0x400;
	[sflag:s11] =	ssyncadd.s32 @p0 $0xFFFFFF80;
	s11 =	simm.s32 @p0 $0x70  }
0x5f: {  	[spmem:s3] =	stream.indirect.scatter.add.f32 @p0 [tilespmem:s14], [sflag:$0xA], $0x80, s13, s11, $0xb8;
	[tilespmem:$0x1E800] =	vst v63  }
0x60: {  	s11 =	sadd.s32 @!p0 $0xFFFFFF00, s4  }
0x61: {  	s13 =	sand.u32 @!p0 $0x7FFFFC00, s11  }
0x62: {  	s14 =	simm.s32 @p0 $0xA;
	s11 =	sand.u32 @!p0 $0x380, s11;
	s13 =	sadd.s32 @!p0 s12, s13  }
0x63: {  	_ =	swait.ge @p0 [sflag:s14], $0x3800;
	s11 =	sor.u32 @!p0 s11, s13  }
0x64: {  	[sflag:s14] =	ssyncset.done @p0 $0x0;
	s11 =	sshrl.u32 @!p0 s11, $0x3  }
0x65: {  	[sflag:s14] =	ssyncadd.s32 @p0 $0xFFFFC800;
	s14 =	simm.s32 @!p0 $0x0;
	s13 =	sadd.s32 @!p0 s5, s11  }
0x66: {  	[tilespmem:s14], [sflag:$0x4] =	stream.linear.gather @!p0 [hbm4b:s13+s14], $0x80, $0x38;
	[tilespmem:$0x1E800] =	vst v63  }
0x67: {  	s13 =	simm.s32 @!p0 $0x7  }
0x68: {  	_ =	swait.ge @!p0 [sflag:s13], $0x80  }
0x69: {  	s15 =	simm.s32 @!p0 $0x200;
	s16 =	simm.s32 @!p0 $0x400;
	[sflag:s13] =	ssyncset.done @!p0 $0x0  }
0x6a: {  	s17 =	simm.s32 @!p0 $0xA;
	[sflag:s13] =	ssyncadd.s32 @!p0 $0xFFFFFF80;
	s13 =	simm.s32 @!p0 $0x70  }
0x6b: {  	[spmem:s3] =	stream.indirect.scatter.add.f32 @!p0 [tilespmem:s16], [sflag:$0xA], $0x80, s15, s13, $0xb8;
	[tilespmem:$0x1E800] =	vst v63  }
0x6c: {  	_ =	swait.ge @!p0 [sflag:s17], $0x3800  }
0x6d: {  	[sflag:s17] =	ssyncset.done @!p0 $0x0  }
0x6e: {  	s11 =	sadd.s32 @!p0 s6, s11;
	[sflag:s17] =	ssyncadd.s32 @!p0 $0xFFFFC800  }
0x6f: {  	[tilespmem:s15], [sflag:$0x7] =	stream.linear.gather @!p0 [hbm4b:s11+s14], $0x80, $0x38;
	[tilespmem:$0x1E800] =	vst v63  }
0x70: {  	s11 =	simm.s32 @!p0 $0x4  }
0x71: {  	_ =	swait.ge @!p0 [sflag:s11], $0x80  }
0x72: {  	[sflag:s11] =	ssyncset.done @!p0 $0x0  }
0x73: {  	[sflag:s11] =	ssyncadd.s32 @!p0 $0xFFFFFF80  }
0x74: {  	[tilespmem:s16], [sflag:$0x1] =	stream.indirect.gather @!p0 [hbm4b:s0+s13], $0x80, s14, s13, $0xb8;
	[tilespmem:$0x1E800] =	vst v63  }
0x75: {  	s16 =	sadd.s32 $0x4, s9;
	_ =	swait.ge [sflag:s28], $0x3800  }
0x76: {  	p0 =	sge.u32 s16, s7;
	[sflag:s28] =	ssyncset.done $0x0  }
0x77: {  	s11 =	simm.s32 @p0 $0x8;
	[sflag:s28] =	ssyncadd.s32 $0xFFFFC800  }
0x78: {  	_ =	swait.ge @p0 [sflag:s11], $0x80  }
0x79: {  	s13 =	simm.s32 @p0 $0x280;
	[sflag:s11] =	ssyncset.done @p0 $0x0  }
0x7a: {  	s14 =	simm.s32 @p0 $0x3C00;
	[sflag:s11] =	ssyncadd.s32 @p0 $0xFFFFFF80;
	s11 =	simm.s32 @p0 $0x70  }
0x7b: {  	[spmem:s3] =	stream.indirect.scatter.add.f32 @p0 [tilespmem:s14], [sflag:$0xA], $0x80, s13, s11, $0xb8;
	[tilespmem:$0x1E800] =	vst v63  }
0x7c: {  	s11 =	sadd.s32 @!p0 $0xFFFFFF80, s4  }
0x7d: {  	s14 =	sand.u32 @!p0 $0x7FFFFC00, s11  }
0x7e: {  	s13 =	simm.s32 @p0 $0xA;
	s11 =	sand.u32 @!p0 $0x380, s11;
	s14 =	sadd.s32 @!p0 s12, s14  }
0x7f: {  	_ =	swait.ge @p0 [sflag:s13], $0x3800;
	s11 =	sor.u32 @!p0 s11, s14  }
0x80: {  	s15 =	simm.s32 @!p0 $0x80;
	[sflag:s13] =	ssyncset.done @p0 $0x0;
	s11 =	sshrl.u32 @!p0 s11, $0x3  }
0x81: {  	[sflag:s13] =	ssyncadd.s32 @p0 $0xFFFFC800;
	s14 =	simm.s32 @!p0 $0x0;
	s13 =	sadd.s32 @!p0 s5, s11  }
0x82: {  	[tilespmem:s15], [sflag:$0x5] =	stream.linear.gather @!p0 [hbm4b:s13+s14], $0x80, $0x38;
	[tilespmem:$0x1E800] =	vst v63  }
0x83: {  	s13 =	simm.s32 @!p0 $0x8  }
0x84: {  	_ =	swait.ge @!p0 [sflag:s13], $0x80  }
0x85: {  	s16 =	simm.s32 @!p0 $0x280;
	s17 =	simm.s32 @!p0 $0x3C00;
	[sflag:s13] =	ssyncset.done @!p0 $0x0  }
0x86: {  	s18 =	simm.s32 @!p0 $0xA;
	[sflag:s13] =	ssyncadd.s32 @!p0 $0xFFFFFF80;
	s13 =	simm.s32 @!p0 $0x70  }
0x87: {  	[spmem:s3] =	stream.indirect.scatter.add.f32 @!p0 [tilespmem:s17], [sflag:$0xA], $0x80, s16, s13, $0xb8;
	[tilespmem:$0x1E800] =	vst v63  }
0x88: {  	_ =	swait.ge @!p0 [sflag:s18], $0x3800  }
0x89: {  	[sflag:s18] =	ssyncset.done @!p0 $0x0  }
0x8a: {  	s11 =	sadd.s32 @!p0 s6, s11;
	[sflag:s18] =	ssyncadd.s32 @!p0 $0xFFFFC800  }
0x8b: {  	[tilespmem:s16], [sflag:$0x8] =	stream.linear.gather @!p0 [hbm4b:s11+s14], $0x80, $0x38;
	[tilespmem:$0x1E800] =	vst v63  }
0x8c: {  	s11 =	simm.s32 @!p0 $0x5  }
0x8d: {  	_ =	swait.ge @!p0 [sflag:s11], $0x80  }
0x8e: {  	[sflag:s11] =	ssyncset.done @!p0 $0x0  }
0x8f: {  	[sflag:s11] =	ssyncadd.s32 @!p0 $0xFFFFFF80  }
0x90: {  	[tilespmem:s17], [sflag:$0x2] =	stream.indirect.gather @!p0 [hbm4b:s0+s13], $0x80, s15, s13, $0xb8;
	[tilespmem:$0x1E800] =	vst v63  }
0x91: {  	s17 =	sadd.s32 $0x5, s9;
	_ =	swait.ge [sflag:s29], $0x3800  }
0x92: {  	p0 =	sge.u32 s17, s7;
	[sflag:s29] =	ssyncset.done $0x0  }
0x93: {  	s9 =	simm.s32 @p0 $0x9;
	[sflag:s29] =	ssyncadd.s32 $0xFFFFC800  }
0x94: {  	_ =	swait.ge @p0 [sflag:s9], $0x80  }
0x95: {  	s11 =	simm.s32 @p0 $0x300;
	[sflag:s9] =	ssyncset.done @p0 $0x0  }
0x96: {  	s13 =	simm.s32 @p0 $0x7400;
	[sflag:s9] =	ssyncadd.s32 @p0 $0xFFFFFF80;
	s9 =	simm.s32 @p0 $0x70  }
0x97: {  	[spmem:s3] =	stream.indirect.scatter.add.f32 @p0 [tilespmem:s13], [sflag:$0xA], $0x80, s11, s9, $0xb8;
	[tilespmem:$0x1E800] =	vst v63  }
0x98: {  	s9 =	simm.s32 @p0 $0xA;
	s11 =	sand.u32 @!p0 $0x7FFFFC00, s4  }
0x99: {  	s13 =	sand.u32 @!p0 $0x380, s4;
	_ =	swait.ge @p0 [sflag:s9], $0x3800;
	s11 =	sadd.s32 @!p0 s12, s11  }
0x9a: {  	[sflag:s9] =	ssyncset.done @p0 $0x0;
	s11 =	sor.u32 @!p0 s13, s11  }
0x9b: {  	[sflag:s9] =	ssyncadd.s32 @p0 $0xFFFFC800;
	s9 =	sshrl.u32 @!p0 s11, $0x3  }
0x9c: {  	s14 =	simm.s32 @!p0 $0x100;
	s13 =	simm.s32 @!p0 $0x0;
	s11 =	sadd.s32 @!p0 s5, s9  }
0x9d: {  	[tilespmem:s14], [sflag:$0x6] =	stream.linear.gather @!p0 [hbm4b:s11+s13], $0x80, $0x38;
	[tilespmem:$0x1E800] =	vst v63  }
0x9e: {  	s11 =	simm.s32 @!p0 $0x9  }
0x9f: {  	_ =	swait.ge @!p0 [sflag:s11], $0x80  }
0xa0: {  	s15 =	simm.s32 @!p0 $0x7400;
	[sflag:s11] =	ssyncset.done @!p0 $0x0  }
0xa1: {  	s14 =	simm.s32 @!p0 $0x300;
	[sflag:s11] =	ssyncadd.s32 @!p0 $0xFFFFFF80;
	s11 =	simm.s32 @!p0 $0x70  }
0xa2: {  	[spmem:s3] =	stream.indirect.scatter.add.f32 @!p0 [tilespmem:s15], [sflag:$0xA], $0x80, s14, s11, $0xb8;
	[tilespmem:$0x1E800] =	vst v63  }
0xa3: {  	s11 =	simm.s32 @!p0 $0xA  }
0xa4: {  	_ =	swait.ge @!p0 [sflag:s11], $0x3800  }
0xa5: {  	[sflag:s11] =	ssyncset.done @!p0 $0x0  }
0xa6: {  	s9 =	sadd.s32 @!p0 s6, s9;
	s18 =	rddreg [dreg:$0x5];
	[sflag:s11] =	ssyncadd.s32 @!p0 $0xFFFFC800  }
0xa7: {  	[tilespmem:s14], [sflag:$0x9] =	stream.linear.gather @!p0 [hbm4b:s9+s13], $0x80, $0x38;
	[tilespmem:$0x1E800] =	vst v63  }
0xa8: {  	p0 =	sne.s32 s18, s10  }
.Ltmp1:
0xa9: {  	_ = 	snop;
	(pc) =	sbr.rel @p0 .LBB2_4-.Ltmp1, $2  }
0xaa: {  	_ =	sdelay $0x2  }
0xab: {  	s4 =	sadd.s32 $0x180, s4;
	s9 =	smov.u32 s10  }
0xac: {  	s4 =	stileid.u32;
	s2 =	sadd.s32 $0x1, s2  }
0xad: {  	[bflag:$0x0] =	sbarrier.arrive $0xFFFF;
	s4 =	sshll.u32 s4, $0x6;
	p0 =	sne.s32 s2, s22  }
.Ltmp2:
0xae: {  	s9 =	sshrl.u32 s8, $0x3;
	s4 =	sor.u32 $0x1C0A, s4;
	(pc) =	sbr.rel @p0 .LBB2_1-.Ltmp2, $4  }
0xaf: {  	[hbm:s21], [sflag:s4] =	dma.local [spmem:s9], $0x2780  }
0xb0: {  	_ =	swait.ge [sflag:s24], $0x2780  }
0xb1: {  	[sflag:s24] =	ssyncset.done $0x0  }
0xb2: {  	[sflag:s24] =	ssyncadd.s32 $0xFFFFD880  }
0xb3: {  	_ =	sfence.sel $0x180000  }
0xb4: {  	[bflag:$0x0] =	sbarrier.arrive $0xFFFF  }
0xb5: {  	_ =	strace $0x9000004A  }
0xb6: {  	s0 =	stileid.u32;
	[bflag:$0x2] =	sbarrier.arrive $0xFFFF  }
0xb7: {  	p0 =	sne.s32 s0, $0x0;
	s0 =	rddreg [dreg:$0x3]  }
0xb8: {  	s0 =	sadd.s32 @!p0 $0x100000, s0  }
0xb9: {  	[sflag:s0] =	ssyncadd.tile.s32 @!p0 $0x1;
	_ =	shalt  }
.Lfunc_end2:
_tile_overlayer_lowered:
.L_overlay_start_2:
0xba: {  	(tag) =	ssettag $0x2  }
0xbb: {  	s0 =	rddreg [dreg:$0x0];
	s2 =	stileid.u32  }
0xbc: {  	s1 =	rddreg [dreg:$0x1];
	p0 =	sne.s32 s2, $0x0  }
0xbd: {  	s3 =	rddreg [dreg:$0x2];
	[bflag:$0x3] =	sbarrier.arrive $0xFFFF;
	s2 =	simm.s32 @!p0 $0x1C0A  }
0xbe: {  	[timem:s3], [sflag:s2] =	dma.local @!p0 [hbm:s0], s1  }
0xbf: {  	s0 =	simm.s32 @!p0 $0xA  }
0xc0: {  	_ =	swait.ge @!p0 [sflag:s0], s1  }
0xc1: {  	s1 =	ssub.s32 @!p0 $0x0, s1;
	[sflag:s0] =	ssyncset.done @!p0 $0x0  }
0xc2: {  	[sflag:s0] =	ssyncadd.s32 @!p0 s1  }
0xc3: {  	[bflag:$0x3] =	sbarrier.arrive $0xFFFF  }
0xc4: {  	_ =	shalt  }

</sc_bundles>
